<compile_context>
chip_gen: v7x
topology: tpu7x:2x2x1
jax: 0.10.2.dev20260603
libtpu: 0.0.44.dev20260713+nightly
codegen_flags: <defaults>
</compile_context>

<pallas_src>
import functools

import jax
import jax.numpy as jnp
from jax import lax
from jax.experimental import pallas as pl
from jax.experimental.pallas import tpu as pltpu
from jax.experimental.pallas import tpu_sc as plsc

_NE = 64
_ALPHA = 0.01
_B = 32768
_K = 2

_NC, _NS, _L = 2, 16, 16
_NW = _NC * _NS
_TOT = _B * _K
_CHUNK = _TOT // _NW
_NCH = _CHUNK // _L

_mesh = plsc.VectorSubcoreMesh(core_axis_name="c", subcore_axis_name="s")


@functools.partial(
    pl.kernel,
    out_type=jax.ShapeDtypeStruct((_NW, _NE), jnp.float32),
    mesh=_mesh,
    scratch_types=[
        pltpu.VMEM((_CHUNK // _K // 2, _K), jnp.int32),
        pltpu.VMEM((_L * _NE,), jnp.float32),
        pltpu.VMEM((_NE,), jnp.float32),
    ],
    compiler_params=pltpu.CompilerParams(needs_layout_passes=False),
)
def _sc_hist(idx_hbm, out_hbm, idx_v, h2_v, h_v):
    wid = lax.axis_index("s") * _NC + lax.axis_index("c")
    base = wid * (_CHUNK // _K)

    zero16 = jnp.zeros((_L,), jnp.float32)
    for j in range(_L * _NE // _L):
        h2_v[pl.ds(j * _L, _L)] = zero16

    lane = lax.iota(jnp.int32, _L)
    row_off = lane // _K
    col_off = lane % _K
    lane_base = lane * _NE
    ones = jnp.ones((_L,), jnp.float32)
    _NCHK = 2
    rows = _CHUNK // _K // _NCHK
    for c in range(_NCHK):
        pltpu.sync_copy(idx_hbm.at[pl.ds(base + c * rows, rows)], idx_v)
        for k in range(_NCH // _NCHK):
            iv = plsc.load_gather(idx_v, [(_L // _K) * k + row_off, col_off])
            plsc.addupdate_scatter(h2_v, [lane_base + iv], ones)

    for j in range(_NE // _L):
        acc = zero16
        for l in range(_L):
            acc = acc + h2_v[pl.ds(l * _NE + j * _L, _L)]
        h_v[pl.ds(j * _L, _L)] = acc
    pltpu.sync_copy(h_v, out_hbm.at[wid])


_ROWS = 8192
_GRID = _B // _ROWS


def _tc_body(probs_ref, hist_ref, out_ref, acc_ref):
    i = pl.program_id(0)

    @pl.when(i == 0)
    def _init():
        acc_ref[...] = jnp.zeros_like(acc_ref)

    acc_ref[...] += jnp.sum(probs_ref[...], axis=0, keepdims=True)

    @pl.when(i == _GRID - 1)
    def _fini():
        counts = jnp.sum(hist_ref[...], axis=0, keepdims=True)
        scale = (_ALPHA * _NE) / (_B * float(_B * _K))
        out_ref[0, 0] = scale * jnp.sum(acc_ref[...] * counts)


def kernel(router_probs, expert_indices):
    idx = expert_indices.astype(jnp.int32)
    hists = _sc_hist(idx)
    out = pl.pallas_call(
        _tc_body,
        grid=(_GRID,),
        in_specs=[
            pl.BlockSpec((_ROWS, _NE), lambda i: (i, 0)),
            pl.BlockSpec((_NW, _NE), lambda i: (0, 0)),
        ],
        out_specs=pl.BlockSpec((1, 1), lambda i: (0, 0),
                               memory_space=pltpu.SMEM),
        out_shape=jax.ShapeDtypeStruct((1, 1), jnp.float32),
        scratch_shapes=[
            pltpu.VMEM((1, _NE), jnp.float32),
        ],
    )(router_probs, hists)
    return out[0, 0]

# --- scband reference (transcript-rebuilt; emitter-appended) ---
"""Pipeline reference for scband-moeload-balancing-loss-57621281243501 (READ-ONLY COPY).

The authoritative reference and input builder live on the scoring server;
editing this copy changes nothing except your own understanding.
"""

import jax, jax.numpy as jnp
import numpy as np

NUM_EXPERTS = 64
ALPHA = 0.01


def setup_inputs(seed: int = 0) -> dict:
    key = jax.random.key(seed)
    k1, k2 = jax.random.split(key)
    router_probs = jax.random.uniform(k1, (32768, NUM_EXPERTS), dtype=jnp.float32)
    expert_indices = jax.random.randint(k2, (32768, 2), 0, NUM_EXPERTS, dtype=jnp.int64)
    return {"router_probs": router_probs, "expert_indices": expert_indices}


def reference(router_probs, expert_indices):
    batch_size = router_probs.shape[0]
    mean_probs = jnp.mean(router_probs, axis=0)
    # Faithful translation of the per-index count loop: a scatter-add histogram.
    expert_counts = jnp.bincount(
        expert_indices.reshape(-1), length=NUM_EXPERTS
    ).astype(jnp.float32)
    expert_freq = expert_counts / (batch_size * expert_indices.shape[1])
    load_balance_loss = NUM_EXPERTS * jnp.sum(mean_probs * expert_freq)
    return ALPHA * load_balance_loss

if __name__ == "__main__":
    import jax
    _d = setup_inputs()
    print(jax.jit(kernel)(*tuple(_d.values())))

</pallas_src>

<mosaic_0001>
#map = affine_map<(d0, d1) -> (0, 0)>
module attributes {stable_mosaic.version = 14 : i64} {
  func.func @_sc_hist(%arg0: i32, %arg1: i32, %arg2: memref<32768x2xi32, #tpu.memory_space<hbm>>, %arg3: memref<32x64xf32, #tpu.memory_space<hbm>>, %arg4: memref<512x2xi32, #tpu.memory_space<vmem>>, %arg5: memref<1024xf32, #tpu.memory_space<vmem>>, %arg6: memref<64xf32, #tpu.memory_space<vmem>>) attributes {dimension_semantics = [#tpu.dimension_semantics<core_parallel>, #tpu.dimension_semantics<subcore_parallel>], iteration_bounds = array<i64: 2, 16>, scalar_prefetch = 0 : i64, scratch_operands = 3 : i64, tpu.core_type = #tpu.core_type<sc_vector_subcore>, window_params = [{transform_indices = #map}, {transform_indices = #map}]} {
    %mul3A = arith.constant 2 : i32
    %mul3A_0 = arith.muli %arg1, %mul3A : i32
    %add3A = arith.addi %mul3A_0, %arg0 : i32
    %mul3A_1 = arith.constant 1024 : i32
    %mul3A_2 = arith.muli %add3A, %mul3A_1 : i32
    %broadcast_in_dim3A = arith.constant 0.000000e+00 : f32
    %broadcast_in_dim3A_3 = vector.broadcast %broadcast_in_dim3A : f32 to vector<16xf32>
    %swap3A = arith.constant 0 : index
    %swap3A_4 = tpu.vector_load %arg5[%swap3A] {strides = array<i32>} : memref<1024xf32, #tpu.memory_space<vmem>>, vector<16xf32>,
    tpu.vector_store %arg5[%swap3A], %broadcast_in_dim3A_3 {strides = array<i32>} : memref<1024xf32, #tpu.memory_space<vmem>>, vector<16xf32>,
    %swap3A_5 = arith.constant 16 : index
    %swap3A_6 = tpu.vector_load %arg5[%swap3A_5] {strides = array<i32>} : memref<1024xf32, #tpu.memory_space<vmem>>, vector<16xf32>,
    tpu.vector_store %arg5[%swap3A_5], %broadcast_in_dim3A_3 {strides = array<i32>} : memref<1024xf32, #tpu.memory_space<vmem>>, vector<16xf32>,
    %swap3A_7 = arith.constant 32 : index
    %swap3A_8 = tpu.vector_load %arg5[%swap3A_7] {strides = array<i32>} : memref<1024xf32, #tpu.memory_space<vmem>>, vector<16xf32>,
    tpu.vector_store %arg5[%swap3A_7], %broadcast_in_dim3A_3 {strides = array<i32>} : memref<1024xf32, #tpu.memory_space<vmem>>, vector<16xf32>,
    %swap3A_9 = arith.constant 48 : index
    %swap3A_10 = tpu.vector_load %arg5[%swap3A_9] {strides = array<i32>} : memref<1024xf32, #tpu.memory_space<vmem>>, vector<16xf32>,
    tpu.vector_store %arg5[%swap3A_9], %broadcast_in_dim3A_3 {strides = array<i32>} : memref<1024xf32, #tpu.memory_space<vmem>>, vector<16xf32>,
    %swap3A_11 = arith.constant 64 : index
    %swap3A_12 = tpu.vector_load %arg5[%swap3A_11] {strides = array<i32>} : memref<1024xf32, #tpu.memory_space<vmem>>, vector<16xf32>,
    tpu.vector_store %arg5[%swap3A_11], %broadcast_in_dim3A_3 {strides = array<i32>} : memref<1024xf32, #tpu.memory_space<vmem>>, vector<16xf32>,
    %swap3A_13 = arith.constant 80 : index
    %swap3A_14 = tpu.vector_load %arg5[%swap3A_13] {strides = array<i32>} : memref<1024xf32, #tpu.memory_space<vmem>>, vector<16xf32>,
    tpu.vector_store %arg5[%swap3A_13], %broadcast_in_dim3A_3 {strides = array<i32>} : memref<1024xf32, #tpu.memory_space<vmem>>, vector<16xf32>,
    %swap3A_15 = arith.constant 96 : index
    %swap3A_16 = tpu.vector_load %arg5[%swap3A_15] {strides = array<i32>} : memref<1024xf32, #tpu.memory_space<vmem>>, vector<16xf32>,
    tpu.vector_store %arg5[%swap3A_15], %broadcast_in_dim3A_3 {strides = array<i32>} : memref<1024xf32, #tpu.memory_space<vmem>>, vector<16xf32>,
    %swap3A_17 = arith.constant 112 : index
    %swap3A_18 = tpu.vector_load %arg5[%swap3A_17] {strides = array<i32>} : memref<1024xf32, #tpu.memory_space<vmem>>, vector<16xf32>,
    tpu.vector_store %arg5[%swap3A_17], %broadcast_in_dim3A_3 {strides = array<i32>} : memref<1024xf32, #tpu.memory_space<vmem>>, vector<16xf32>,
    %swap3A_19 = arith.constant 128 : index
    %swap3A_20 = tpu.vector_load %arg5[%swap3A_19] {strides = array<i32>} : memref<1024xf32, #tpu.memory_space<vmem>>, vector<16xf32>,
    tpu.vector_store %arg5[%swap3A_19], %broadcast_in_dim3A_3 {strides = array<i32>} : memref<1024xf32, #tpu.memory_space<vmem>>, vector<16xf32>,
    %swap3A_21 = arith.constant 144 : index
    %swap3A_22 = tpu.vector_load %arg5[%swap3A_21] {strides = array<i32>} : memref<1024xf32, #tpu.memory_space<vmem>>, vector<16xf32>,
    tpu.vector_store %arg5[%swap3A_21], %broadcast_in_dim3A_3 {strides = array<i32>} : memref<1024xf32, #tpu.memory_space<vmem>>, vector<16xf32>,
    %swap3A_23 = arith.constant 160 : index
    %swap3A_24 = tpu.vector_load %arg5[%swap3A_23] {strides = array<i32>} : memref<1024xf32, #tpu.memory_space<vmem>>, vector<16xf32>,
    tpu.vector_store %arg5[%swap3A_23], %broadcast_in_dim3A_3 {strides = array<i32>} : memref<1024xf32, #tpu.memory_space<vmem>>, vector<16xf32>,
    %swap3A_25 = arith.constant 176 : index
    %swap3A_26 = tpu.vector_load %arg5[%swap3A_25] {strides = array<i32>} : memref<1024xf32, #tpu.memory_space<vmem>>, vector<16xf32>,
    tpu.vector_store %arg5[%swap3A_25], %broadcast_in_dim3A_3 {strides = array<i32>} : memref<1024xf32, #tpu.memory_space<vmem>>, vector<16xf32>,
    %swap3A_27 = arith.constant 192 : index
    %swap3A_28 = tpu.vector_load %arg5[%swap3A_27] {strides = array<i32>} : memref<1024xf32, #tpu.memory_space<vmem>>, vector<16xf32>,
    tpu.vector_store %arg5[%swap3A_27], %broadcast_in_dim3A_3 {strides = array<i32>} : memref<1024xf32, #tpu.memory_space<vmem>>, vector<16xf32>,
    %swap3A_29 = arith.constant 208 : index
    %swap3A_30 = tpu.vector_load %arg5[%swap3A_29] {strides = array<i32>} : memref<1024xf32, #tpu.memory_space<vmem>>, vector<16xf32>,
    tpu.vector_store %arg5[%swap3A_29], %broadcast_in_dim3A_3 {strides = array<i32>} : memref<1024xf32, #tpu.memory_space<vmem>>, vector<16xf32>,
    %swap3A_31 = arith.constant 224 : index
    %swap3A_32 = tpu.vector_load %arg5[%swap3A_31] {strides = array<i32>} : memref<1024xf32, #tpu.memory_space<vmem>>, vector<16xf32>,
    tpu.vector_store %arg5[%swap3A_31], %broadcast_in_dim3A_3 {strides = array<i32>} : memref<1024xf32, #tpu.memory_space<vmem>>, vector<16xf32>,
    %swap3A_33 = arith.constant 240 : index
    %swap3A_34 = tpu.vector_load %arg5[%swap3A_33] {strides = array<i32>} : memref<1024xf32, #tpu.memory_space<vmem>>, vector<16xf32>,
    tpu.vector_store %arg5[%swap3A_33], %broadcast_in_dim3A_3 {strides = array<i32>} : memref<1024xf32, #tpu.memory_space<vmem>>, vector<16xf32>,
    %swap3A_35 = arith.constant 256 : index
    %swap3A_36 = tpu.vector_load %arg5[%swap3A_35] {strides = array<i32>} : memref<1024xf32, #tpu.memory_space<vmem>>, vector<16xf32>,
    tpu.vector_store %arg5[%swap3A_35], %broadcast_in_dim3A_3 {strides = array<i32>} : memref<1024xf32, #tpu.memory_space<vmem>>, vector<16xf32>,
    %swap3A_37 = arith.constant 272 : index
    %swap3A_38 = tpu.vector_load %arg5[%swap3A_37] {strides = array<i32>} : memref<1024xf32, #tpu.memory_space<vmem>>, vector<16xf32>,
    tpu.vector_store %arg5[%swap3A_37], %broadcast_in_dim3A_3 {strides = array<i32>} : memref<1024xf32, #tpu.memory_space<vmem>>, vector<16xf32>,
    %swap3A_39 = arith.constant 288 : index
    %swap3A_40 = tpu.vector_load %arg5[%swap3A_39] {strides = array<i32>} : memref<1024xf32, #tpu.memory_space<vmem>>, vector<16xf32>,
    tpu.vector_store %arg5[%swap3A_39], %broadcast_in_dim3A_3 {strides = array<i32>} : memref<1024xf32, #tpu.memory_space<vmem>>, vector<16xf32>,
    %swap3A_41 = arith.constant 304 : index
    %swap3A_42 = tpu.vector_load %arg5[%swap3A_41] {strides = array<i32>} : memref<1024xf32, #tpu.memory_space<vmem>>, vector<16xf32>,
    tpu.vector_store %arg5[%swap3A_41], %broadcast_in_dim3A_3 {strides = array<i32>} : memref<1024xf32, #tpu.memory_space<vmem>>, vector<16xf32>,
    %swap3A_43 = arith.constant 320 : index
    %swap3A_44 = tpu.vector_load %arg5[%swap3A_43] {strides = array<i32>} : memref<1024xf32, #tpu.memory_space<vmem>>, vector<16xf32>,
    tpu.vector_store %arg5[%swap3A_43], %broadcast_in_dim3A_3 {strides = array<i32>} : memref<1024xf32, #tpu.memory_space<vmem>>, vector<16xf32>,
    %swap3A_45 = arith.constant 336 : index
    %swap3A_46 = tpu.vector_load %arg5[%swap3A_45] {strides = array<i32>} : memref<1024xf32, #tpu.memory_space<vmem>>, vector<16xf32>,
    tpu.vector_store %arg5[%swap3A_45], %broadcast_in_dim3A_3 {strides = array<i32>} : memref<1024xf32, #tpu.memory_space<vmem>>, vector<16xf32>,
    %swap3A_47 = arith.constant 352 : index
    %swap3A_48 = tpu.vector_load %arg5[%swap3A_47] {strides = array<i32>} : memref<1024xf32, #tpu.memory_space<vmem>>, vector<16xf32>,
    tpu.vector_store %arg5[%swap3A_47], %broadcast_in_dim3A_3 {strides = array<i32>} : memref<1024xf32, #tpu.memory_space<vmem>>, vector<16xf32>,
    %swap3A_49 = arith.constant 368 : index
    %swap3A_50 = tpu.vector_load %arg5[%swap3A_49] {strides = array<i32>} : memref<1024xf32, #tpu.memory_space<vmem>>, vector<16xf32>,
    tpu.vector_store %arg5[%swap3A_49], %broadcast_in_dim3A_3 {strides = array<i32>} : memref<1024xf32, #tpu.memory_space<vmem>>, vector<16xf32>,
    %swap3A_51 = arith.constant 384 : index
    %swap3A_52 = tpu.vector_load %arg5[%swap3A_51] {strides = array<i32>} : memref<1024xf32, #tpu.memory_space<vmem>>, vector<16xf32>,
    tpu.vector_store %arg5[%swap3A_51], %broadcast_in_dim3A_3 {strides = array<i32>} : memref<1024xf32, #tpu.memory_space<vmem>>, vector<16xf32>,
    %swap3A_53 = arith.constant 400 : index
    %swap3A_54 = tpu.vector_load %arg5[%swap3A_53] {strides = array<i32>} : memref<1024xf32, #tpu.memory_space<vmem>>, vector<16xf32>,
    tpu.vector_store %arg5[%swap3A_53], %broadcast_in_dim3A_3 {strides = array<i32>} : memref<1024xf32, #tpu.memory_space<vmem>>, vector<16xf32>,
    %swap3A_55 = arith.constant 416 : index
    %swap3A_56 = tpu.vector_load %arg5[%swap3A_55] {strides = array<i32>} : memref<1024xf32, #tpu.memory_space<vmem>>, vector<16xf32>,
    tpu.vector_store %arg5[%swap3A_55], %broadcast_in_dim3A_3 {strides = array<i32>} : memref<1024xf32, #tpu.memory_space<vmem>>, vector<16xf32>,
    %swap3A_57 = arith.constant 432 : index
    %swap3A_58 = tpu.vector_load %arg5[%swap3A_57] {strides = array<i32>} : memref<1024xf32, #tpu.memory_space<vmem>>, vector<16xf32>,
    tpu.vector_store %arg5[%swap3A_57], %broadcast_in_dim3A_3 {strides = array<i32>} : memref<1024xf32, #tpu.memory_space<vmem>>, vector<16xf32>,
    %swap3A_59 = arith.constant 448 : index
    %swap3A_60 = tpu.vector_load %arg5[%swap3A_59] {strides = array<i32>} : memref<1024xf32, #tpu.memory_space<vmem>>, vector<16xf32>,
    tpu.vector_store %arg5[%swap3A_59], %broadcast_in_dim3A_3 {strides = array<i32>} : memref<1024xf32, #tpu.memory_space<vmem>>, vector<16xf32>,
    %swap3A_61 = arith.constant 464 : index
    %swap3A_62 = tpu.vector_load %arg5[%swap3A_61] {strides = array<i32>} : memref<1024xf32, #tpu.memory_space<vmem>>, vector<16xf32>,
    tpu.vector_store %arg5[%swap3A_61], %broadcast_in_dim3A_3 {strides = array<i32>} : memref<1024xf32, #tpu.memory_space<vmem>>, vector<16xf32>,
    %swap3A_63 = arith.constant 480 : index
    %swap3A_64 = tpu.vector_load %arg5[%swap3A_63] {strides = array<i32>} : memref<1024xf32, #tpu.memory_space<vmem>>, vector<16xf32>,
    tpu.vector_store %arg5[%swap3A_63], %broadcast_in_dim3A_3 {strides = array<i32>} : memref<1024xf32, #tpu.memory_space<vmem>>, vector<16xf32>,
    %swap3A_65 = arith.constant 496 : index
    %swap3A_66 = tpu.vector_load %arg5[%swap3A_65] {strides = array<i32>} : memref<1024xf32, #tpu.memory_space<vmem>>, vector<16xf32>,
    tpu.vector_store %arg5[%swap3A_65], %broadcast_in_dim3A_3 {strides = array<i32>} : memref<1024xf32, #tpu.memory_space<vmem>>, vector<16xf32>,
    %swap3A_67 = arith.constant 512 : index
    %swap3A_68 = tpu.vector_load %arg5[%swap3A_67] {strides = array<i32>} : memref<1024xf32, #tpu.memory_space<vmem>>, vector<16xf32>,
    tpu.vector_store %arg5[%swap3A_67], %broadcast_in_dim3A_3 {strides = array<i32>} : memref<1024xf32, #tpu.memory_space<vmem>>, vector<16xf32>,
    %swap3A_69 = arith.constant 528 : index
    %swap3A_70 = tpu.vector_load %arg5[%swap3A_69] {strides = array<i32>} : memref<1024xf32, #tpu.memory_space<vmem>>, vector<16xf32>,
    tpu.vector_store %arg5[%swap3A_69], %broadcast_in_dim3A_3 {strides = array<i32>} : memref<1024xf32, #tpu.memory_space<vmem>>, vector<16xf32>,
    %swap3A_71 = arith.constant 544 : index
    %swap3A_72 = tpu.vector_load %arg5[%swap3A_71] {strides = array<i32>} : memref<1024xf32, #tpu.memory_space<vmem>>, vector<16xf32>,
    tpu.vector_store %arg5[%swap3A_71], %broadcast_in_dim3A_3 {strides = array<i32>} : memref<1024xf32, #tpu.memory_space<vmem>>, vector<16xf32>,
    %swap3A_73 = arith.constant 560 : index
    %swap3A_74 = tpu.vector_load %arg5[%swap3A_73] {strides = array<i32>} : memref<1024xf32, #tpu.memory_space<vmem>>, vector<16xf32>,
    tpu.vector_store %arg5[%swap3A_73], %broadcast_in_dim3A_3 {strides = array<i32>} : memref<1024xf32, #tpu.memory_space<vmem>>, vector<16xf32>,
    %swap3A_75 = arith.constant 576 : index
    %swap3A_76 = tpu.vector_load %arg5[%swap3A_75] {strides = array<i32>} : memref<1024xf32, #tpu.memory_space<vmem>>, vector<16xf32>,
    tpu.vector_store %arg5[%swap3A_75], %broadcast_in_dim3A_3 {strides = array<i32>} : memref<1024xf32, #tpu.memory_space<vmem>>, vector<16xf32>,
    %swap3A_77 = arith.constant 592 : index
    %swap3A_78 = tpu.vector_load %arg5[%swap3A_77] {strides = array<i32>} : memref<1024xf32, #tpu.memory_space<vmem>>, vector<16xf32>,
    tpu.vector_store %arg5[%swap3A_77], %broadcast_in_dim3A_3 {strides = array<i32>} : memref<1024xf32, #tpu.memory_space<vmem>>, vector<16xf32>,
    %swap3A_79 = arith.constant 608 : index
    %swap3A_80 = tpu.vector_load %arg5[%swap3A_79] {strides = array<i32>} : memref<1024xf32, #tpu.memory_space<vmem>>, vector<16xf32>,
    tpu.vector_store %arg5[%swap3A_79], %broadcast_in_dim3A_3 {strides = array<i32>} : memref<1024xf32, #tpu.memory_space<vmem>>, vector<16xf32>,
    %swap3A_81 = arith.constant 624 : index
    %swap3A_82 = tpu.vector_load %arg5[%swap3A_81] {strides = array<i32>} : memref<1024xf32, #tpu.memory_space<vmem>>, vector<16xf32>,
    tpu.vector_store %arg5[%swap3A_81], %broadcast_in_dim3A_3 {strides = array<i32>} : memref<1024xf32, #tpu.memory_space<vmem>>, vector<16xf32>,
    %swap3A_83 = arith.constant 640 : index
    %swap3A_84 = tpu.vector_load %arg5[%swap3A_83] {strides = array<i32>} : memref<1024xf32, #tpu.memory_space<vmem>>, vector<16xf32>,
    tpu.vector_store %arg5[%swap3A_83], %broadcast_in_dim3A_3 {strides = array<i32>} : memref<1024xf32, #tpu.memory_space<vmem>>, vector<16xf32>,
    %swap3A_85 = arith.constant 656 : index
    %swap3A_86 = tpu.vector_load %arg5[%swap3A_85] {strides = array<i32>} : memref<1024xf32, #tpu.memory_space<vmem>>, vector<16xf32>,
    tpu.vector_store %arg5[%swap3A_85], %broadcast_in_dim3A_3 {strides = array<i32>} : memref<1024xf32, #tpu.memory_space<vmem>>, vector<16xf32>,
    %swap3A_87 = arith.constant 672 : index
    %swap3A_88 = tpu.vector_load %arg5[%swap3A_87] {strides = array<i32>} : memref<1024xf32, #tpu.memory_space<vmem>>, vector<16xf32>,
    tpu.vector_store %arg5[%swap3A_87], %broadcast_in_dim3A_3 {strides = array<i32>} : memref<1024xf32, #tpu.memory_space<vmem>>, vector<16xf32>,
    %swap3A_89 = arith.constant 688 : index
    %swap3A_90 = tpu.vector_load %arg5[%swap3A_89] {strides = array<i32>} : memref<1024xf32, #tpu.memory_space<vmem>>, vector<16xf32>,
    tpu.vector_store %arg5[%swap3A_89], %broadcast_in_dim3A_3 {strides = array<i32>} : memref<1024xf32, #tpu.memory_space<vmem>>, vector<16xf32>,
    %swap3A_91 = arith.constant 704 : index
    %swap3A_92 = tpu.vector_load %arg5[%swap3A_91] {strides = array<i32>} : memref<1024xf32, #tpu.memory_space<vmem>>, vector<16xf32>,
    tpu.vector_store %arg5[%swap3A_91], %broadcast_in_dim3A_3 {strides = array<i32>} : memref<1024xf32, #tpu.memory_space<vmem>>, vector<16xf32>,
    %swap3A_93 = arith.constant 720 : index
    %swap3A_94 = tpu.vector_load %arg5[%swap3A_93] {strides = array<i32>} : memref<1024xf32, #tpu.memory_space<vmem>>, vector<16xf32>,
    tpu.vector_store %arg5[%swap3A_93], %broadcast_in_dim3A_3 {strides = array<i32>} : memref<1024xf32, #tpu.memory_space<vmem>>, vector<16xf32>,
    %swap3A_95 = arith.constant 736 : index
    %swap3A_96 = tpu.vector_load %arg5[%swap3A_95] {strides = array<i32>} : memref<1024xf32, #tpu.memory_space<vmem>>, vector<16xf32>,
    tpu.vector_store %arg5[%swap3A_95], %broadcast_in_dim3A_3 {strides = array<i32>} : memref<1024xf32, #tpu.memory_space<vmem>>, vector<16xf32>,
    %swap3A_97 = arith.constant 752 : index
    %swap3A_98 = tpu.vector_load %arg5[%swap3A_97] {strides = array<i32>} : memref<1024xf32, #tpu.memory_space<vmem>>, vector<16xf32>,
    tpu.vector_store %arg5[%swap3A_97], %broadcast_in_dim3A_3 {strides = array<i32>} : memref<1024xf32, #tpu.memory_space<vmem>>, vector<16xf32>,
    %swap3A_99 = arith.constant 768 : index
    %swap3A_100 = tpu.vector_load %arg5[%swap3A_99] {strides = array<i32>} : memref<1024xf32, #tpu.memory_space<vmem>>, vector<16xf32>,
    tpu.vector_store %arg5[%swap3A_99], %broadcast_in_dim3A_3 {strides = array<i32>} : memref<1024xf32, #tpu.memory_space<vmem>>, vector<16xf32>,
    %swap3A_101 = arith.constant 784 : index
    %swap3A_102 = tpu.vector_load %arg5[%swap3A_101] {strides = array<i32>} : memref<1024xf32, #tpu.memory_space<vmem>>, vector<16xf32>,
    tpu.vector_store %arg5[%swap3A_101], %broadcast_in_dim3A_3 {strides = array<i32>} : memref<1024xf32, #tpu.memory_space<vmem>>, vector<16xf32>,
    %swap3A_103 = arith.constant 800 : index
    %swap3A_104 = tpu.vector_load %arg5[%swap3A_103] {strides = array<i32>} : memref<1024xf32, #tpu.memory_space<vmem>>, vector<16xf32>,
    tpu.vector_store %arg5[%swap3A_103], %broadcast_in_dim3A_3 {strides = array<i32>} : memref<1024xf32, #tpu.memory_space<vmem>>, vector<16xf32>,
    %swap3A_105 = arith.constant 816 : index
    %swap3A_106 = tpu.vector_load %arg5[%swap3A_105] {strides = array<i32>} : memref<1024xf32, #tpu.memory_space<vmem>>, vector<16xf32>,
    tpu.vector_store %arg5[%swap3A_105], %broadcast_in_dim3A_3 {strides = array<i32>} : memref<1024xf32, #tpu.memory_space<vmem>>, vector<16xf32>,
    %swap3A_107 = arith.constant 832 : index
    %swap3A_108 = tpu.vector_load %arg5[%swap3A_107] {strides = array<i32>} : memref<1024xf32, #tpu.memory_space<vmem>>, vector<16xf32>,
    tpu.vector_store %arg5[%swap3A_107], %broadcast_in_dim3A_3 {strides = array<i32>} : memref<1024xf32, #tpu.memory_space<vmem>>, vector<16xf32>,
    %swap3A_109 = arith.constant 848 : index
    %swap3A_110 = tpu.vector_load %arg5[%swap3A_109] {strides = array<i32>} : memref<1024xf32, #tpu.memory_space<vmem>>, vector<16xf32>,
    tpu.vector_store %arg5[%swap3A_109], %broadcast_in_dim3A_3 {strides = array<i32>} : memref<1024xf32, #tpu.memory_space<vmem>>, vector<16xf32>,
    %swap3A_111 = arith.constant 864 : index
    %swap3A_112 = tpu.vector_load %arg5[%swap3A_111] {strides = array<i32>} : memref<1024xf32, #tpu.memory_space<vmem>>, vector<16xf32>,
    tpu.vector_store %arg5[%swap3A_111], %broadcast_in_dim3A_3 {strides = array<i32>} : memref<1024xf32, #tpu.memory_space<vmem>>, vector<16xf32>,
    %swap3A_113 = arith.constant 880 : index
    %swap3A_114 = tpu.vector_load %arg5[%swap3A_113] {strides = array<i32>} : memref<1024xf32, #tpu.memory_space<vmem>>, vector<16xf32>,
    tpu.vector_store %arg5[%swap3A_113], %broadcast_in_dim3A_3 {strides = array<i32>} : memref<1024xf32, #tpu.memory_space<vmem>>, vector<16xf32>,
    %swap3A_115 = arith.constant 896 : index
    %swap3A_116 = tpu.vector_load %arg5[%swap3A_115] {strides = array<i32>} : memref<1024xf32, #tpu.memory_space<vmem>>, vector<16xf32>,
    tpu.vector_store %arg5[%swap3A_115], %broadcast_in_dim3A_3 {strides = array<i32>} : memref<1024xf32, #tpu.memory_space<vmem>>, vector<16xf32>,
    %swap3A_117 = arith.constant 912 : index
    %swap3A_118 = tpu.vector_load %arg5[%swap3A_117] {strides = array<i32>} : memref<1024xf32, #tpu.memory_space<vmem>>, vector<16xf32>,
    tpu.vector_store %arg5[%swap3A_117], %broadcast_in_dim3A_3 {strides = array<i32>} : memref<1024xf32, #tpu.memory_space<vmem>>, vector<16xf32>,
    %swap3A_119 = arith.constant 928 : index
    %swap3A_120 = tpu.vector_load %arg5[%swap3A_119] {strides = array<i32>} : memref<1024xf32, #tpu.memory_space<vmem>>, vector<16xf32>,
    tpu.vector_store %arg5[%swap3A_119], %broadcast_in_dim3A_3 {strides = array<i32>} : memref<1024xf32, #tpu.memory_space<vmem>>, vector<16xf32>,
    %swap3A_121 = arith.constant 944 : index
    %swap3A_122 = tpu.vector_load %arg5[%swap3A_121] {strides = array<i32>} : memref<1024xf32, #tpu.memory_space<vmem>>, vector<16xf32>,
    tpu.vector_store %arg5[%swap3A_121], %broadcast_in_dim3A_3 {strides = array<i32>} : memref<1024xf32, #tpu.memory_space<vmem>>, vector<16xf32>,
    %swap3A_123 = arith.constant 960 : index
    %swap3A_124 = tpu.vector_load %arg5[%swap3A_123] {strides = array<i32>} : memref<1024xf32, #tpu.memory_space<vmem>>, vector<16xf32>,
    tpu.vector_store %arg5[%swap3A_123], %broadcast_in_dim3A_3 {strides = array<i32>} : memref<1024xf32, #tpu.memory_space<vmem>>, vector<16xf32>,
    %swap3A_125 = arith.constant 976 : index
    %swap3A_126 = tpu.vector_load %arg5[%swap3A_125] {strides = array<i32>} : memref<1024xf32, #tpu.memory_space<vmem>>, vector<16xf32>,
    tpu.vector_store %arg5[%swap3A_125], %broadcast_in_dim3A_3 {strides = array<i32>} : memref<1024xf32, #tpu.memory_space<vmem>>, vector<16xf32>,
    %swap3A_127 = arith.constant 992 : index
    %swap3A_128 = tpu.vector_load %arg5[%swap3A_127] {strides = array<i32>} : memref<1024xf32, #tpu.memory_space<vmem>>, vector<16xf32>,
    tpu.vector_store %arg5[%swap3A_127], %broadcast_in_dim3A_3 {strides = array<i32>} : memref<1024xf32, #tpu.memory_space<vmem>>, vector<16xf32>,
    %swap3A_129 = arith.constant 1008 : index
    %swap3A_130 = tpu.vector_load %arg5[%swap3A_129] {strides = array<i32>} : memref<1024xf32, #tpu.memory_space<vmem>>, vector<16xf32>,
    tpu.vector_store %arg5[%swap3A_129], %broadcast_in_dim3A_3 {strides = array<i32>} : memref<1024xf32, #tpu.memory_space<vmem>>, vector<16xf32>,
    %iota3A = tpu.iota {dimensions = array<i32: 0>} : vector<16xi32>
    %jit3A = arith.constant 2 : i32
    %div3A = vector.broadcast %jit3A : i32 to vector<16xi32>
    %div3A_131 = arith.divsi %iota3A, %div3A : vector<16xi32>
    %sign3A = arith.constant 0 : i32
    %sign3A_132 = vector.broadcast %sign3A : i32 to vector<16xi32>
    %sign3A_133 = arith.cmpi sgt, %iota3A, %sign3A_132 : vector<16xi32>
    %sign3A_134 = arith.extui %sign3A_133 : vector<16xi1> to vector<16xi32>
    %sign3A_135 = arith.constant 0 : i32
    %sign3A_136 = vector.broadcast %sign3A_135 : i32 to vector<16xi32>
    %sign3A_137 = arith.cmpi slt, %iota3A, %sign3A_136 : vector<16xi32>
    %sign3A_138 = arith.extui %sign3A_137 : vector<16xi1> to vector<16xi32>
    %sign3A_139 = arith.subi %sign3A_134, %sign3A_138 : vector<16xi32>
    %sign3A_140 = arith.constant 0 : i32
    %sign3A_141 = arith.cmpi sgt, %jit3A, %sign3A_140 : i32
    %sign3A_142 = arith.extui %sign3A_141 : i1 to i32
    %sign3A_143 = arith.constant 0 : i32
    %sign3A_144 = arith.cmpi slt, %jit3A, %sign3A_143 : i32
    %sign3A_145 = arith.extui %sign3A_144 : i1 to i32
    %sign3A_146 = arith.subi %sign3A_142, %sign3A_145 : i32
    %ne3A = vector.broadcast %sign3A_146 : i32 to vector<16xi32>
    %ne3A_147 = arith.cmpi ne, %sign3A_139, %ne3A : vector<16xi32>
    %rem3A = vector.broadcast %jit3A : i32 to vector<16xi32>
    %rem3A_148 = arith.remsi %iota3A, %rem3A : vector<16xi32>
    %ne3A_149 = arith.constant 0 : i32
    %ne3A_150 = vector.broadcast %ne3A_149 : i32 to vector<16xi32>
    %ne3A_151 = arith.cmpi ne, %rem3A_148, %ne3A_150 : vector<16xi32>
    %and3A = arith.andi %ne3A_147, %ne3A_151 : vector<16xi1>
    %sub3A = arith.constant 1 : i32
    %sub3A_152 = vector.broadcast %sub3A : i32 to vector<16xi32>
    %sub3A_153 = arith.subi %div3A_131, %sub3A_152 : vector<16xi32>
    %select_n3A = arith.select %and3A, %sub3A_153, %div3A_131 : vector<16xi1>, vector<16xi32>
    %jit3A_154 = arith.constant 2 : i32
    %eq3A = arith.constant 0 : i32
    %eq3A_155 = arith.cmpi eq, %jit3A_154, %eq3A : i32
    %jit3A_156 = arith.constant 1 : i32
    %select_n3A_157 = arith.select %eq3A_155, %jit3A_156, %jit3A_154 : i32
    %rem3A_158 = vector.broadcast %select_n3A_157 : i32 to vector<16xi32>
    %rem3A_159 = arith.remsi %iota3A, %rem3A_158 : vector<16xi32>
    %ne3A_160 = arith.constant 0 : i32
    %ne3A_161 = vector.broadcast %ne3A_160 : i32 to vector<16xi32>
    %ne3A_162 = arith.cmpi ne, %rem3A_159, %ne3A_161 : vector<16xi32>
    %lt3A = arith.constant 0 : i32
    %lt3A_163 = vector.broadcast %lt3A : i32 to vector<16xi32>
    %lt3A_164 = arith.cmpi slt, %rem3A_159, %lt3A_163 : vector<16xi32>
    %lt3A_165 = arith.constant 0 : i32
    %lt3A_166 = arith.cmpi slt, %select_n3A_157, %lt3A_165 : i32
    %ne3A_167 = vector.broadcast %lt3A_166 : i1 to vector<16xi1>
    %ne3A_168 = vector.broadcast %ne3A_167 : vector<16xi1> to vector<16xi1>
    %ne3A_169 = arith.xori %lt3A_164, %ne3A_168 : vector<16xi1>
    %and3A_170 = arith.andi %ne3A_169, %ne3A_162 : vector<16xi1>
    %add3A_171 = vector.broadcast %select_n3A_157 : i32 to vector<16xi32>
    %add3A_172 = arith.addi %rem3A_159, %add3A_171 : vector<16xi32>
    %select_n3A_173 = arith.select %and3A_170, %add3A_172, %rem3A_159 : vector<16xi1>, vector<16xi32>
    %mul3A_174 = arith.constant 64 : i32
    %mul3A_175 = vector.broadcast %mul3A_174 : i32 to vector<16xi32>
    %mul3A_176 = arith.muli %iota3A, %mul3A_175 : vector<16xi32>
    %broadcast_in_dim3A_177 = arith.constant 1.000000e+00 : f32
    %broadcast_in_dim3A_178 = vector.broadcast %broadcast_in_dim3A_177 : f32 to vector<16xf32>
    %add3A_179 = arith.constant 0 : i32
    %add3A_180 = arith.addi %mul3A_2, %add3A_179 : i32
    "tpu.region"() ({
      %run_scoped3A = tpu.sem_alloc : memref<!tpu.dma_semaphore, #tpu.memory_space<semaphore_mem>>
      %dma_start3A = arith.constant 0 : i32
      %dma_start3A_1021 = tpu.memref_slice %arg2[%add3A_180, %dma_start3A] : memref<32768x2xi32, #tpu.memory_space<hbm>> -> memref<512x2xi32, #tpu.memory_space<hbm>>
      %dma_start3A_1022 = arith.constant 0 : i32
      %dma_start3A_1023 = tpu.memref_slice %arg2[%add3A_180, %dma_start3A_1022] : memref<32768x2xi32, #tpu.memory_space<hbm>> -> memref<512x2xi32, #tpu.memory_space<hbm>>
      tpu.enqueue_dma source(%dma_start3A_1023 : memref<512x2xi32, #tpu.memory_space<hbm>>) target(%arg4 : memref<512x2xi32, #tpu.memory_space<vmem>>) target_semaphore(%run_scoped3A : memref<!tpu.dma_semaphore, #tpu.memory_space<semaphore_mem>>)
      %dma_wait3A = arith.constant 0 : i32
      %dma_wait3A_1024 = tpu.memref_slice %arg2[%add3A_180, %dma_wait3A] : memref<32768x2xi32, #tpu.memory_space<hbm>> -> memref<512x2xi32, #tpu.memory_space<hbm>>
      %dma_wait3A_1025 = arith.constant 0 : i32
      %dma_wait3A_1026 = tpu.memref_slice %arg2[%add3A_180, %dma_wait3A_1025] : memref<32768x2xi32, #tpu.memory_space<hbm>> -> memref<512x2xi32, #tpu.memory_space<hbm>>
      tpu.wait_dma2 semaphore(%run_scoped3A : memref<!tpu.dma_semaphore, #tpu.memory_space<semaphore_mem>>) src(%dma_wait3A_1026 : memref<512x2xi32, #tpu.memory_space<hbm>>) dst(%arg4 : memref<512x2xi32, #tpu.memory_space<vmem>>)
      tpu.yield
    }) : () -> ()
    %add3A_181 = arith.constant 0 : i32
    %add3A_182 = vector.broadcast %add3A_181 : i32 to vector<16xi32>
    %add3A_183 = arith.addi %add3A_182, %select_n3A : vector<16xi32>
    %gather3A = tpu.vector_load_idx %arg4[%add3A_183, %select_n3A_173] : memref<512x2xi32, #tpu.memory_space<vmem>>[vector<16xi32>, vector<16xi32>], vector<16xi32>,
    %add3A_184 = arith.addi %mul3A_176, %gather3A : vector<16xi32>
    tpu.vector_store_idx %arg5[%add3A_184], %broadcast_in_dim3A_178 {add = true} : memref<1024xf32, #tpu.memory_space<vmem>>[vector<16xi32>], vector<16xf32>,
    %add3A_185 = arith.constant 8 : i32
    %add3A_186 = vector.broadcast %add3A_185 : i32 to vector<16xi32>
    %add3A_187 = arith.addi %add3A_186, %select_n3A : vector<16xi32>
    %gather3A_188 = tpu.vector_load_idx %arg4[%add3A_187, %select_n3A_173] : memref<512x2xi32, #tpu.memory_space<vmem>>[vector<16xi32>, vector<16xi32>], vector<16xi32>,
    %add3A_189 = arith.addi %mul3A_176, %gather3A_188 : vector<16xi32>
    tpu.vector_store_idx %arg5[%add3A_189], %broadcast_in_dim3A_178 {add = true} : memref<1024xf32, #tpu.memory_space<vmem>>[vector<16xi32>], vector<16xf32>,
    %add3A_190 = arith.constant 16 : i32
    %add3A_191 = vector.broadcast %add3A_190 : i32 to vector<16xi32>
    %add3A_192 = arith.addi %add3A_191, %select_n3A : vector<16xi32>
    %gather3A_193 = tpu.vector_load_idx %arg4[%add3A_192, %select_n3A_173] : memref<512x2xi32, #tpu.memory_space<vmem>>[vector<16xi32>, vector<16xi32>], vector<16xi32>,
    %add3A_194 = arith.addi %mul3A_176, %gather3A_193 : vector<16xi32>
    tpu.vector_store_idx %arg5[%add3A_194], %broadcast_in_dim3A_178 {add = true} : memref<1024xf32, #tpu.memory_space<vmem>>[vector<16xi32>], vector<16xf32>,
    %add3A_195 = arith.constant 24 : i32
    %add3A_196 = vector.broadcast %add3A_195 : i32 to vector<16xi32>
    %add3A_197 = arith.addi %add3A_196, %select_n3A : vector<16xi32>
    %gather3A_198 = tpu.vector_load_idx %arg4[%add3A_197, %select_n3A_173] : memref<512x2xi32, #tpu.memory_space<vmem>>[vector<16xi32>, vector<16xi32>], vector<16xi32>,
    %add3A_199 = arith.addi %mul3A_176, %gather3A_198 : vector<16xi32>
    tpu.vector_store_idx %arg5[%add3A_199], %broadcast_in_dim3A_178 {add = true} : memref<1024xf32, #tpu.memory_space<vmem>>[vector<16xi32>], vector<16xf32>,
    %add3A_200 = arith.constant 32 : i32
    %add3A_201 = vector.broadcast %add3A_200 : i32 to vector<16xi32>
    %add3A_202 = arith.addi %add3A_201, %select_n3A : vector<16xi32>
    %gather3A_203 = tpu.vector_load_idx %arg4[%add3A_202, %select_n3A_173] : memref<512x2xi32, #tpu.memory_space<vmem>>[vector<16xi32>, vector<16xi32>], vector<16xi32>,
    %add3A_204 = arith.addi %mul3A_176, %gather3A_203 : vector<16xi32>
    tpu.vector_store_idx %arg5[%add3A_204], %broadcast_in_dim3A_178 {add = true} : memref<1024xf32, #tpu.memory_space<vmem>>[vector<16xi32>], vector<16xf32>,
    %add3A_205 = arith.constant 40 : i32
    %add3A_206 = vector.broadcast %add3A_205 : i32 to vector<16xi32>
    %add3A_207 = arith.addi %add3A_206, %select_n3A : vector<16xi32>
    %gather3A_208 = tpu.vector_load_idx %arg4[%add3A_207, %select_n3A_173] : memref<512x2xi32, #tpu.memory_space<vmem>>[vector<16xi32>, vector<16xi32>], vector<16xi32>,
    %add3A_209 = arith.addi %mul3A_176, %gather3A_208 : vector<16xi32>
    tpu.vector_store_idx %arg5[%add3A_209], %broadcast_in_dim3A_178 {add = true} : memref<1024xf32, #tpu.memory_space<vmem>>[vector<16xi32>], vector<16xf32>,
    %add3A_210 = arith.constant 48 : i32
    %add3A_211 = vector.broadcast %add3A_210 : i32 to vector<16xi32>
    %add3A_212 = arith.addi %add3A_211, %select_n3A : vector<16xi32>
    %gather3A_213 = tpu.vector_load_idx %arg4[%add3A_212, %select_n3A_173] : memref<512x2xi32, #tpu.memory_space<vmem>>[vector<16xi32>, vector<16xi32>], vector<16xi32>,
    %add3A_214 = arith.addi %mul3A_176, %gather3A_213 : vector<16xi32>
    tpu.vector_store_idx %arg5[%add3A_214], %broadcast_in_dim3A_178 {add = true} : memref<1024xf32, #tpu.memory_space<vmem>>[vector<16xi32>], vector<16xf32>,
    %add3A_215 = arith.constant 56 : i32
    %add3A_216 = vector.broadcast %add3A_215 : i32 to vector<16xi32>
    %add3A_217 = arith.addi %add3A_216, %select_n3A : vector<16xi32>
    %gather3A_218 = tpu.vector_load_idx %arg4[%add3A_217, %select_n3A_173] : memref<512x2xi32, #tpu.memory_space<vmem>>[vector<16xi32>, vector<16xi32>], vector<16xi32>,
    %add3A_219 = arith.addi %mul3A_176, %gather3A_218 : vector<16xi32>
    tpu.vector_store_idx %arg5[%add3A_219], %broadcast_in_dim3A_178 {add = true} : memref<1024xf32, #tpu.memory_space<vmem>>[vector<16xi32>], vector<16xf32>,
    %add3A_220 = arith.constant 64 : i32
    %add3A_221 = vector.broadcast %add3A_220 : i32 to vector<16xi32>
    %add3A_222 = arith.addi %add3A_221, %select_n3A : vector<16xi32>
    %gather3A_223 = tpu.vector_load_idx %arg4[%add3A_222, %select_n3A_173] : memref<512x2xi32, #tpu.memory_space<vmem>>[vector<16xi32>, vector<16xi32>], vector<16xi32>,
    %add3A_224 = arith.addi %mul3A_176, %gather3A_223 : vector<16xi32>
    tpu.vector_store_idx %arg5[%add3A_224], %broadcast_in_dim3A_178 {add = true} : memref<1024xf32, #tpu.memory_space<vmem>>[vector<16xi32>], vector<16xf32>,
    %add3A_225 = arith.constant 72 : i32
    %add3A_226 = vector.broadcast %add3A_225 : i32 to vector<16xi32>
    %add3A_227 = arith.addi %add3A_226, %select_n3A : vector<16xi32>
    %gather3A_228 = tpu.vector_load_idx %arg4[%add3A_227, %select_n3A_173] : memref<512x2xi32, #tpu.memory_space<vmem>>[vector<16xi32>, vector<16xi32>], vector<16xi32>,
    %add3A_229 = arith.addi %mul3A_176, %gather3A_228 : vector<16xi32>
    tpu.vector_store_idx %arg5[%add3A_229], %broadcast_in_dim3A_178 {add = true} : memref<1024xf32, #tpu.memory_space<vmem>>[vector<16xi32>], vector<16xf32>,
    %add3A_230 = arith.constant 80 : i32
    %add3A_231 = vector.broadcast %add3A_230 : i32 to vector<16xi32>
    %add3A_232 = arith.addi %add3A_231, %select_n3A : vector<16xi32>
    %gather3A_233 = tpu.vector_load_idx %arg4[%add3A_232, %select_n3A_173] : memref<512x2xi32, #tpu.memory_space<vmem>>[vector<16xi32>, vector<16xi32>], vector<16xi32>,
    %add3A_234 = arith.addi %mul3A_176, %gather3A_233 : vector<16xi32>
    tpu.vector_store_idx %arg5[%add3A_234], %broadcast_in_dim3A_178 {add = true} : memref<1024xf32, #tpu.memory_space<vmem>>[vector<16xi32>], vector<16xf32>,
    %add3A_235 = arith.constant 88 : i32
    %add3A_236 = vector.broadcast %add3A_235 : i32 to vector<16xi32>
    %add3A_237 = arith.addi %add3A_236, %select_n3A : vector<16xi32>
    %gather3A_238 = tpu.vector_load_idx %arg4[%add3A_237, %select_n3A_173] : memref<512x2xi32, #tpu.memory_space<vmem>>[vector<16xi32>, vector<16xi32>], vector<16xi32>,
    %add3A_239 = arith.addi %mul3A_176, %gather3A_238 : vector<16xi32>
    tpu.vector_store_idx %arg5[%add3A_239], %broadcast_in_dim3A_178 {add = true} : memref<1024xf32, #tpu.memory_space<vmem>>[vector<16xi32>], vector<16xf32>,
    %add3A_240 = arith.constant 96 : i32
    %add3A_241 = vector.broadcast %add3A_240 : i32 to vector<16xi32>
    %add3A_242 = arith.addi %add3A_241, %select_n3A : vector<16xi32>
    %gather3A_243 = tpu.vector_load_idx %arg4[%add3A_242, %select_n3A_173] : memref<512x2xi32, #tpu.memory_space<vmem>>[vector<16xi32>, vector<16xi32>], vector<16xi32>,
    %add3A_244 = arith.addi %mul3A_176, %gather3A_243 : vector<16xi32>
    tpu.vector_store_idx %arg5[%add3A_244], %broadcast_in_dim3A_178 {add = true} : memref<1024xf32, #tpu.memory_space<vmem>>[vector<16xi32>], vector<16xf32>,
    %add3A_245 = arith.constant 104 : i32
    %add3A_246 = vector.broadcast %add3A_245 : i32 to vector<16xi32>
    %add3A_247 = arith.addi %add3A_246, %select_n3A : vector<16xi32>
    %gather3A_248 = tpu.vector_load_idx %arg4[%add3A_247, %select_n3A_173] : memref<512x2xi32, #tpu.memory_space<vmem>>[vector<16xi32>, vector<16xi32>], vector<16xi32>,
    %add3A_249 = arith.addi %mul3A_176, %gather3A_248 : vector<16xi32>
    tpu.vector_store_idx %arg5[%add3A_249], %broadcast_in_dim3A_178 {add = true} : memref<1024xf32, #tpu.memory_space<vmem>>[vector<16xi32>], vector<16xf32>,
    %add3A_250 = arith.constant 112 : i32
    %add3A_251 = vector.broadcast %add3A_250 : i32 to vector<16xi32>
    %add3A_252 = arith.addi %add3A_251, %select_n3A : vector<16xi32>
    %gather3A_253 = tpu.vector_load_idx %arg4[%add3A_252, %select_n3A_173] : memref<512x2xi32, #tpu.memory_space<vmem>>[vector<16xi32>, vector<16xi32>], vector<16xi32>,
    %add3A_254 = arith.addi %mul3A_176, %gather3A_253 : vector<16xi32>
    tpu.vector_store_idx %arg5[%add3A_254], %broadcast_in_dim3A_178 {add = true} : memref<1024xf32, #tpu.memory_space<vmem>>[vector<16xi32>], vector<16xf32>,
    %add3A_255 = arith.constant 120 : i32
    %add3A_256 = vector.broadcast %add3A_255 : i32 to vector<16xi32>
    %add3A_257 = arith.addi %add3A_256, %select_n3A : vector<16xi32>
    %gather3A_258 = tpu.vector_load_idx %arg4[%add3A_257, %select_n3A_173] : memref<512x2xi32, #tpu.memory_space<vmem>>[vector<16xi32>, vector<16xi32>], vector<16xi32>,
    %add3A_259 = arith.addi %mul3A_176, %gather3A_258 : vector<16xi32>
    tpu.vector_store_idx %arg5[%add3A_259], %broadcast_in_dim3A_178 {add = true} : memref<1024xf32, #tpu.memory_space<vmem>>[vector<16xi32>], vector<16xf32>,
    %add3A_260 = arith.constant 128 : i32
    %add3A_261 = vector.broadcast %add3A_260 : i32 to vector<16xi32>
    %add3A_262 = arith.addi %add3A_261, %select_n3A : vector<16xi32>
    %gather3A_263 = tpu.vector_load_idx %arg4[%add3A_262, %select_n3A_173] : memref<512x2xi32, #tpu.memory_space<vmem>>[vector<16xi32>, vector<16xi32>], vector<16xi32>,
    %add3A_264 = arith.addi %mul3A_176, %gather3A_263 : vector<16xi32>
    tpu.vector_store_idx %arg5[%add3A_264], %broadcast_in_dim3A_178 {add = true} : memref<1024xf32, #tpu.memory_space<vmem>>[vector<16xi32>], vector<16xf32>,
    %add3A_265 = arith.constant 136 : i32
    %add3A_266 = vector.broadcast %add3A_265 : i32 to vector<16xi32>
    %add3A_267 = arith.addi %add3A_266, %select_n3A : vector<16xi32>
    %gather3A_268 = tpu.vector_load_idx %arg4[%add3A_267, %select_n3A_173] : memref<512x2xi32, #tpu.memory_space<vmem>>[vector<16xi32>, vector<16xi32>], vector<16xi32>,
    %add3A_269 = arith.addi %mul3A_176, %gather3A_268 : vector<16xi32>
    tpu.vector_store_idx %arg5[%add3A_269], %broadcast_in_dim3A_178 {add = true} : memref<1024xf32, #tpu.memory_space<vmem>>[vector<16xi32>], vector<16xf32>,
    %add3A_270 = arith.constant 144 : i32
    %add3A_271 = vector.broadcast %add3A_270 : i32 to vector<16xi32>
    %add3A_272 = arith.addi %add3A_271, %select_n3A : vector<16xi32>
    %gather3A_273 = tpu.vector_load_idx %arg4[%add3A_272, %select_n3A_173] : memref<512x2xi32, #tpu.memory_space<vmem>>[vector<16xi32>, vector<16xi32>], vector<16xi32>,
    %add3A_274 = arith.addi %mul3A_176, %gather3A_273 : vector<16xi32>
    tpu.vector_store_idx %arg5[%add3A_274], %broadcast_in_dim3A_178 {add = true} : memref<1024xf32, #tpu.memory_space<vmem>>[vector<16xi32>], vector<16xf32>,
    %add3A_275 = arith.constant 152 : i32
    %add3A_276 = vector.broadcast %add3A_275 : i32 to vector<16xi32>
    %add3A_277 = arith.addi %add3A_276, %select_n3A : vector<16xi32>
    %gather3A_278 = tpu.vector_load_idx %arg4[%add3A_277, %select_n3A_173] : memref<512x2xi32, #tpu.memory_space<vmem>>[vector<16xi32>, vector<16xi32>], vector<16xi32>,
    %add3A_279 = arith.addi %mul3A_176, %gather3A_278 : vector<16xi32>
    tpu.vector_store_idx %arg5[%add3A_279], %broadcast_in_dim3A_178 {add = true} : memref<1024xf32, #tpu.memory_space<vmem>>[vector<16xi32>], vector<16xf32>,
    %add3A_280 = arith.constant 160 : i32
    %add3A_281 = vector.broadcast %add3A_280 : i32 to vector<16xi32>
    %add3A_282 = arith.addi %add3A_281, %select_n3A : vector<16xi32>
    %gather3A_283 = tpu.vector_load_idx %arg4[%add3A_282, %select_n3A_173] : memref<512x2xi32, #tpu.memory_space<vmem>>[vector<16xi32>, vector<16xi32>], vector<16xi32>,
    %add3A_284 = arith.addi %mul3A_176, %gather3A_283 : vector<16xi32>
    tpu.vector_store_idx %arg5[%add3A_284], %broadcast_in_dim3A_178 {add = true} : memref<1024xf32, #tpu.memory_space<vmem>>[vector<16xi32>], vector<16xf32>,
    %add3A_285 = arith.constant 168 : i32
    %add3A_286 = vector.broadcast %add3A_285 : i32 to vector<16xi32>
    %add3A_287 = arith.addi %add3A_286, %select_n3A : vector<16xi32>
    %gather3A_288 = tpu.vector_load_idx %arg4[%add3A_287, %select_n3A_173] : memref<512x2xi32, #tpu.memory_space<vmem>>[vector<16xi32>, vector<16xi32>], vector<16xi32>,
    %add3A_289 = arith.addi %mul3A_176, %gather3A_288 : vector<16xi32>
    tpu.vector_store_idx %arg5[%add3A_289], %broadcast_in_dim3A_178 {add = true} : memref<1024xf32, #tpu.memory_space<vmem>>[vector<16xi32>], vector<16xf32>,
    %add3A_290 = arith.constant 176 : i32
    %add3A_291 = vector.broadcast %add3A_290 : i32 to vector<16xi32>
    %add3A_292 = arith.addi %add3A_291, %select_n3A : vector<16xi32>
    %gather3A_293 = tpu.vector_load_idx %arg4[%add3A_292, %select_n3A_173] : memref<512x2xi32, #tpu.memory_space<vmem>>[vector<16xi32>, vector<16xi32>], vector<16xi32>,
    %add3A_294 = arith.addi %mul3A_176, %gather3A_293 : vector<16xi32>
    tpu.vector_store_idx %arg5[%add3A_294], %broadcast_in_dim3A_178 {add = true} : memref<1024xf32, #tpu.memory_space<vmem>>[vector<16xi32>], vector<16xf32>,
    %add3A_295 = arith.constant 184 : i32
    %add3A_296 = vector.broadcast %add3A_295 : i32 to vector<16xi32>
    %add3A_297 = arith.addi %add3A_296, %select_n3A : vector<16xi32>
    %gather3A_298 = tpu.vector_load_idx %arg4[%add3A_297, %select_n3A_173] : memref<512x2xi32, #tpu.memory_space<vmem>>[vector<16xi32>, vector<16xi32>], vector<16xi32>,
    %add3A_299 = arith.addi %mul3A_176, %gather3A_298 : vector<16xi32>
    tpu.vector_store_idx %arg5[%add3A_299], %broadcast_in_dim3A_178 {add = true} : memref<1024xf32, #tpu.memory_space<vmem>>[vector<16xi32>], vector<16xf32>,
    %add3A_300 = arith.constant 192 : i32
    %add3A_301 = vector.broadcast %add3A_300 : i32 to vector<16xi32>
    %add3A_302 = arith.addi %add3A_301, %select_n3A : vector<16xi32>
    %gather3A_303 = tpu.vector_load_idx %arg4[%add3A_302, %select_n3A_173] : memref<512x2xi32, #tpu.memory_space<vmem>>[vector<16xi32>, vector<16xi32>], vector<16xi32>,
    %add3A_304 = arith.addi %mul3A_176, %gather3A_303 : vector<16xi32>
    tpu.vector_store_idx %arg5[%add3A_304], %broadcast_in_dim3A_178 {add = true} : memref<1024xf32, #tpu.memory_space<vmem>>[vector<16xi32>], vector<16xf32>,
    %add3A_305 = arith.constant 200 : i32
    %add3A_306 = vector.broadcast %add3A_305 : i32 to vector<16xi32>
    %add3A_307 = arith.addi %add3A_306, %select_n3A : vector<16xi32>
    %gather3A_308 = tpu.vector_load_idx %arg4[%add3A_307, %select_n3A_173] : memref<512x2xi32, #tpu.memory_space<vmem>>[vector<16xi32>, vector<16xi32>], vector<16xi32>,
    %add3A_309 = arith.addi %mul3A_176, %gather3A_308 : vector<16xi32>
    tpu.vector_store_idx %arg5[%add3A_309], %broadcast_in_dim3A_178 {add = true} : memref<1024xf32, #tpu.memory_space<vmem>>[vector<16xi32>], vector<16xf32>,
    %add3A_310 = arith.constant 208 : i32
    %add3A_311 = vector.broadcast %add3A_310 : i32 to vector<16xi32>
    %add3A_312 = arith.addi %add3A_311, %select_n3A : vector<16xi32>
    %gather3A_313 = tpu.vector_load_idx %arg4[%add3A_312, %select_n3A_173] : memref<512x2xi32, #tpu.memory_space<vmem>>[vector<16xi32>, vector<16xi32>], vector<16xi32>,
    %add3A_314 = arith.addi %mul3A_176, %gather3A_313 : vector<16xi32>
    tpu.vector_store_idx %arg5[%add3A_314], %broadcast_in_dim3A_178 {add = true} : memref<1024xf32, #tpu.memory_space<vmem>>[vector<16xi32>], vector<16xf32>,
    %add3A_315 = arith.constant 216 : i32
    %add3A_316 = vector.broadcast %add3A_315 : i32 to vector<16xi32>
    %add3A_317 = arith.addi %add3A_316, %select_n3A : vector<16xi32>
    %gather3A_318 = tpu.vector_load_idx %arg4[%add3A_317, %select_n3A_173] : memref<512x2xi32, #tpu.memory_space<vmem>>[vector<16xi32>, vector<16xi32>], vector<16xi32>,
    %add3A_319 = arith.addi %mul3A_176, %gather3A_318 : vector<16xi32>
    tpu.vector_store_idx %arg5[%add3A_319], %broadcast_in_dim3A_178 {add = true} : memref<1024xf32, #tpu.memory_space<vmem>>[vector<16xi32>], vector<16xf32>,
    %add3A_320 = arith.constant 224 : i32
    %add3A_321 = vector.broadcast %add3A_320 : i32 to vector<16xi32>
    %add3A_322 = arith.addi %add3A_321, %select_n3A : vector<16xi32>
    %gather3A_323 = tpu.vector_load_idx %arg4[%add3A_322, %select_n3A_173] : memref<512x2xi32, #tpu.memory_space<vmem>>[vector<16xi32>, vector<16xi32>], vector<16xi32>,
    %add3A_324 = arith.addi %mul3A_176, %gather3A_323 : vector<16xi32>
    tpu.vector_store_idx %arg5[%add3A_324], %broadcast_in_dim3A_178 {add = true} : memref<1024xf32, #tpu.memory_space<vmem>>[vector<16xi32>], vector<16xf32>,
    %add3A_325 = arith.constant 232 : i32
    %add3A_326 = vector.broadcast %add3A_325 : i32 to vector<16xi32>
    %add3A_327 = arith.addi %add3A_326, %select_n3A : vector<16xi32>
    %gather3A_328 = tpu.vector_load_idx %arg4[%add3A_327, %select_n3A_173] : memref<512x2xi32, #tpu.memory_space<vmem>>[vector<16xi32>, vector<16xi32>], vector<16xi32>,
    %add3A_329 = arith.addi %mul3A_176, %gather3A_328 : vector<16xi32>
    tpu.vector_store_idx %arg5[%add3A_329], %broadcast_in_dim3A_178 {add = true} : memref<1024xf32, #tpu.memory_space<vmem>>[vector<16xi32>], vector<16xf32>,
    %add3A_330 = arith.constant 240 : i32
    %add3A_331 = vector.broadcast %add3A_330 : i32 to vector<16xi32>
    %add3A_332 = arith.addi %add3A_331, %select_n3A : vector<16xi32>
    %gather3A_333 = tpu.vector_load_idx %arg4[%add3A_332, %select_n3A_173] : memref<512x2xi32, #tpu.memory_space<vmem>>[vector<16xi32>, vector<16xi32>], vector<16xi32>,
    %add3A_334 = arith.addi %mul3A_176, %gather3A_333 : vector<16xi32>
    tpu.vector_store_idx %arg5[%add3A_334], %broadcast_in_dim3A_178 {add = true} : memref<1024xf32, #tpu.memory_space<vmem>>[vector<16xi32>], vector<16xf32>,
    %add3A_335 = arith.constant 248 : i32
    %add3A_336 = vector.broadcast %add3A_335 : i32 to vector<16xi32>
    %add3A_337 = arith.addi %add3A_336, %select_n3A : vector<16xi32>
    %gather3A_338 = tpu.vector_load_idx %arg4[%add3A_337, %select_n3A_173] : memref<512x2xi32, #tpu.memory_space<vmem>>[vector<16xi32>, vector<16xi32>], vector<16xi32>,
    %add3A_339 = arith.addi %mul3A_176, %gather3A_338 : vector<16xi32>
    tpu.vector_store_idx %arg5[%add3A_339], %broadcast_in_dim3A_178 {add = true} : memref<1024xf32, #tpu.memory_space<vmem>>[vector<16xi32>], vector<16xf32>,
    %add3A_340 = arith.constant 256 : i32
    %add3A_341 = vector.broadcast %add3A_340 : i32 to vector<16xi32>
    %add3A_342 = arith.addi %add3A_341, %select_n3A : vector<16xi32>
    %gather3A_343 = tpu.vector_load_idx %arg4[%add3A_342, %select_n3A_173] : memref<512x2xi32, #tpu.memory_space<vmem>>[vector<16xi32>, vector<16xi32>], vector<16xi32>,
    %add3A_344 = arith.addi %mul3A_176, %gather3A_343 : vector<16xi32>
    tpu.vector_store_idx %arg5[%add3A_344], %broadcast_in_dim3A_178 {add = true} : memref<1024xf32, #tpu.memory_space<vmem>>[vector<16xi32>], vector<16xf32>,
    %add3A_345 = arith.constant 264 : i32
    %add3A_346 = vector.broadcast %add3A_345 : i32 to vector<16xi32>
    %add3A_347 = arith.addi %add3A_346, %select_n3A : vector<16xi32>
    %gather3A_348 = tpu.vector_load_idx %arg4[%add3A_347, %select_n3A_173] : memref<512x2xi32, #tpu.memory_space<vmem>>[vector<16xi32>, vector<16xi32>], vector<16xi32>,
    %add3A_349 = arith.addi %mul3A_176, %gather3A_348 : vector<16xi32>
    tpu.vector_store_idx %arg5[%add3A_349], %broadcast_in_dim3A_178 {add = true} : memref<1024xf32, #tpu.memory_space<vmem>>[vector<16xi32>], vector<16xf32>,
    %add3A_350 = arith.constant 272 : i32
    %add3A_351 = vector.broadcast %add3A_350 : i32 to vector<16xi32>
    %add3A_352 = arith.addi %add3A_351, %select_n3A : vector<16xi32>
    %gather3A_353 = tpu.vector_load_idx %arg4[%add3A_352, %select_n3A_173] : memref<512x2xi32, #tpu.memory_space<vmem>>[vector<16xi32>, vector<16xi32>], vector<16xi32>,
    %add3A_354 = arith.addi %mul3A_176, %gather3A_353 : vector<16xi32>
    tpu.vector_store_idx %arg5[%add3A_354], %broadcast_in_dim3A_178 {add = true} : memref<1024xf32, #tpu.memory_space<vmem>>[vector<16xi32>], vector<16xf32>,
    %add3A_355 = arith.constant 280 : i32
    %add3A_356 = vector.broadcast %add3A_355 : i32 to vector<16xi32>
    %add3A_357 = arith.addi %add3A_356, %select_n3A : vector<16xi32>
    %gather3A_358 = tpu.vector_load_idx %arg4[%add3A_357, %select_n3A_173] : memref<512x2xi32, #tpu.memory_space<vmem>>[vector<16xi32>, vector<16xi32>], vector<16xi32>,
    %add3A_359 = arith.addi %mul3A_176, %gather3A_358 : vector<16xi32>
    tpu.vector_store_idx %arg5[%add3A_359], %broadcast_in_dim3A_178 {add = true} : memref<1024xf32, #tpu.memory_space<vmem>>[vector<16xi32>], vector<16xf32>,
    %add3A_360 = arith.constant 288 : i32
    %add3A_361 = vector.broadcast %add3A_360 : i32 to vector<16xi32>
    %add3A_362 = arith.addi %add3A_361, %select_n3A : vector<16xi32>
    %gather3A_363 = tpu.vector_load_idx %arg4[%add3A_362, %select_n3A_173] : memref<512x2xi32, #tpu.memory_space<vmem>>[vector<16xi32>, vector<16xi32>], vector<16xi32>,
    %add3A_364 = arith.addi %mul3A_176, %gather3A_363 : vector<16xi32>
    tpu.vector_store_idx %arg5[%add3A_364], %broadcast_in_dim3A_178 {add = true} : memref<1024xf32, #tpu.memory_space<vmem>>[vector<16xi32>], vector<16xf32>,
    %add3A_365 = arith.constant 296 : i32
    %add3A_366 = vector.broadcast %add3A_365 : i32 to vector<16xi32>
    %add3A_367 = arith.addi %add3A_366, %select_n3A : vector<16xi32>
    %gather3A_368 = tpu.vector_load_idx %arg4[%add3A_367, %select_n3A_173] : memref<512x2xi32, #tpu.memory_space<vmem>>[vector<16xi32>, vector<16xi32>], vector<16xi32>,
    %add3A_369 = arith.addi %mul3A_176, %gather3A_368 : vector<16xi32>
    tpu.vector_store_idx %arg5[%add3A_369], %broadcast_in_dim3A_178 {add = true} : memref<1024xf32, #tpu.memory_space<vmem>>[vector<16xi32>], vector<16xf32>,
    %add3A_370 = arith.constant 304 : i32
    %add3A_371 = vector.broadcast %add3A_370 : i32 to vector<16xi32>
    %add3A_372 = arith.addi %add3A_371, %select_n3A : vector<16xi32>
    %gather3A_373 = tpu.vector_load_idx %arg4[%add3A_372, %select_n3A_173] : memref<512x2xi32, #tpu.memory_space<vmem>>[vector<16xi32>, vector<16xi32>], vector<16xi32>,
    %add3A_374 = arith.addi %mul3A_176, %gather3A_373 : vector<16xi32>
    tpu.vector_store_idx %arg5[%add3A_374], %broadcast_in_dim3A_178 {add = true} : memref<1024xf32, #tpu.memory_space<vmem>>[vector<16xi32>], vector<16xf32>,
    %add3A_375 = arith.constant 312 : i32
    %add3A_376 = vector.broadcast %add3A_375 : i32 to vector<16xi32>
    %add3A_377 = arith.addi %add3A_376, %select_n3A : vector<16xi32>
    %gather3A_378 = tpu.vector_load_idx %arg4[%add3A_377, %select_n3A_173] : memref<512x2xi32, #tpu.memory_space<vmem>>[vector<16xi32>, vector<16xi32>], vector<16xi32>,
    %add3A_379 = arith.addi %mul3A_176, %gather3A_378 : vector<16xi32>
    tpu.vector_store_idx %arg5[%add3A_379], %broadcast_in_dim3A_178 {add = true} : memref<1024xf32, #tpu.memory_space<vmem>>[vector<16xi32>], vector<16xf32>,
    %add3A_380 = arith.constant 320 : i32
    %add3A_381 = vector.broadcast %add3A_380 : i32 to vector<16xi32>
    %add3A_382 = arith.addi %add3A_381, %select_n3A : vector<16xi32>
    %gather3A_383 = tpu.vector_load_idx %arg4[%add3A_382, %select_n3A_173] : memref<512x2xi32, #tpu.memory_space<vmem>>[vector<16xi32>, vector<16xi32>], vector<16xi32>,
    %add3A_384 = arith.addi %mul3A_176, %gather3A_383 : vector<16xi32>
    tpu.vector_store_idx %arg5[%add3A_384], %broadcast_in_dim3A_178 {add = true} : memref<1024xf32, #tpu.memory_space<vmem>>[vector<16xi32>], vector<16xf32>,
    %add3A_385 = arith.constant 328 : i32
    %add3A_386 = vector.broadcast %add3A_385 : i32 to vector<16xi32>
    %add3A_387 = arith.addi %add3A_386, %select_n3A : vector<16xi32>
    %gather3A_388 = tpu.vector_load_idx %arg4[%add3A_387, %select_n3A_173] : memref<512x2xi32, #tpu.memory_space<vmem>>[vector<16xi32>, vector<16xi32>], vector<16xi32>,
    %add3A_389 = arith.addi %mul3A_176, %gather3A_388 : vector<16xi32>
    tpu.vector_store_idx %arg5[%add3A_389], %broadcast_in_dim3A_178 {add = true} : memref<1024xf32, #tpu.memory_space<vmem>>[vector<16xi32>], vector<16xf32>,
    %add3A_390 = arith.constant 336 : i32
    %add3A_391 = vector.broadcast %add3A_390 : i32 to vector<16xi32>
    %add3A_392 = arith.addi %add3A_391, %select_n3A : vector<16xi32>
    %gather3A_393 = tpu.vector_load_idx %arg4[%add3A_392, %select_n3A_173] : memref<512x2xi32, #tpu.memory_space<vmem>>[vector<16xi32>, vector<16xi32>], vector<16xi32>,
    %add3A_394 = arith.addi %mul3A_176, %gather3A_393 : vector<16xi32>
    tpu.vector_store_idx %arg5[%add3A_394], %broadcast_in_dim3A_178 {add = true} : memref<1024xf32, #tpu.memory_space<vmem>>[vector<16xi32>], vector<16xf32>,
    %add3A_395 = arith.constant 344 : i32
    %add3A_396 = vector.broadcast %add3A_395 : i32 to vector<16xi32>
    %add3A_397 = arith.addi %add3A_396, %select_n3A : vector<16xi32>
    %gather3A_398 = tpu.vector_load_idx %arg4[%add3A_397, %select_n3A_173] : memref<512x2xi32, #tpu.memory_space<vmem>>[vector<16xi32>, vector<16xi32>], vector<16xi32>,
    %add3A_399 = arith.addi %mul3A_176, %gather3A_398 : vector<16xi32>
    tpu.vector_store_idx %arg5[%add3A_399], %broadcast_in_dim3A_178 {add = true} : memref<1024xf32, #tpu.memory_space<vmem>>[vector<16xi32>], vector<16xf32>,
    %add3A_400 = arith.constant 352 : i32
    %add3A_401 = vector.broadcast %add3A_400 : i32 to vector<16xi32>
    %add3A_402 = arith.addi %add3A_401, %select_n3A : vector<16xi32>
    %gather3A_403 = tpu.vector_load_idx %arg4[%add3A_402, %select_n3A_173] : memref<512x2xi32, #tpu.memory_space<vmem>>[vector<16xi32>, vector<16xi32>], vector<16xi32>,
    %add3A_404 = arith.addi %mul3A_176, %gather3A_403 : vector<16xi32>
    tpu.vector_store_idx %arg5[%add3A_404], %broadcast_in_dim3A_178 {add = true} : memref<1024xf32, #tpu.memory_space<vmem>>[vector<16xi32>], vector<16xf32>,
    %add3A_405 = arith.constant 360 : i32
    %add3A_406 = vector.broadcast %add3A_405 : i32 to vector<16xi32>
    %add3A_407 = arith.addi %add3A_406, %select_n3A : vector<16xi32>
    %gather3A_408 = tpu.vector_load_idx %arg4[%add3A_407, %select_n3A_173] : memref<512x2xi32, #tpu.memory_space<vmem>>[vector<16xi32>, vector<16xi32>], vector<16xi32>,
    %add3A_409 = arith.addi %mul3A_176, %gather3A_408 : vector<16xi32>
    tpu.vector_store_idx %arg5[%add3A_409], %broadcast_in_dim3A_178 {add = true} : memref<1024xf32, #tpu.memory_space<vmem>>[vector<16xi32>], vector<16xf32>,
    %add3A_410 = arith.constant 368 : i32
    %add3A_411 = vector.broadcast %add3A_410 : i32 to vector<16xi32>
    %add3A_412 = arith.addi %add3A_411, %select_n3A : vector<16xi32>
    %gather3A_413 = tpu.vector_load_idx %arg4[%add3A_412, %select_n3A_173] : memref<512x2xi32, #tpu.memory_space<vmem>>[vector<16xi32>, vector<16xi32>], vector<16xi32>,
    %add3A_414 = arith.addi %mul3A_176, %gather3A_413 : vector<16xi32>
    tpu.vector_store_idx %arg5[%add3A_414], %broadcast_in_dim3A_178 {add = true} : memref<1024xf32, #tpu.memory_space<vmem>>[vector<16xi32>], vector<16xf32>,
    %add3A_415 = arith.constant 376 : i32
    %add3A_416 = vector.broadcast %add3A_415 : i32 to vector<16xi32>
    %add3A_417 = arith.addi %add3A_416, %select_n3A : vector<16xi32>
    %gather3A_418 = tpu.vector_load_idx %arg4[%add3A_417, %select_n3A_173] : memref<512x2xi32, #tpu.memory_space<vmem>>[vector<16xi32>, vector<16xi32>], vector<16xi32>,
    %add3A_419 = arith.addi %mul3A_176, %gather3A_418 : vector<16xi32>
    tpu.vector_store_idx %arg5[%add3A_419], %broadcast_in_dim3A_178 {add = true} : memref<1024xf32, #tpu.memory_space<vmem>>[vector<16xi32>], vector<16xf32>,
    %add3A_420 = arith.constant 384 : i32
    %add3A_421 = vector.broadcast %add3A_420 : i32 to vector<16xi32>
    %add3A_422 = arith.addi %add3A_421, %select_n3A : vector<16xi32>
    %gather3A_423 = tpu.vector_load_idx %arg4[%add3A_422, %select_n3A_173] : memref<512x2xi32, #tpu.memory_space<vmem>>[vector<16xi32>, vector<16xi32>], vector<16xi32>,
    %add3A_424 = arith.addi %mul3A_176, %gather3A_423 : vector<16xi32>
    tpu.vector_store_idx %arg5[%add3A_424], %broadcast_in_dim3A_178 {add = true} : memref<1024xf32, #tpu.memory_space<vmem>>[vector<16xi32>], vector<16xf32>,
    %add3A_425 = arith.constant 392 : i32
    %add3A_426 = vector.broadcast %add3A_425 : i32 to vector<16xi32>
    %add3A_427 = arith.addi %add3A_426, %select_n3A : vector<16xi32>
    %gather3A_428 = tpu.vector_load_idx %arg4[%add3A_427, %select_n3A_173] : memref<512x2xi32, #tpu.memory_space<vmem>>[vector<16xi32>, vector<16xi32>], vector<16xi32>,
    %add3A_429 = arith.addi %mul3A_176, %gather3A_428 : vector<16xi32>
    tpu.vector_store_idx %arg5[%add3A_429], %broadcast_in_dim3A_178 {add = true} : memref<1024xf32, #tpu.memory_space<vmem>>[vector<16xi32>], vector<16xf32>,
    %add3A_430 = arith.constant 400 : i32
    %add3A_431 = vector.broadcast %add3A_430 : i32 to vector<16xi32>
    %add3A_432 = arith.addi %add3A_431, %select_n3A : vector<16xi32>
    %gather3A_433 = tpu.vector_load_idx %arg4[%add3A_432, %select_n3A_173] : memref<512x2xi32, #tpu.memory_space<vmem>>[vector<16xi32>, vector<16xi32>], vector<16xi32>,
    %add3A_434 = arith.addi %mul3A_176, %gather3A_433 : vector<16xi32>
    tpu.vector_store_idx %arg5[%add3A_434], %broadcast_in_dim3A_178 {add = true} : memref<1024xf32, #tpu.memory_space<vmem>>[vector<16xi32>], vector<16xf32>,
    %add3A_435 = arith.constant 408 : i32
    %add3A_436 = vector.broadcast %add3A_435 : i32 to vector<16xi32>
    %add3A_437 = arith.addi %add3A_436, %select_n3A : vector<16xi32>
    %gather3A_438 = tpu.vector_load_idx %arg4[%add3A_437, %select_n3A_173] : memref<512x2xi32, #tpu.memory_space<vmem>>[vector<16xi32>, vector<16xi32>], vector<16xi32>,
    %add3A_439 = arith.addi %mul3A_176, %gather3A_438 : vector<16xi32>
    tpu.vector_store_idx %arg5[%add3A_439], %broadcast_in_dim3A_178 {add = true} : memref<1024xf32, #tpu.memory_space<vmem>>[vector<16xi32>], vector<16xf32>,
    %add3A_440 = arith.constant 416 : i32
    %add3A_441 = vector.broadcast %add3A_440 : i32 to vector<16xi32>
    %add3A_442 = arith.addi %add3A_441, %select_n3A : vector<16xi32>
    %gather3A_443 = tpu.vector_load_idx %arg4[%add3A_442, %select_n3A_173] : memref<512x2xi32, #tpu.memory_space<vmem>>[vector<16xi32>, vector<16xi32>], vector<16xi32>,
    %add3A_444 = arith.addi %mul3A_176, %gather3A_443 : vector<16xi32>
    tpu.vector_store_idx %arg5[%add3A_444], %broadcast_in_dim3A_178 {add = true} : memref<1024xf32, #tpu.memory_space<vmem>>[vector<16xi32>], vector<16xf32>,
    %add3A_445 = arith.constant 424 : i32
    %add3A_446 = vector.broadcast %add3A_445 : i32 to vector<16xi32>
    %add3A_447 = arith.addi %add3A_446, %select_n3A : vector<16xi32>
    %gather3A_448 = tpu.vector_load_idx %arg4[%add3A_447, %select_n3A_173] : memref<512x2xi32, #tpu.memory_space<vmem>>[vector<16xi32>, vector<16xi32>], vector<16xi32>,
    %add3A_449 = arith.addi %mul3A_176, %gather3A_448 : vector<16xi32>
    tpu.vector_store_idx %arg5[%add3A_449], %broadcast_in_dim3A_178 {add = true} : memref<1024xf32, #tpu.memory_space<vmem>>[vector<16xi32>], vector<16xf32>,
    %add3A_450 = arith.constant 432 : i32
    %add3A_451 = vector.broadcast %add3A_450 : i32 to vector<16xi32>
    %add3A_452 = arith.addi %add3A_451, %select_n3A : vector<16xi32>
    %gather3A_453 = tpu.vector_load_idx %arg4[%add3A_452, %select_n3A_173] : memref<512x2xi32, #tpu.memory_space<vmem>>[vector<16xi32>, vector<16xi32>], vector<16xi32>,
    %add3A_454 = arith.addi %mul3A_176, %gather3A_453 : vector<16xi32>
    tpu.vector_store_idx %arg5[%add3A_454], %broadcast_in_dim3A_178 {add = true} : memref<1024xf32, #tpu.memory_space<vmem>>[vector<16xi32>], vector<16xf32>,
    %add3A_455 = arith.constant 440 : i32
    %add3A_456 = vector.broadcast %add3A_455 : i32 to vector<16xi32>
    %add3A_457 = arith.addi %add3A_456, %select_n3A : vector<16xi32>
    %gather3A_458 = tpu.vector_load_idx %arg4[%add3A_457, %select_n3A_173] : memref<512x2xi32, #tpu.memory_space<vmem>>[vector<16xi32>, vector<16xi32>], vector<16xi32>,
    %add3A_459 = arith.addi %mul3A_176, %gather3A_458 : vector<16xi32>
    tpu.vector_store_idx %arg5[%add3A_459], %broadcast_in_dim3A_178 {add = true} : memref<1024xf32, #tpu.memory_space<vmem>>[vector<16xi32>], vector<16xf32>,
    %add3A_460 = arith.constant 448 : i32
    %add3A_461 = vector.broadcast %add3A_460 : i32 to vector<16xi32>
    %add3A_462 = arith.addi %add3A_461, %select_n3A : vector<16xi32>
    %gather3A_463 = tpu.vector_load_idx %arg4[%add3A_462, %select_n3A_173] : memref<512x2xi32, #tpu.memory_space<vmem>>[vector<16xi32>, vector<16xi32>], vector<16xi32>,
    %add3A_464 = arith.addi %mul3A_176, %gather3A_463 : vector<16xi32>
    tpu.vector_store_idx %arg5[%add3A_464], %broadcast_in_dim3A_178 {add = true} : memref<1024xf32, #tpu.memory_space<vmem>>[vector<16xi32>], vector<16xf32>,
    %add3A_465 = arith.constant 456 : i32
    %add3A_466 = vector.broadcast %add3A_465 : i32 to vector<16xi32>
    %add3A_467 = arith.addi %add3A_466, %select_n3A : vector<16xi32>
    %gather3A_468 = tpu.vector_load_idx %arg4[%add3A_467, %select_n3A_173] : memref<512x2xi32, #tpu.memory_space<vmem>>[vector<16xi32>, vector<16xi32>], vector<16xi32>,
    %add3A_469 = arith.addi %mul3A_176, %gather3A_468 : vector<16xi32>
    tpu.vector_store_idx %arg5[%add3A_469], %broadcast_in_dim3A_178 {add = true} : memref<1024xf32, #tpu.memory_space<vmem>>[vector<16xi32>], vector<16xf32>,
    %add3A_470 = arith.constant 464 : i32
    %add3A_471 = vector.broadcast %add3A_470 : i32 to vector<16xi32>
    %add3A_472 = arith.addi %add3A_471, %select_n3A : vector<16xi32>
    %gather3A_473 = tpu.vector_load_idx %arg4[%add3A_472, %select_n3A_173] : memref<512x2xi32, #tpu.memory_space<vmem>>[vector<16xi32>, vector<16xi32>], vector<16xi32>,
    %add3A_474 = arith.addi %mul3A_176, %gather3A_473 : vector<16xi32>
    tpu.vector_store_idx %arg5[%add3A_474], %broadcast_in_dim3A_178 {add = true} : memref<1024xf32, #tpu.memory_space<vmem>>[vector<16xi32>], vector<16xf32>,
    %add3A_475 = arith.constant 472 : i32
    %add3A_476 = vector.broadcast %add3A_475 : i32 to vector<16xi32>
    %add3A_477 = arith.addi %add3A_476, %select_n3A : vector<16xi32>
    %gather3A_478 = tpu.vector_load_idx %arg4[%add3A_477, %select_n3A_173] : memref<512x2xi32, #tpu.memory_space<vmem>>[vector<16xi32>, vector<16xi32>], vector<16xi32>,
    %add3A_479 = arith.addi %mul3A_176, %gather3A_478 : vector<16xi32>
    tpu.vector_store_idx %arg5[%add3A_479], %broadcast_in_dim3A_178 {add = true} : memref<1024xf32, #tpu.memory_space<vmem>>[vector<16xi32>], vector<16xf32>,
    %add3A_480 = arith.constant 480 : i32
    %add3A_481 = vector.broadcast %add3A_480 : i32 to vector<16xi32>
    %add3A_482 = arith.addi %add3A_481, %select_n3A : vector<16xi32>
    %gather3A_483 = tpu.vector_load_idx %arg4[%add3A_482, %select_n3A_173] : memref<512x2xi32, #tpu.memory_space<vmem>>[vector<16xi32>, vector<16xi32>], vector<16xi32>,
    %add3A_484 = arith.addi %mul3A_176, %gather3A_483 : vector<16xi32>
    tpu.vector_store_idx %arg5[%add3A_484], %broadcast_in_dim3A_178 {add = true} : memref<1024xf32, #tpu.memory_space<vmem>>[vector<16xi32>], vector<16xf32>,
    %add3A_485 = arith.constant 488 : i32
    %add3A_486 = vector.broadcast %add3A_485 : i32 to vector<16xi32>
    %add3A_487 = arith.addi %add3A_486, %select_n3A : vector<16xi32>
    %gather3A_488 = tpu.vector_load_idx %arg4[%add3A_487, %select_n3A_173] : memref<512x2xi32, #tpu.memory_space<vmem>>[vector<16xi32>, vector<16xi32>], vector<16xi32>,
    %add3A_489 = arith.addi %mul3A_176, %gather3A_488 : vector<16xi32>
    tpu.vector_store_idx %arg5[%add3A_489], %broadcast_in_dim3A_178 {add = true} : memref<1024xf32, #tpu.memory_space<vmem>>[vector<16xi32>], vector<16xf32>,
    %add3A_490 = arith.constant 496 : i32
    %add3A_491 = vector.broadcast %add3A_490 : i32 to vector<16xi32>
    %add3A_492 = arith.addi %add3A_491, %select_n3A : vector<16xi32>
    %gather3A_493 = tpu.vector_load_idx %arg4[%add3A_492, %select_n3A_173] : memref<512x2xi32, #tpu.memory_space<vmem>>[vector<16xi32>, vector<16xi32>], vector<16xi32>,
    %add3A_494 = arith.addi %mul3A_176, %gather3A_493 : vector<16xi32>
    tpu.vector_store_idx %arg5[%add3A_494], %broadcast_in_dim3A_178 {add = true} : memref<1024xf32, #tpu.memory_space<vmem>>[vector<16xi32>], vector<16xf32>,
    %add3A_495 = arith.constant 504 : i32
    %add3A_496 = vector.broadcast %add3A_495 : i32 to vector<16xi32>
    %add3A_497 = arith.addi %add3A_496, %select_n3A : vector<16xi32>
    %gather3A_498 = tpu.vector_load_idx %arg4[%add3A_497, %select_n3A_173] : memref<512x2xi32, #tpu.memory_space<vmem>>[vector<16xi32>, vector<16xi32>], vector<16xi32>,
    %add3A_499 = arith.addi %mul3A_176, %gather3A_498 : vector<16xi32>
    tpu.vector_store_idx %arg5[%add3A_499], %broadcast_in_dim3A_178 {add = true} : memref<1024xf32, #tpu.memory_space<vmem>>[vector<16xi32>], vector<16xf32>,
    %add3A_500 = arith.constant 512 : i32
    %add3A_501 = arith.addi %mul3A_2, %add3A_500 : i32
    "tpu.region"() ({
      %run_scoped3A = tpu.sem_alloc : memref<!tpu.dma_semaphore, #tpu.memory_space<semaphore_mem>>
      %dma_start3A = arith.constant 0 : i32
      %dma_start3A_1021 = tpu.memref_slice %arg2[%add3A_501, %dma_start3A] : memref<32768x2xi32, #tpu.memory_space<hbm>> -> memref<512x2xi32, #tpu.memory_space<hbm>>
      %dma_start3A_1022 = arith.constant 0 : i32
      %dma_start3A_1023 = tpu.memref_slice %arg2[%add3A_501, %dma_start3A_1022] : memref<32768x2xi32, #tpu.memory_space<hbm>> -> memref<512x2xi32, #tpu.memory_space<hbm>>
      tpu.enqueue_dma source(%dma_start3A_1023 : memref<512x2xi32, #tpu.memory_space<hbm>>) target(%arg4 : memref<512x2xi32, #tpu.memory_space<vmem>>) target_semaphore(%run_scoped3A : memref<!tpu.dma_semaphore, #tpu.memory_space<semaphore_mem>>)
      %dma_wait3A = arith.constant 0 : i32
      %dma_wait3A_1024 = tpu.memref_slice %arg2[%add3A_501, %dma_wait3A] : memref<32768x2xi32, #tpu.memory_space<hbm>> -> memref<512x2xi32, #tpu.memory_space<hbm>>
      %dma_wait3A_1025 = arith.constant 0 : i32
      %dma_wait3A_1026 = tpu.memref_slice %arg2[%add3A_501, %dma_wait3A_1025] : memref<32768x2xi32, #tpu.memory_space<hbm>> -> memref<512x2xi32, #tpu.memory_space<hbm>>
      tpu.wait_dma2 semaphore(%run_scoped3A : memref<!tpu.dma_semaphore, #tpu.memory_space<semaphore_mem>>) src(%dma_wait3A_1026 : memref<512x2xi32, #tpu.memory_space<hbm>>) dst(%arg4 : memref<512x2xi32, #tpu.memory_space<vmem>>)
      tpu.yield
    }) : () -> ()
    %add3A_502 = arith.constant 0 : i32
    %add3A_503 = vector.broadcast %add3A_502 : i32 to vector<16xi32>
    %add3A_504 = arith.addi %add3A_503, %select_n3A : vector<16xi32>
    %gather3A_505 = tpu.vector_load_idx %arg4[%add3A_504, %select_n3A_173] : memref<512x2xi32, #tpu.memory_space<vmem>>[vector<16xi32>, vector<16xi32>], vector<16xi32>,
    %add3A_506 = arith.addi %mul3A_176, %gather3A_505 : vector<16xi32>
    tpu.vector_store_idx %arg5[%add3A_506], %broadcast_in_dim3A_178 {add = true} : memref<1024xf32, #tpu.memory_space<vmem>>[vector<16xi32>], vector<16xf32>,
    %add3A_507 = arith.constant 8 : i32
    %add3A_508 = vector.broadcast %add3A_507 : i32 to vector<16xi32>
    %add3A_509 = arith.addi %add3A_508, %select_n3A : vector<16xi32>
    %gather3A_510 = tpu.vector_load_idx %arg4[%add3A_509, %select_n3A_173] : memref<512x2xi32, #tpu.memory_space<vmem>>[vector<16xi32>, vector<16xi32>], vector<16xi32>,
    %add3A_511 = arith.addi %mul3A_176, %gather3A_510 : vector<16xi32>
    tpu.vector_store_idx %arg5[%add3A_511], %broadcast_in_dim3A_178 {add = true} : memref<1024xf32, #tpu.memory_space<vmem>>[vector<16xi32>], vector<16xf32>,
    %add3A_512 = arith.constant 16 : i32
    %add3A_513 = vector.broadcast %add3A_512 : i32 to vector<16xi32>
    %add3A_514 = arith.addi %add3A_513, %select_n3A : vector<16xi32>
    %gather3A_515 = tpu.vector_load_idx %arg4[%add3A_514, %select_n3A_173] : memref<512x2xi32, #tpu.memory_space<vmem>>[vector<16xi32>, vector<16xi32>], vector<16xi32>,
    %add3A_516 = arith.addi %mul3A_176, %gather3A_515 : vector<16xi32>
    tpu.vector_store_idx %arg5[%add3A_516], %broadcast_in_dim3A_178 {add = true} : memref<1024xf32, #tpu.memory_space<vmem>>[vector<16xi32>], vector<16xf32>,
    %add3A_517 = arith.constant 24 : i32
    %add3A_518 = vector.broadcast %add3A_517 : i32 to vector<16xi32>
    %add3A_519 = arith.addi %add3A_518, %select_n3A : vector<16xi32>
    %gather3A_520 = tpu.vector_load_idx %arg4[%add3A_519, %select_n3A_173] : memref<512x2xi32, #tpu.memory_space<vmem>>[vector<16xi32>, vector<16xi32>], vector<16xi32>,
    %add3A_521 = arith.addi %mul3A_176, %gather3A_520 : vector<16xi32>
    tpu.vector_store_idx %arg5[%add3A_521], %broadcast_in_dim3A_178 {add = true} : memref<1024xf32, #tpu.memory_space<vmem>>[vector<16xi32>], vector<16xf32>,
    %add3A_522 = arith.constant 32 : i32
    %add3A_523 = vector.broadcast %add3A_522 : i32 to vector<16xi32>
    %add3A_524 = arith.addi %add3A_523, %select_n3A : vector<16xi32>
    %gather3A_525 = tpu.vector_load_idx %arg4[%add3A_524, %select_n3A_173] : memref<512x2xi32, #tpu.memory_space<vmem>>[vector<16xi32>, vector<16xi32>], vector<16xi32>,
    %add3A_526 = arith.addi %mul3A_176, %gather3A_525 : vector<16xi32>
    tpu.vector_store_idx %arg5[%add3A_526], %broadcast_in_dim3A_178 {add = true} : memref<1024xf32, #tpu.memory_space<vmem>>[vector<16xi32>], vector<16xf32>,
    %add3A_527 = arith.constant 40 : i32
    %add3A_528 = vector.broadcast %add3A_527 : i32 to vector<16xi32>
    %add3A_529 = arith.addi %add3A_528, %select_n3A : vector<16xi32>
    %gather3A_530 = tpu.vector_load_idx %arg4[%add3A_529, %select_n3A_173] : memref<512x2xi32, #tpu.memory_space<vmem>>[vector<16xi32>, vector<16xi32>], vector<16xi32>,
    %add3A_531 = arith.addi %mul3A_176, %gather3A_530 : vector<16xi32>
    tpu.vector_store_idx %arg5[%add3A_531], %broadcast_in_dim3A_178 {add = true} : memref<1024xf32, #tpu.memory_space<vmem>>[vector<16xi32>], vector<16xf32>,
    %add3A_532 = arith.constant 48 : i32
    %add3A_533 = vector.broadcast %add3A_532 : i32 to vector<16xi32>
    %add3A_534 = arith.addi %add3A_533, %select_n3A : vector<16xi32>
    %gather3A_535 = tpu.vector_load_idx %arg4[%add3A_534, %select_n3A_173] : memref<512x2xi32, #tpu.memory_space<vmem>>[vector<16xi32>, vector<16xi32>], vector<16xi32>,
    %add3A_536 = arith.addi %mul3A_176, %gather3A_535 : vector<16xi32>
    tpu.vector_store_idx %arg5[%add3A_536], %broadcast_in_dim3A_178 {add = true} : memref<1024xf32, #tpu.memory_space<vmem>>[vector<16xi32>], vector<16xf32>,
    %add3A_537 = arith.constant 56 : i32
    %add3A_538 = vector.broadcast %add3A_537 : i32 to vector<16xi32>
    %add3A_539 = arith.addi %add3A_538, %select_n3A : vector<16xi32>
    %gather3A_540 = tpu.vector_load_idx %arg4[%add3A_539, %select_n3A_173] : memref<512x2xi32, #tpu.memory_space<vmem>>[vector<16xi32>, vector<16xi32>], vector<16xi32>,
    %add3A_541 = arith.addi %mul3A_176, %gather3A_540 : vector<16xi32>
    tpu.vector_store_idx %arg5[%add3A_541], %broadcast_in_dim3A_178 {add = true} : memref<1024xf32, #tpu.memory_space<vmem>>[vector<16xi32>], vector<16xf32>,
    %add3A_542 = arith.constant 64 : i32
    %add3A_543 = vector.broadcast %add3A_542 : i32 to vector<16xi32>
    %add3A_544 = arith.addi %add3A_543, %select_n3A : vector<16xi32>
    %gather3A_545 = tpu.vector_load_idx %arg4[%add3A_544, %select_n3A_173] : memref<512x2xi32, #tpu.memory_space<vmem>>[vector<16xi32>, vector<16xi32>], vector<16xi32>,
    %add3A_546 = arith.addi %mul3A_176, %gather3A_545 : vector<16xi32>
    tpu.vector_store_idx %arg5[%add3A_546], %broadcast_in_dim3A_178 {add = true} : memref<1024xf32, #tpu.memory_space<vmem>>[vector<16xi32>], vector<16xf32>,
    %add3A_547 = arith.constant 72 : i32
    %add3A_548 = vector.broadcast %add3A_547 : i32 to vector<16xi32>
    %add3A_549 = arith.addi %add3A_548, %select_n3A : vector<16xi32>
    %gather3A_550 = tpu.vector_load_idx %arg4[%add3A_549, %select_n3A_173] : memref<512x2xi32, #tpu.memory_space<vmem>>[vector<16xi32>, vector<16xi32>], vector<16xi32>,
    %add3A_551 = arith.addi %mul3A_176, %gather3A_550 : vector<16xi32>
    tpu.vector_store_idx %arg5[%add3A_551], %broadcast_in_dim3A_178 {add = true} : memref<1024xf32, #tpu.memory_space<vmem>>[vector<16xi32>], vector<16xf32>,
    %add3A_552 = arith.constant 80 : i32
    %add3A_553 = vector.broadcast %add3A_552 : i32 to vector<16xi32>
    %add3A_554 = arith.addi %add3A_553, %select_n3A : vector<16xi32>
    %gather3A_555 = tpu.vector_load_idx %arg4[%add3A_554, %select_n3A_173] : memref<512x2xi32, #tpu.memory_space<vmem>>[vector<16xi32>, vector<16xi32>], vector<16xi32>,
    %add3A_556 = arith.addi %mul3A_176, %gather3A_555 : vector<16xi32>
    tpu.vector_store_idx %arg5[%add3A_556], %broadcast_in_dim3A_178 {add = true} : memref<1024xf32, #tpu.memory_space<vmem>>[vector<16xi32>], vector<16xf32>,
    %add3A_557 = arith.constant 88 : i32
    %add3A_558 = vector.broadcast %add3A_557 : i32 to vector<16xi32>
    %add3A_559 = arith.addi %add3A_558, %select_n3A : vector<16xi32>
    %gather3A_560 = tpu.vector_load_idx %arg4[%add3A_559, %select_n3A_173] : memref<512x2xi32, #tpu.memory_space<vmem>>[vector<16xi32>, vector<16xi32>], vector<16xi32>,
    %add3A_561 = arith.addi %mul3A_176, %gather3A_560 : vector<16xi32>
    tpu.vector_store_idx %arg5[%add3A_561], %broadcast_in_dim3A_178 {add = true} : memref<1024xf32, #tpu.memory_space<vmem>>[vector<16xi32>], vector<16xf32>,
    %add3A_562 = arith.constant 96 : i32
    %add3A_563 = vector.broadcast %add3A_562 : i32 to vector<16xi32>
    %add3A_564 = arith.addi %add3A_563, %select_n3A : vector<16xi32>
    %gather3A_565 = tpu.vector_load_idx %arg4[%add3A_564, %select_n3A_173] : memref<512x2xi32, #tpu.memory_space<vmem>>[vector<16xi32>, vector<16xi32>], vector<16xi32>,
    %add3A_566 = arith.addi %mul3A_176, %gather3A_565 : vector<16xi32>
    tpu.vector_store_idx %arg5[%add3A_566], %broadcast_in_dim3A_178 {add = true} : memref<1024xf32, #tpu.memory_space<vmem>>[vector<16xi32>], vector<16xf32>,
    %add3A_567 = arith.constant 104 : i32
    %add3A_568 = vector.broadcast %add3A_567 : i32 to vector<16xi32>
    %add3A_569 = arith.addi %add3A_568, %select_n3A : vector<16xi32>
    %gather3A_570 = tpu.vector_load_idx %arg4[%add3A_569, %select_n3A_173] : memref<512x2xi32, #tpu.memory_space<vmem>>[vector<16xi32>, vector<16xi32>], vector<16xi32>,
    %add3A_571 = arith.addi %mul3A_176, %gather3A_570 : vector<16xi32>
    tpu.vector_store_idx %arg5[%add3A_571], %broadcast_in_dim3A_178 {add = true} : memref<1024xf32, #tpu.memory_space<vmem>>[vector<16xi32>], vector<16xf32>,
    %add3A_572 = arith.constant 112 : i32
    %add3A_573 = vector.broadcast %add3A_572 : i32 to vector<16xi32>
    %add3A_574 = arith.addi %add3A_573, %select_n3A : vector<16xi32>
    %gather3A_575 = tpu.vector_load_idx %arg4[%add3A_574, %select_n3A_173] : memref<512x2xi32, #tpu.memory_space<vmem>>[vector<16xi32>, vector<16xi32>], vector<16xi32>,
    %add3A_576 = arith.addi %mul3A_176, %gather3A_575 : vector<16xi32>
    tpu.vector_store_idx %arg5[%add3A_576], %broadcast_in_dim3A_178 {add = true} : memref<1024xf32, #tpu.memory_space<vmem>>[vector<16xi32>], vector<16xf32>,
    %add3A_577 = arith.constant 120 : i32
    %add3A_578 = vector.broadcast %add3A_577 : i32 to vector<16xi32>
    %add3A_579 = arith.addi %add3A_578, %select_n3A : vector<16xi32>
    %gather3A_580 = tpu.vector_load_idx %arg4[%add3A_579, %select_n3A_173] : memref<512x2xi32, #tpu.memory_space<vmem>>[vector<16xi32>, vector<16xi32>], vector<16xi32>,
    %add3A_581 = arith.addi %mul3A_176, %gather3A_580 : vector<16xi32>
    tpu.vector_store_idx %arg5[%add3A_581], %broadcast_in_dim3A_178 {add = true} : memref<1024xf32, #tpu.memory_space<vmem>>[vector<16xi32>], vector<16xf32>,
    %add3A_582 = arith.constant 128 : i32
    %add3A_583 = vector.broadcast %add3A_582 : i32 to vector<16xi32>
    %add3A_584 = arith.addi %add3A_583, %select_n3A : vector<16xi32>
    %gather3A_585 = tpu.vector_load_idx %arg4[%add3A_584, %select_n3A_173] : memref<512x2xi32, #tpu.memory_space<vmem>>[vector<16xi32>, vector<16xi32>], vector<16xi32>,
    %add3A_586 = arith.addi %mul3A_176, %gather3A_585 : vector<16xi32>
    tpu.vector_store_idx %arg5[%add3A_586], %broadcast_in_dim3A_178 {add = true} : memref<1024xf32, #tpu.memory_space<vmem>>[vector<16xi32>], vector<16xf32>,
    %add3A_587 = arith.constant 136 : i32
    %add3A_588 = vector.broadcast %add3A_587 : i32 to vector<16xi32>
    %add3A_589 = arith.addi %add3A_588, %select_n3A : vector<16xi32>
    %gather3A_590 = tpu.vector_load_idx %arg4[%add3A_589, %select_n3A_173] : memref<512x2xi32, #tpu.memory_space<vmem>>[vector<16xi32>, vector<16xi32>], vector<16xi32>,
    %add3A_591 = arith.addi %mul3A_176, %gather3A_590 : vector<16xi32>
    tpu.vector_store_idx %arg5[%add3A_591], %broadcast_in_dim3A_178 {add = true} : memref<1024xf32, #tpu.memory_space<vmem>>[vector<16xi32>], vector<16xf32>,
    %add3A_592 = arith.constant 144 : i32
    %add3A_593 = vector.broadcast %add3A_592 : i32 to vector<16xi32>
    %add3A_594 = arith.addi %add3A_593, %select_n3A : vector<16xi32>
    %gather3A_595 = tpu.vector_load_idx %arg4[%add3A_594, %select_n3A_173] : memref<512x2xi32, #tpu.memory_space<vmem>>[vector<16xi32>, vector<16xi32>], vector<16xi32>,
    %add3A_596 = arith.addi %mul3A_176, %gather3A_595 : vector<16xi32>
    tpu.vector_store_idx %arg5[%add3A_596], %broadcast_in_dim3A_178 {add = true} : memref<1024xf32, #tpu.memory_space<vmem>>[vector<16xi32>], vector<16xf32>,
    %add3A_597 = arith.constant 152 : i32
    %add3A_598 = vector.broadcast %add3A_597 : i32 to vector<16xi32>
    %add3A_599 = arith.addi %add3A_598, %select_n3A : vector<16xi32>
    %gather3A_600 = tpu.vector_load_idx %arg4[%add3A_599, %select_n3A_173] : memref<512x2xi32, #tpu.memory_space<vmem>>[vector<16xi32>, vector<16xi32>], vector<16xi32>,
    %add3A_601 = arith.addi %mul3A_176, %gather3A_600 : vector<16xi32>
    tpu.vector_store_idx %arg5[%add3A_601], %broadcast_in_dim3A_178 {add = true} : memref<1024xf32, #tpu.memory_space<vmem>>[vector<16xi32>], vector<16xf32>,
    %add3A_602 = arith.constant 160 : i32
    %add3A_603 = vector.broadcast %add3A_602 : i32 to vector<16xi32>
    %add3A_604 = arith.addi %add3A_603, %select_n3A : vector<16xi32>
    %gather3A_605 = tpu.vector_load_idx %arg4[%add3A_604, %select_n3A_173] : memref<512x2xi32, #tpu.memory_space<vmem>>[vector<16xi32>, vector<16xi32>], vector<16xi32>,
    %add3A_606 = arith.addi %mul3A_176, %gather3A_605 : vector<16xi32>
    tpu.vector_store_idx %arg5[%add3A_606], %broadcast_in_dim3A_178 {add = true} : memref<1024xf32, #tpu.memory_space<vmem>>[vector<16xi32>], vector<16xf32>,
    %add3A_607 = arith.constant 168 : i32
    %add3A_608 = vector.broadcast %add3A_607 : i32 to vector<16xi32>
    %add3A_609 = arith.addi %add3A_608, %select_n3A : vector<16xi32>
    %gather3A_610 = tpu.vector_load_idx %arg4[%add3A_609, %select_n3A_173] : memref<512x2xi32, #tpu.memory_space<vmem>>[vector<16xi32>, vector<16xi32>], vector<16xi32>,
    %add3A_611 = arith.addi %mul3A_176, %gather3A_610 : vector<16xi32>
    tpu.vector_store_idx %arg5[%add3A_611], %broadcast_in_dim3A_178 {add = true} : memref<1024xf32, #tpu.memory_space<vmem>>[vector<16xi32>], vector<16xf32>,
    %add3A_612 = arith.constant 176 : i32
    %add3A_613 = vector.broadcast %add3A_612 : i32 to vector<16xi32>
    %add3A_614 = arith.addi %add3A_613, %select_n3A : vector<16xi32>
    %gather3A_615 = tpu.vector_load_idx %arg4[%add3A_614, %select_n3A_173] : memref<512x2xi32, #tpu.memory_space<vmem>>[vector<16xi32>, vector<16xi32>], vector<16xi32>,
    %add3A_616 = arith.addi %mul3A_176, %gather3A_615 : vector<16xi32>
    tpu.vector_store_idx %arg5[%add3A_616], %broadcast_in_dim3A_178 {add = true} : memref<1024xf32, #tpu.memory_space<vmem>>[vector<16xi32>], vector<16xf32>,
    %add3A_617 = arith.constant 184 : i32
    %add3A_618 = vector.broadcast %add3A_617 : i32 to vector<16xi32>
    %add3A_619 = arith.addi %add3A_618, %select_n3A : vector<16xi32>
    %gather3A_620 = tpu.vector_load_idx %arg4[%add3A_619, %select_n3A_173] : memref<512x2xi32, #tpu.memory_space<vmem>>[vector<16xi32>, vector<16xi32>], vector<16xi32>,
    %add3A_621 = arith.addi %mul3A_176, %gather3A_620 : vector<16xi32>
    tpu.vector_store_idx %arg5[%add3A_621], %broadcast_in_dim3A_178 {add = true} : memref<1024xf32, #tpu.memory_space<vmem>>[vector<16xi32>], vector<16xf32>,
    %add3A_622 = arith.constant 192 : i32
    %add3A_623 = vector.broadcast %add3A_622 : i32 to vector<16xi32>
    %add3A_624 = arith.addi %add3A_623, %select_n3A : vector<16xi32>
    %gather3A_625 = tpu.vector_load_idx %arg4[%add3A_624, %select_n3A_173] : memref<512x2xi32, #tpu.memory_space<vmem>>[vector<16xi32>, vector<16xi32>], vector<16xi32>,
    %add3A_626 = arith.addi %mul3A_176, %gather3A_625 : vector<16xi32>
    tpu.vector_store_idx %arg5[%add3A_626], %broadcast_in_dim3A_178 {add = true} : memref<1024xf32, #tpu.memory_space<vmem>>[vector<16xi32>], vector<16xf32>,
    %add3A_627 = arith.constant 200 : i32
    %add3A_628 = vector.broadcast %add3A_627 : i32 to vector<16xi32>
    %add3A_629 = arith.addi %add3A_628, %select_n3A : vector<16xi32>
    %gather3A_630 = tpu.vector_load_idx %arg4[%add3A_629, %select_n3A_173] : memref<512x2xi32, #tpu.memory_space<vmem>>[vector<16xi32>, vector<16xi32>], vector<16xi32>,
    %add3A_631 = arith.addi %mul3A_176, %gather3A_630 : vector<16xi32>
    tpu.vector_store_idx %arg5[%add3A_631], %broadcast_in_dim3A_178 {add = true} : memref<1024xf32, #tpu.memory_space<vmem>>[vector<16xi32>], vector<16xf32>,
    %add3A_632 = arith.constant 208 : i32
    %add3A_633 = vector.broadcast %add3A_632 : i32 to vector<16xi32>
    %add3A_634 = arith.addi %add3A_633, %select_n3A : vector<16xi32>
    %gather3A_635 = tpu.vector_load_idx %arg4[%add3A_634, %select_n3A_173] : memref<512x2xi32, #tpu.memory_space<vmem>>[vector<16xi32>, vector<16xi32>], vector<16xi32>,
    %add3A_636 = arith.addi %mul3A_176, %gather3A_635 : vector<16xi32>
    tpu.vector_store_idx %arg5[%add3A_636], %broadcast_in_dim3A_178 {add = true} : memref<1024xf32, #tpu.memory_space<vmem>>[vector<16xi32>], vector<16xf32>,
    %add3A_637 = arith.constant 216 : i32
    %add3A_638 = vector.broadcast %add3A_637 : i32 to vector<16xi32>
    %add3A_639 = arith.addi %add3A_638, %select_n3A : vector<16xi32>
    %gather3A_640 = tpu.vector_load_idx %arg4[%add3A_639, %select_n3A_173] : memref<512x2xi32, #tpu.memory_space<vmem>>[vector<16xi32>, vector<16xi32>], vector<16xi32>,
    %add3A_641 = arith.addi %mul3A_176, %gather3A_640 : vector<16xi32>
    tpu.vector_store_idx %arg5[%add3A_641], %broadcast_in_dim3A_178 {add = true} : memref<1024xf32, #tpu.memory_space<vmem>>[vector<16xi32>], vector<16xf32>,
    %add3A_642 = arith.constant 224 : i32
    %add3A_643 = vector.broadcast %add3A_642 : i32 to vector<16xi32>
    %add3A_644 = arith.addi %add3A_643, %select_n3A : vector<16xi32>
    %gather3A_645 = tpu.vector_load_idx %arg4[%add3A_644, %select_n3A_173] : memref<512x2xi32, #tpu.memory_space<vmem>>[vector<16xi32>, vector<16xi32>], vector<16xi32>,
    %add3A_646 = arith.addi %mul3A_176, %gather3A_645 : vector<16xi32>
    tpu.vector_store_idx %arg5[%add3A_646], %broadcast_in_dim3A_178 {add = true} : memref<1024xf32, #tpu.memory_space<vmem>>[vector<16xi32>], vector<16xf32>,
    %add3A_647 = arith.constant 232 : i32
    %add3A_648 = vector.broadcast %add3A_647 : i32 to vector<16xi32>
    %add3A_649 = arith.addi %add3A_648, %select_n3A : vector<16xi32>
    %gather3A_650 = tpu.vector_load_idx %arg4[%add3A_649, %select_n3A_173] : memref<512x2xi32, #tpu.memory_space<vmem>>[vector<16xi32>, vector<16xi32>], vector<16xi32>,
    %add3A_651 = arith.addi %mul3A_176, %gather3A_650 : vector<16xi32>
    tpu.vector_store_idx %arg5[%add3A_651], %broadcast_in_dim3A_178 {add = true} : memref<1024xf32, #tpu.memory_space<vmem>>[vector<16xi32>], vector<16xf32>,
    %add3A_652 = arith.constant 240 : i32
    %add3A_653 = vector.broadcast %add3A_652 : i32 to vector<16xi32>
    %add3A_654 = arith.addi %add3A_653, %select_n3A : vector<16xi32>
    %gather3A_655 = tpu.vector_load_idx %arg4[%add3A_654, %select_n3A_173] : memref<512x2xi32, #tpu.memory_space<vmem>>[vector<16xi32>, vector<16xi32>], vector<16xi32>,
    %add3A_656 = arith.addi %mul3A_176, %gather3A_655 : vector<16xi32>
    tpu.vector_store_idx %arg5[%add3A_656], %broadcast_in_dim3A_178 {add = true} : memref<1024xf32, #tpu.memory_space<vmem>>[vector<16xi32>], vector<16xf32>,
    %add3A_657 = arith.constant 248 : i32
    %add3A_658 = vector.broadcast %add3A_657 : i32 to vector<16xi32>
    %add3A_659 = arith.addi %add3A_658, %select_n3A : vector<16xi32>
    %gather3A_660 = tpu.vector_load_idx %arg4[%add3A_659, %select_n3A_173] : memref<512x2xi32, #tpu.memory_space<vmem>>[vector<16xi32>, vector<16xi32>], vector<16xi32>,
    %add3A_661 = arith.addi %mul3A_176, %gather3A_660 : vector<16xi32>
    tpu.vector_store_idx %arg5[%add3A_661], %broadcast_in_dim3A_178 {add = true} : memref<1024xf32, #tpu.memory_space<vmem>>[vector<16xi32>], vector<16xf32>,
    %add3A_662 = arith.constant 256 : i32
    %add3A_663 = vector.broadcast %add3A_662 : i32 to vector<16xi32>
    %add3A_664 = arith.addi %add3A_663, %select_n3A : vector<16xi32>
    %gather3A_665 = tpu.vector_load_idx %arg4[%add3A_664, %select_n3A_173] : memref<512x2xi32, #tpu.memory_space<vmem>>[vector<16xi32>, vector<16xi32>], vector<16xi32>,
    %add3A_666 = arith.addi %mul3A_176, %gather3A_665 : vector<16xi32>
    tpu.vector_store_idx %arg5[%add3A_666], %broadcast_in_dim3A_178 {add = true} : memref<1024xf32, #tpu.memory_space<vmem>>[vector<16xi32>], vector<16xf32>,
    %add3A_667 = arith.constant 264 : i32
    %add3A_668 = vector.broadcast %add3A_667 : i32 to vector<16xi32>
    %add3A_669 = arith.addi %add3A_668, %select_n3A : vector<16xi32>
    %gather3A_670 = tpu.vector_load_idx %arg4[%add3A_669, %select_n3A_173] : memref<512x2xi32, #tpu.memory_space<vmem>>[vector<16xi32>, vector<16xi32>], vector<16xi32>,
    %add3A_671 = arith.addi %mul3A_176, %gather3A_670 : vector<16xi32>
    tpu.vector_store_idx %arg5[%add3A_671], %broadcast_in_dim3A_178 {add = true} : memref<1024xf32, #tpu.memory_space<vmem>>[vector<16xi32>], vector<16xf32>,
    %add3A_672 = arith.constant 272 : i32
    %add3A_673 = vector.broadcast %add3A_672 : i32 to vector<16xi32>
    %add3A_674 = arith.addi %add3A_673, %select_n3A : vector<16xi32>
    %gather3A_675 = tpu.vector_load_idx %arg4[%add3A_674, %select_n3A_173] : memref<512x2xi32, #tpu.memory_space<vmem>>[vector<16xi32>, vector<16xi32>], vector<16xi32>,
    %add3A_676 = arith.addi %mul3A_176, %gather3A_675 : vector<16xi32>
    tpu.vector_store_idx %arg5[%add3A_676], %broadcast_in_dim3A_178 {add = true} : memref<1024xf32, #tpu.memory_space<vmem>>[vector<16xi32>], vector<16xf32>,
    %add3A_677 = arith.constant 280 : i32
    %add3A_678 = vector.broadcast %add3A_677 : i32 to vector<16xi32>
    %add3A_679 = arith.addi %add3A_678, %select_n3A : vector<16xi32>
    %gather3A_680 = tpu.vector_load_idx %arg4[%add3A_679, %select_n3A_173] : memref<512x2xi32, #tpu.memory_space<vmem>>[vector<16xi32>, vector<16xi32>], vector<16xi32>,
    %add3A_681 = arith.addi %mul3A_176, %gather3A_680 : vector<16xi32>
    tpu.vector_store_idx %arg5[%add3A_681], %broadcast_in_dim3A_178 {add = true} : memref<1024xf32, #tpu.memory_space<vmem>>[vector<16xi32>], vector<16xf32>,
    %add3A_682 = arith.constant 288 : i32
    %add3A_683 = vector.broadcast %add3A_682 : i32 to vector<16xi32>
    %add3A_684 = arith.addi %add3A_683, %select_n3A : vector<16xi32>
    %gather3A_685 = tpu.vector_load_idx %arg4[%add3A_684, %select_n3A_173] : memref<512x2xi32, #tpu.memory_space<vmem>>[vector<16xi32>, vector<16xi32>], vector<16xi32>,
    %add3A_686 = arith.addi %mul3A_176, %gather3A_685 : vector<16xi32>
    tpu.vector_store_idx %arg5[%add3A_686], %broadcast_in_dim3A_178 {add = true} : memref<1024xf32, #tpu.memory_space<vmem>>[vector<16xi32>], vector<16xf32>,
    %add3A_687 = arith.constant 296 : i32
    %add3A_688 = vector.broadcast %add3A_687 : i32 to vector<16xi32>
    %add3A_689 = arith.addi %add3A_688, %select_n3A : vector<16xi32>
    %gather3A_690 = tpu.vector_load_idx %arg4[%add3A_689, %select_n3A_173] : memref<512x2xi32, #tpu.memory_space<vmem>>[vector<16xi32>, vector<16xi32>], vector<16xi32>,
    %add3A_691 = arith.addi %mul3A_176, %gather3A_690 : vector<16xi32>
    tpu.vector_store_idx %arg5[%add3A_691], %broadcast_in_dim3A_178 {add = true} : memref<1024xf32, #tpu.memory_space<vmem>>[vector<16xi32>], vector<16xf32>,
    %add3A_692 = arith.constant 304 : i32
    %add3A_693 = vector.broadcast %add3A_692 : i32 to vector<16xi32>
    %add3A_694 = arith.addi %add3A_693, %select_n3A : vector<16xi32>
    %gather3A_695 = tpu.vector_load_idx %arg4[%add3A_694, %select_n3A_173] : memref<512x2xi32, #tpu.memory_space<vmem>>[vector<16xi32>, vector<16xi32>], vector<16xi32>,
    %add3A_696 = arith.addi %mul3A_176, %gather3A_695 : vector<16xi32>
    tpu.vector_store_idx %arg5[%add3A_696], %broadcast_in_dim3A_178 {add = true} : memref<1024xf32, #tpu.memory_space<vmem>>[vector<16xi32>], vector<16xf32>,
    %add3A_697 = arith.constant 312 : i32
    %add3A_698 = vector.broadcast %add3A_697 : i32 to vector<16xi32>
    %add3A_699 = arith.addi %add3A_698, %select_n3A : vector<16xi32>
    %gather3A_700 = tpu.vector_load_idx %arg4[%add3A_699, %select_n3A_173] : memref<512x2xi32, #tpu.memory_space<vmem>>[vector<16xi32>, vector<16xi32>], vector<16xi32>,
    %add3A_701 = arith.addi %mul3A_176, %gather3A_700 : vector<16xi32>
    tpu.vector_store_idx %arg5[%add3A_701], %broadcast_in_dim3A_178 {add = true} : memref<1024xf32, #tpu.memory_space<vmem>>[vector<16xi32>], vector<16xf32>,
    %add3A_702 = arith.constant 320 : i32
    %add3A_703 = vector.broadcast %add3A_702 : i32 to vector<16xi32>
    %add3A_704 = arith.addi %add3A_703, %select_n3A : vector<16xi32>
    %gather3A_705 = tpu.vector_load_idx %arg4[%add3A_704, %select_n3A_173] : memref<512x2xi32, #tpu.memory_space<vmem>>[vector<16xi32>, vector<16xi32>], vector<16xi32>,
    %add3A_706 = arith.addi %mul3A_176, %gather3A_705 : vector<16xi32>
    tpu.vector_store_idx %arg5[%add3A_706], %broadcast_in_dim3A_178 {add = true} : memref<1024xf32, #tpu.memory_space<vmem>>[vector<16xi32>], vector<16xf32>,
    %add3A_707 = arith.constant 328 : i32
    %add3A_708 = vector.broadcast %add3A_707 : i32 to vector<16xi32>
    %add3A_709 = arith.addi %add3A_708, %select_n3A : vector<16xi32>
    %gather3A_710 = tpu.vector_load_idx %arg4[%add3A_709, %select_n3A_173] : memref<512x2xi32, #tpu.memory_space<vmem>>[vector<16xi32>, vector<16xi32>], vector<16xi32>,
    %add3A_711 = arith.addi %mul3A_176, %gather3A_710 : vector<16xi32>
    tpu.vector_store_idx %arg5[%add3A_711], %broadcast_in_dim3A_178 {add = true} : memref<1024xf32, #tpu.memory_space<vmem>>[vector<16xi32>], vector<16xf32>,
    %add3A_712 = arith.constant 336 : i32
    %add3A_713 = vector.broadcast %add3A_712 : i32 to vector<16xi32>
    %add3A_714 = arith.addi %add3A_713, %select_n3A : vector<16xi32>
    %gather3A_715 = tpu.vector_load_idx %arg4[%add3A_714, %select_n3A_173] : memref<512x2xi32, #tpu.memory_space<vmem>>[vector<16xi32>, vector<16xi32>], vector<16xi32>,
    %add3A_716 = arith.addi %mul3A_176, %gather3A_715 : vector<16xi32>
    tpu.vector_store_idx %arg5[%add3A_716], %broadcast_in_dim3A_178 {add = true} : memref<1024xf32, #tpu.memory_space<vmem>>[vector<16xi32>], vector<16xf32>,
    %add3A_717 = arith.constant 344 : i32
    %add3A_718 = vector.broadcast %add3A_717 : i32 to vector<16xi32>
    %add3A_719 = arith.addi %add3A_718, %select_n3A : vector<16xi32>
    %gather3A_720 = tpu.vector_load_idx %arg4[%add3A_719, %select_n3A_173] : memref<512x2xi32, #tpu.memory_space<vmem>>[vector<16xi32>, vector<16xi32>], vector<16xi32>,
    %add3A_721 = arith.addi %mul3A_176, %gather3A_720 : vector<16xi32>
    tpu.vector_store_idx %arg5[%add3A_721], %broadcast_in_dim3A_178 {add = true} : memref<1024xf32, #tpu.memory_space<vmem>>[vector<16xi32>], vector<16xf32>,
    %add3A_722 = arith.constant 352 : i32
    %add3A_723 = vector.broadcast %add3A_722 : i32 to vector<16xi32>
    %add3A_724 = arith.addi %add3A_723, %select_n3A : vector<16xi32>
    %gather3A_725 = tpu.vector_load_idx %arg4[%add3A_724, %select_n3A_173] : memref<512x2xi32, #tpu.memory_space<vmem>>[vector<16xi32>, vector<16xi32>], vector<16xi32>,
    %add3A_726 = arith.addi %mul3A_176, %gather3A_725 : vector<16xi32>
    tpu.vector_store_idx %arg5[%add3A_726], %broadcast_in_dim3A_178 {add = true} : memref<1024xf32, #tpu.memory_space<vmem>>[vector<16xi32>], vector<16xf32>,
    %add3A_727 = arith.constant 360 : i32
    %add3A_728 = vector.broadcast %add3A_727 : i32 to vector<16xi32>
    %add3A_729 = arith.addi %add3A_728, %select_n3A : vector<16xi32>
    %gather3A_730 = tpu.vector_load_idx %arg4[%add3A_729, %select_n3A_173] : memref<512x2xi32, #tpu.memory_space<vmem>>[vector<16xi32>, vector<16xi32>], vector<16xi32>,
    %add3A_731 = arith.addi %mul3A_176, %gather3A_730 : vector<16xi32>
    tpu.vector_store_idx %arg5[%add3A_731], %broadcast_in_dim3A_178 {add = true} : memref<1024xf32, #tpu.memory_space<vmem>>[vector<16xi32>], vector<16xf32>,
    %add3A_732 = arith.constant 368 : i32
    %add3A_733 = vector.broadcast %add3A_732 : i32 to vector<16xi32>
    %add3A_734 = arith.addi %add3A_733, %select_n3A : vector<16xi32>
    %gather3A_735 = tpu.vector_load_idx %arg4[%add3A_734, %select_n3A_173] : memref<512x2xi32, #tpu.memory_space<vmem>>[vector<16xi32>, vector<16xi32>], vector<16xi32>,
    %add3A_736 = arith.addi %mul3A_176, %gather3A_735 : vector<16xi32>
    tpu.vector_store_idx %arg5[%add3A_736], %broadcast_in_dim3A_178 {add = true} : memref<1024xf32, #tpu.memory_space<vmem>>[vector<16xi32>], vector<16xf32>,
    %add3A_737 = arith.constant 376 : i32
    %add3A_738 = vector.broadcast %add3A_737 : i32 to vector<16xi32>
    %add3A_739 = arith.addi %add3A_738, %select_n3A : vector<16xi32>
    %gather3A_740 = tpu.vector_load_idx %arg4[%add3A_739, %select_n3A_173] : memref<512x2xi32, #tpu.memory_space<vmem>>[vector<16xi32>, vector<16xi32>], vector<16xi32>,
    %add3A_741 = arith.addi %mul3A_176, %gather3A_740 : vector<16xi32>
    tpu.vector_store_idx %arg5[%add3A_741], %broadcast_in_dim3A_178 {add = true} : memref<1024xf32, #tpu.memory_space<vmem>>[vector<16xi32>], vector<16xf32>,
    %add3A_742 = arith.constant 384 : i32
    %add3A_743 = vector.broadcast %add3A_742 : i32 to vector<16xi32>
    %add3A_744 = arith.addi %add3A_743, %select_n3A : vector<16xi32>
    %gather3A_745 = tpu.vector_load_idx %arg4[%add3A_744, %select_n3A_173] : memref<512x2xi32, #tpu.memory_space<vmem>>[vector<16xi32>, vector<16xi32>], vector<16xi32>,
    %add3A_746 = arith.addi %mul3A_176, %gather3A_745 : vector<16xi32>
    tpu.vector_store_idx %arg5[%add3A_746], %broadcast_in_dim3A_178 {add = true} : memref<1024xf32, #tpu.memory_space<vmem>>[vector<16xi32>], vector<16xf32>,
    %add3A_747 = arith.constant 392 : i32
    %add3A_748 = vector.broadcast %add3A_747 : i32 to vector<16xi32>
    %add3A_749 = arith.addi %add3A_748, %select_n3A : vector<16xi32>
    %gather3A_750 = tpu.vector_load_idx %arg4[%add3A_749, %select_n3A_173] : memref<512x2xi32, #tpu.memory_space<vmem>>[vector<16xi32>, vector<16xi32>], vector<16xi32>,
    %add3A_751 = arith.addi %mul3A_176, %gather3A_750 : vector<16xi32>
    tpu.vector_store_idx %arg5[%add3A_751], %broadcast_in_dim3A_178 {add = true} : memref<1024xf32, #tpu.memory_space<vmem>>[vector<16xi32>], vector<16xf32>,
    %add3A_752 = arith.constant 400 : i32
    %add3A_753 = vector.broadcast %add3A_752 : i32 to vector<16xi32>
    %add3A_754 = arith.addi %add3A_753, %select_n3A : vector<16xi32>
    %gather3A_755 = tpu.vector_load_idx %arg4[%add3A_754, %select_n3A_173] : memref<512x2xi32, #tpu.memory_space<vmem>>[vector<16xi32>, vector<16xi32>], vector<16xi32>,
    %add3A_756 = arith.addi %mul3A_176, %gather3A_755 : vector<16xi32>
    tpu.vector_store_idx %arg5[%add3A_756], %broadcast_in_dim3A_178 {add = true} : memref<1024xf32, #tpu.memory_space<vmem>>[vector<16xi32>], vector<16xf32>,
    %add3A_757 = arith.constant 408 : i32
    %add3A_758 = vector.broadcast %add3A_757 : i32 to vector<16xi32>
    %add3A_759 = arith.addi %add3A_758, %select_n3A : vector<16xi32>
    %gather3A_760 = tpu.vector_load_idx %arg4[%add3A_759, %select_n3A_173] : memref<512x2xi32, #tpu.memory_space<vmem>>[vector<16xi32>, vector<16xi32>], vector<16xi32>,
    %add3A_761 = arith.addi %mul3A_176, %gather3A_760 : vector<16xi32>
    tpu.vector_store_idx %arg5[%add3A_761], %broadcast_in_dim3A_178 {add = true} : memref<1024xf32, #tpu.memory_space<vmem>>[vector<16xi32>], vector<16xf32>,
    %add3A_762 = arith.constant 416 : i32
    %add3A_763 = vector.broadcast %add3A_762 : i32 to vector<16xi32>
    %add3A_764 = arith.addi %add3A_763, %select_n3A : vector<16xi32>
    %gather3A_765 = tpu.vector_load_idx %arg4[%add3A_764, %select_n3A_173] : memref<512x2xi32, #tpu.memory_space<vmem>>[vector<16xi32>, vector<16xi32>], vector<16xi32>,
    %add3A_766 = arith.addi %mul3A_176, %gather3A_765 : vector<16xi32>
    tpu.vector_store_idx %arg5[%add3A_766], %broadcast_in_dim3A_178 {add = true} : memref<1024xf32, #tpu.memory_space<vmem>>[vector<16xi32>], vector<16xf32>,
    %add3A_767 = arith.constant 424 : i32
    %add3A_768 = vector.broadcast %add3A_767 : i32 to vector<16xi32>
    %add3A_769 = arith.addi %add3A_768, %select_n3A : vector<16xi32>
    %gather3A_770 = tpu.vector_load_idx %arg4[%add3A_769, %select_n3A_173] : memref<512x2xi32, #tpu.memory_space<vmem>>[vector<16xi32>, vector<16xi32>], vector<16xi32>,
    %add3A_771 = arith.addi %mul3A_176, %gather3A_770 : vector<16xi32>
    tpu.vector_store_idx %arg5[%add3A_771], %broadcast_in_dim3A_178 {add = true} : memref<1024xf32, #tpu.memory_space<vmem>>[vector<16xi32>], vector<16xf32>,
    %add3A_772 = arith.constant 432 : i32
    %add3A_773 = vector.broadcast %add3A_772 : i32 to vector<16xi32>
    %add3A_774 = arith.addi %add3A_773, %select_n3A : vector<16xi32>
    %gather3A_775 = tpu.vector_load_idx %arg4[%add3A_774, %select_n3A_173] : memref<512x2xi32, #tpu.memory_space<vmem>>[vector<16xi32>, vector<16xi32>], vector<16xi32>,
    %add3A_776 = arith.addi %mul3A_176, %gather3A_775 : vector<16xi32>
    tpu.vector_store_idx %arg5[%add3A_776], %broadcast_in_dim3A_178 {add = true} : memref<1024xf32, #tpu.memory_space<vmem>>[vector<16xi32>], vector<16xf32>,
    %add3A_777 = arith.constant 440 : i32
    %add3A_778 = vector.broadcast %add3A_777 : i32 to vector<16xi32>
    %add3A_779 = arith.addi %add3A_778, %select_n3A : vector<16xi32>
    %gather3A_780 = tpu.vector_load_idx %arg4[%add3A_779, %select_n3A_173] : memref<512x2xi32, #tpu.memory_space<vmem>>[vector<16xi32>, vector<16xi32>], vector<16xi32>,
    %add3A_781 = arith.addi %mul3A_176, %gather3A_780 : vector<16xi32>
    tpu.vector_store_idx %arg5[%add3A_781], %broadcast_in_dim3A_178 {add = true} : memref<1024xf32, #tpu.memory_space<vmem>>[vector<16xi32>], vector<16xf32>,
    %add3A_782 = arith.constant 448 : i32
    %add3A_783 = vector.broadcast %add3A_782 : i32 to vector<16xi32>
    %add3A_784 = arith.addi %add3A_783, %select_n3A : vector<16xi32>
    %gather3A_785 = tpu.vector_load_idx %arg4[%add3A_784, %select_n3A_173] : memref<512x2xi32, #tpu.memory_space<vmem>>[vector<16xi32>, vector<16xi32>], vector<16xi32>,
    %add3A_786 = arith.addi %mul3A_176, %gather3A_785 : vector<16xi32>
    tpu.vector_store_idx %arg5[%add3A_786], %broadcast_in_dim3A_178 {add = true} : memref<1024xf32, #tpu.memory_space<vmem>>[vector<16xi32>], vector<16xf32>,
    %add3A_787 = arith.constant 456 : i32
    %add3A_788 = vector.broadcast %add3A_787 : i32 to vector<16xi32>
    %add3A_789 = arith.addi %add3A_788, %select_n3A : vector<16xi32>
    %gather3A_790 = tpu.vector_load_idx %arg4[%add3A_789, %select_n3A_173] : memref<512x2xi32, #tpu.memory_space<vmem>>[vector<16xi32>, vector<16xi32>], vector<16xi32>,
    %add3A_791 = arith.addi %mul3A_176, %gather3A_790 : vector<16xi32>
    tpu.vector_store_idx %arg5[%add3A_791], %broadcast_in_dim3A_178 {add = true} : memref<1024xf32, #tpu.memory_space<vmem>>[vector<16xi32>], vector<16xf32>,
    %add3A_792 = arith.constant 464 : i32
    %add3A_793 = vector.broadcast %add3A_792 : i32 to vector<16xi32>
    %add3A_794 = arith.addi %add3A_793, %select_n3A : vector<16xi32>
    %gather3A_795 = tpu.vector_load_idx %arg4[%add3A_794, %select_n3A_173] : memref<512x2xi32, #tpu.memory_space<vmem>>[vector<16xi32>, vector<16xi32>], vector<16xi32>,
    %add3A_796 = arith.addi %mul3A_176, %gather3A_795 : vector<16xi32>
    tpu.vector_store_idx %arg5[%add3A_796], %broadcast_in_dim3A_178 {add = true} : memref<1024xf32, #tpu.memory_space<vmem>>[vector<16xi32>], vector<16xf32>,
    %add3A_797 = arith.constant 472 : i32
    %add3A_798 = vector.broadcast %add3A_797 : i32 to vector<16xi32>
    %add3A_799 = arith.addi %add3A_798, %select_n3A : vector<16xi32>
    %gather3A_800 = tpu.vector_load_idx %arg4[%add3A_799, %select_n3A_173] : memref<512x2xi32, #tpu.memory_space<vmem>>[vector<16xi32>, vector<16xi32>], vector<16xi32>,
    %add3A_801 = arith.addi %mul3A_176, %gather3A_800 : vector<16xi32>
    tpu.vector_store_idx %arg5[%add3A_801], %broadcast_in_dim3A_178 {add = true} : memref<1024xf32, #tpu.memory_space<vmem>>[vector<16xi32>], vector<16xf32>,
    %add3A_802 = arith.constant 480 : i32
    %add3A_803 = vector.broadcast %add3A_802 : i32 to vector<16xi32>
    %add3A_804 = arith.addi %add3A_803, %select_n3A : vector<16xi32>
    %gather3A_805 = tpu.vector_load_idx %arg4[%add3A_804, %select_n3A_173] : memref<512x2xi32, #tpu.memory_space<vmem>>[vector<16xi32>, vector<16xi32>], vector<16xi32>,
    %add3A_806 = arith.addi %mul3A_176, %gather3A_805 : vector<16xi32>
    tpu.vector_store_idx %arg5[%add3A_806], %broadcast_in_dim3A_178 {add = true} : memref<1024xf32, #tpu.memory_space<vmem>>[vector<16xi32>], vector<16xf32>,
    %add3A_807 = arith.constant 488 : i32
    %add3A_808 = vector.broadcast %add3A_807 : i32 to vector<16xi32>
    %add3A_809 = arith.addi %add3A_808, %select_n3A : vector<16xi32>
    %gather3A_810 = tpu.vector_load_idx %arg4[%add3A_809, %select_n3A_173] : memref<512x2xi32, #tpu.memory_space<vmem>>[vector<16xi32>, vector<16xi32>], vector<16xi32>,
    %add3A_811 = arith.addi %mul3A_176, %gather3A_810 : vector<16xi32>
    tpu.vector_store_idx %arg5[%add3A_811], %broadcast_in_dim3A_178 {add = true} : memref<1024xf32, #tpu.memory_space<vmem>>[vector<16xi32>], vector<16xf32>,
    %add3A_812 = arith.constant 496 : i32
    %add3A_813 = vector.broadcast %add3A_812 : i32 to vector<16xi32>
    %add3A_814 = arith.addi %add3A_813, %select_n3A : vector<16xi32>
    %gather3A_815 = tpu.vector_load_idx %arg4[%add3A_814, %select_n3A_173] : memref<512x2xi32, #tpu.memory_space<vmem>>[vector<16xi32>, vector<16xi32>], vector<16xi32>,
    %add3A_816 = arith.addi %mul3A_176, %gather3A_815 : vector<16xi32>
    tpu.vector_store_idx %arg5[%add3A_816], %broadcast_in_dim3A_178 {add = true} : memref<1024xf32, #tpu.memory_space<vmem>>[vector<16xi32>], vector<16xf32>,
    %add3A_817 = arith.constant 504 : i32
    %add3A_818 = vector.broadcast %add3A_817 : i32 to vector<16xi32>
    %add3A_819 = arith.addi %add3A_818, %select_n3A : vector<16xi32>
    %gather3A_820 = tpu.vector_load_idx %arg4[%add3A_819, %select_n3A_173] : memref<512x2xi32, #tpu.memory_space<vmem>>[vector<16xi32>, vector<16xi32>], vector<16xi32>,
    %add3A_821 = arith.addi %mul3A_176, %gather3A_820 : vector<16xi32>
    tpu.vector_store_idx %arg5[%add3A_821], %broadcast_in_dim3A_178 {add = true} : memref<1024xf32, #tpu.memory_space<vmem>>[vector<16xi32>], vector<16xf32>,
    %get3A = arith.constant 0 : index
    %get3A_822 = tpu.vector_load %arg5[%get3A] {strides = array<i32>} : memref<1024xf32, #tpu.memory_space<vmem>>, vector<16xf32>,
    %add3A_823 = arith.addf %broadcast_in_dim3A_3, %get3A_822 : vector<16xf32>
    %get3A_824 = arith.constant 64 : index
    %get3A_825 = tpu.vector_load %arg5[%get3A_824] {strides = array<i32>} : memref<1024xf32, #tpu.memory_space<vmem>>, vector<16xf32>,
    %add3A_826 = arith.addf %add3A_823, %get3A_825 : vector<16xf32>
    %get3A_827 = arith.constant 128 : index
    %get3A_828 = tpu.vector_load %arg5[%get3A_827] {strides = array<i32>} : memref<1024xf32, #tpu.memory_space<vmem>>, vector<16xf32>,
    %add3A_829 = arith.addf %add3A_826, %get3A_828 : vector<16xf32>
    %get3A_830 = arith.constant 192 : index
    %get3A_831 = tpu.vector_load %arg5[%get3A_830] {strides = array<i32>} : memref<1024xf32, #tpu.memory_space<vmem>>, vector<16xf32>,
    %add3A_832 = arith.addf %add3A_829, %get3A_831 : vector<16xf32>
    %get3A_833 = arith.constant 256 : index
    %get3A_834 = tpu.vector_load %arg5[%get3A_833] {strides = array<i32>} : memref<1024xf32, #tpu.memory_space<vmem>>, vector<16xf32>,
    %add3A_835 = arith.addf %add3A_832, %get3A_834 : vector<16xf32>
    %get3A_836 = arith.constant 320 : index
    %get3A_837 = tpu.vector_load %arg5[%get3A_836] {strides = array<i32>} : memref<1024xf32, #tpu.memory_space<vmem>>, vector<16xf32>,
    %add3A_838 = arith.addf %add3A_835, %get3A_837 : vector<16xf32>
    %get3A_839 = arith.constant 384 : index
    %get3A_840 = tpu.vector_load %arg5[%get3A_839] {strides = array<i32>} : memref<1024xf32, #tpu.memory_space<vmem>>, vector<16xf32>,
    %add3A_841 = arith.addf %add3A_838, %get3A_840 : vector<16xf32>
    %get3A_842 = arith.constant 448 : index
    %get3A_843 = tpu.vector_load %arg5[%get3A_842] {strides = array<i32>} : memref<1024xf32, #tpu.memory_space<vmem>>, vector<16xf32>,
    %add3A_844 = arith.addf %add3A_841, %get3A_843 : vector<16xf32>
    %get3A_845 = arith.constant 512 : index
    %get3A_846 = tpu.vector_load %arg5[%get3A_845] {strides = array<i32>} : memref<1024xf32, #tpu.memory_space<vmem>>, vector<16xf32>,
    %add3A_847 = arith.addf %add3A_844, %get3A_846 : vector<16xf32>
    %get3A_848 = arith.constant 576 : index
    %get3A_849 = tpu.vector_load %arg5[%get3A_848] {strides = array<i32>} : memref<1024xf32, #tpu.memory_space<vmem>>, vector<16xf32>,
    %add3A_850 = arith.addf %add3A_847, %get3A_849 : vector<16xf32>
    %get3A_851 = arith.constant 640 : index
    %get3A_852 = tpu.vector_load %arg5[%get3A_851] {strides = array<i32>} : memref<1024xf32, #tpu.memory_space<vmem>>, vector<16xf32>,
    %add3A_853 = arith.addf %add3A_850, %get3A_852 : vector<16xf32>
    %get3A_854 = arith.constant 704 : index
    %get3A_855 = tpu.vector_load %arg5[%get3A_854] {strides = array<i32>} : memref<1024xf32, #tpu.memory_space<vmem>>, vector<16xf32>,
    %add3A_856 = arith.addf %add3A_853, %get3A_855 : vector<16xf32>
    %get3A_857 = arith.constant 768 : index
    %get3A_858 = tpu.vector_load %arg5[%get3A_857] {strides = array<i32>} : memref<1024xf32, #tpu.memory_space<vmem>>, vector<16xf32>,
    %add3A_859 = arith.addf %add3A_856, %get3A_858 : vector<16xf32>
    %get3A_860 = arith.constant 832 : index
    %get3A_861 = tpu.vector_load %arg5[%get3A_860] {strides = array<i32>} : memref<1024xf32, #tpu.memory_space<vmem>>, vector<16xf32>,
    %add3A_862 = arith.addf %add3A_859, %get3A_861 : vector<16xf32>
    %get3A_863 = arith.constant 896 : index
    %get3A_864 = tpu.vector_load %arg5[%get3A_863] {strides = array<i32>} : memref<1024xf32, #tpu.memory_space<vmem>>, vector<16xf32>,
    %add3A_865 = arith.addf %add3A_862, %get3A_864 : vector<16xf32>
    %get3A_866 = arith.constant 960 : index
    %get3A_867 = tpu.vector_load %arg5[%get3A_866] {strides = array<i32>} : memref<1024xf32, #tpu.memory_space<vmem>>, vector<16xf32>,
    %add3A_868 = arith.addf %add3A_865, %get3A_867 : vector<16xf32>
    %swap3A_869 = arith.constant 0 : index
    %swap3A_870 = tpu.vector_load %arg6[%swap3A_869] {strides = array<i32>} : memref<64xf32, #tpu.memory_space<vmem>>, vector<16xf32>,
    tpu.vector_store %arg6[%swap3A_869], %add3A_868 {strides = array<i32>} : memref<64xf32, #tpu.memory_space<vmem>>, vector<16xf32>,
    %get3A_871 = arith.constant 16 : index
    %get3A_872 = tpu.vector_load %arg5[%get3A_871] {strides = array<i32>} : memref<1024xf32, #tpu.memory_space<vmem>>, vector<16xf32>,
    %add3A_873 = arith.addf %broadcast_in_dim3A_3, %get3A_872 : vector<16xf32>
    %get3A_874 = arith.constant 80 : index
    %get3A_875 = tpu.vector_load %arg5[%get3A_874] {strides = array<i32>} : memref<1024xf32, #tpu.memory_space<vmem>>, vector<16xf32>,
    %add3A_876 = arith.addf %add3A_873, %get3A_875 : vector<16xf32>
    %get3A_877 = arith.constant 144 : index
    %get3A_878 = tpu.vector_load %arg5[%get3A_877] {strides = array<i32>} : memref<1024xf32, #tpu.memory_space<vmem>>, vector<16xf32>,
    %add3A_879 = arith.addf %add3A_876, %get3A_878 : vector<16xf32>
    %get3A_880 = arith.constant 208 : index
    %get3A_881 = tpu.vector_load %arg5[%get3A_880] {strides = array<i32>} : memref<1024xf32, #tpu.memory_space<vmem>>, vector<16xf32>,
    %add3A_882 = arith.addf %add3A_879, %get3A_881 : vector<16xf32>
    %get3A_883 = arith.constant 272 : index
    %get3A_884 = tpu.vector_load %arg5[%get3A_883] {strides = array<i32>} : memref<1024xf32, #tpu.memory_space<vmem>>, vector<16xf32>,
    %add3A_885 = arith.addf %add3A_882, %get3A_884 : vector<16xf32>
    %get3A_886 = arith.constant 336 : index
    %get3A_887 = tpu.vector_load %arg5[%get3A_886] {strides = array<i32>} : memref<1024xf32, #tpu.memory_space<vmem>>, vector<16xf32>,
    %add3A_888 = arith.addf %add3A_885, %get3A_887 : vector<16xf32>
    %get3A_889 = arith.constant 400 : index
    %get3A_890 = tpu.vector_load %arg5[%get3A_889] {strides = array<i32>} : memref<1024xf32, #tpu.memory_space<vmem>>, vector<16xf32>,
    %add3A_891 = arith.addf %add3A_888, %get3A_890 : vector<16xf32>
    %get3A_892 = arith.constant 464 : index
    %get3A_893 = tpu.vector_load %arg5[%get3A_892] {strides = array<i32>} : memref<1024xf32, #tpu.memory_space<vmem>>, vector<16xf32>,
    %add3A_894 = arith.addf %add3A_891, %get3A_893 : vector<16xf32>
    %get3A_895 = arith.constant 528 : index
    %get3A_896 = tpu.vector_load %arg5[%get3A_895] {strides = array<i32>} : memref<1024xf32, #tpu.memory_space<vmem>>, vector<16xf32>,
    %add3A_897 = arith.addf %add3A_894, %get3A_896 : vector<16xf32>
    %get3A_898 = arith.constant 592 : index
    %get3A_899 = tpu.vector_load %arg5[%get3A_898] {strides = array<i32>} : memref<1024xf32, #tpu.memory_space<vmem>>, vector<16xf32>,
    %add3A_900 = arith.addf %add3A_897, %get3A_899 : vector<16xf32>
    %get3A_901 = arith.constant 656 : index
    %get3A_902 = tpu.vector_load %arg5[%get3A_901] {strides = array<i32>} : memref<1024xf32, #tpu.memory_space<vmem>>, vector<16xf32>,
    %add3A_903 = arith.addf %add3A_900, %get3A_902 : vector<16xf32>
    %get3A_904 = arith.constant 720 : index
    %get3A_905 = tpu.vector_load %arg5[%get3A_904] {strides = array<i32>} : memref<1024xf32, #tpu.memory_space<vmem>>, vector<16xf32>,
    %add3A_906 = arith.addf %add3A_903, %get3A_905 : vector<16xf32>
    %get3A_907 = arith.constant 784 : index
    %get3A_908 = tpu.vector_load %arg5[%get3A_907] {strides = array<i32>} : memref<1024xf32, #tpu.memory_space<vmem>>, vector<16xf32>,
    %add3A_909 = arith.addf %add3A_906, %get3A_908 : vector<16xf32>
    %get3A_910 = arith.constant 848 : index
    %get3A_911 = tpu.vector_load %arg5[%get3A_910] {strides = array<i32>} : memref<1024xf32, #tpu.memory_space<vmem>>, vector<16xf32>,
    %add3A_912 = arith.addf %add3A_909, %get3A_911 : vector<16xf32>
    %get3A_913 = arith.constant 912 : index
    %get3A_914 = tpu.vector_load %arg5[%get3A_913] {strides = array<i32>} : memref<1024xf32, #tpu.memory_space<vmem>>, vector<16xf32>,
    %add3A_915 = arith.addf %add3A_912, %get3A_914 : vector<16xf32>
    %get3A_916 = arith.constant 976 : index
    %get3A_917 = tpu.vector_load %arg5[%get3A_916] {strides = array<i32>} : memref<1024xf32, #tpu.memory_space<vmem>>, vector<16xf32>,
    %add3A_918 = arith.addf %add3A_915, %get3A_917 : vector<16xf32>
    %swap3A_919 = arith.constant 16 : index
    %swap3A_920 = tpu.vector_load %arg6[%swap3A_919] {strides = array<i32>} : memref<64xf32, #tpu.memory_space<vmem>>, vector<16xf32>,
    tpu.vector_store %arg6[%swap3A_919], %add3A_918 {strides = array<i32>} : memref<64xf32, #tpu.memory_space<vmem>>, vector<16xf32>,
    %get3A_921 = arith.constant 32 : index
    %get3A_922 = tpu.vector_load %arg5[%get3A_921] {strides = array<i32>} : memref<1024xf32, #tpu.memory_space<vmem>>, vector<16xf32>,
    %add3A_923 = arith.addf %broadcast_in_dim3A_3, %get3A_922 : vector<16xf32>
    %get3A_924 = arith.constant 96 : index
    %get3A_925 = tpu.vector_load %arg5[%get3A_924] {strides = array<i32>} : memref<1024xf32, #tpu.memory_space<vmem>>, vector<16xf32>,
    %add3A_926 = arith.addf %add3A_923, %get3A_925 : vector<16xf32>
    %get3A_927 = arith.constant 160 : index
    %get3A_928 = tpu.vector_load %arg5[%get3A_927] {strides = array<i32>} : memref<1024xf32, #tpu.memory_space<vmem>>, vector<16xf32>,
    %add3A_929 = arith.addf %add3A_926, %get3A_928 : vector<16xf32>
    %get3A_930 = arith.constant 224 : index
    %get3A_931 = tpu.vector_load %arg5[%get3A_930] {strides = array<i32>} : memref<1024xf32, #tpu.memory_space<vmem>>, vector<16xf32>,
    %add3A_932 = arith.addf %add3A_929, %get3A_931 : vector<16xf32>
    %get3A_933 = arith.constant 288 : index
    %get3A_934 = tpu.vector_load %arg5[%get3A_933] {strides = array<i32>} : memref<1024xf32, #tpu.memory_space<vmem>>, vector<16xf32>,
    %add3A_935 = arith.addf %add3A_932, %get3A_934 : vector<16xf32>
    %get3A_936 = arith.constant 352 : index
    %get3A_937 = tpu.vector_load %arg5[%get3A_936] {strides = array<i32>} : memref<1024xf32, #tpu.memory_space<vmem>>, vector<16xf32>,
    %add3A_938 = arith.addf %add3A_935, %get3A_937 : vector<16xf32>
    %get3A_939 = arith.constant 416 : index
    %get3A_940 = tpu.vector_load %arg5[%get3A_939] {strides = array<i32>} : memref<1024xf32, #tpu.memory_space<vmem>>, vector<16xf32>,
    %add3A_941 = arith.addf %add3A_938, %get3A_940 : vector<16xf32>
    %get3A_942 = arith.constant 480 : index
    %get3A_943 = tpu.vector_load %arg5[%get3A_942] {strides = array<i32>} : memref<1024xf32, #tpu.memory_space<vmem>>, vector<16xf32>,
    %add3A_944 = arith.addf %add3A_941, %get3A_943 : vector<16xf32>
    %get3A_945 = arith.constant 544 : index
    %get3A_946 = tpu.vector_load %arg5[%get3A_945] {strides = array<i32>} : memref<1024xf32, #tpu.memory_space<vmem>>, vector<16xf32>,
    %add3A_947 = arith.addf %add3A_944, %get3A_946 : vector<16xf32>
    %get3A_948 = arith.constant 608 : index
    %get3A_949 = tpu.vector_load %arg5[%get3A_948] {strides = array<i32>} : memref<1024xf32, #tpu.memory_space<vmem>>, vector<16xf32>,
    %add3A_950 = arith.addf %add3A_947, %get3A_949 : vector<16xf32>
    %get3A_951 = arith.constant 672 : index
    %get3A_952 = tpu.vector_load %arg5[%get3A_951] {strides = array<i32>} : memref<1024xf32, #tpu.memory_space<vmem>>, vector<16xf32>,
    %add3A_953 = arith.addf %add3A_950, %get3A_952 : vector<16xf32>
    %get3A_954 = arith.constant 736 : index
    %get3A_955 = tpu.vector_load %arg5[%get3A_954] {strides = array<i32>} : memref<1024xf32, #tpu.memory_space<vmem>>, vector<16xf32>,
    %add3A_956 = arith.addf %add3A_953, %get3A_955 : vector<16xf32>
    %get3A_957 = arith.constant 800 : index
    %get3A_958 = tpu.vector_load %arg5[%get3A_957] {strides = array<i32>} : memref<1024xf32, #tpu.memory_space<vmem>>, vector<16xf32>,
    %add3A_959 = arith.addf %add3A_956, %get3A_958 : vector<16xf32>
    %get3A_960 = arith.constant 864 : index
    %get3A_961 = tpu.vector_load %arg5[%get3A_960] {strides = array<i32>} : memref<1024xf32, #tpu.memory_space<vmem>>, vector<16xf32>,
    %add3A_962 = arith.addf %add3A_959, %get3A_961 : vector<16xf32>
    %get3A_963 = arith.constant 928 : index
    %get3A_964 = tpu.vector_load %arg5[%get3A_963] {strides = array<i32>} : memref<1024xf32, #tpu.memory_space<vmem>>, vector<16xf32>,
    %add3A_965 = arith.addf %add3A_962, %get3A_964 : vector<16xf32>
    %get3A_966 = arith.constant 992 : index
    %get3A_967 = tpu.vector_load %arg5[%get3A_966] {strides = array<i32>} : memref<1024xf32, #tpu.memory_space<vmem>>, vector<16xf32>,
    %add3A_968 = arith.addf %add3A_965, %get3A_967 : vector<16xf32>
    %swap3A_969 = arith.constant 32 : index
    %swap3A_970 = tpu.vector_load %arg6[%swap3A_969] {strides = array<i32>} : memref<64xf32, #tpu.memory_space<vmem>>, vector<16xf32>,
    tpu.vector_store %arg6[%swap3A_969], %add3A_968 {strides = array<i32>} : memref<64xf32, #tpu.memory_space<vmem>>, vector<16xf32>,
    %get3A_971 = arith.constant 48 : index
    %get3A_972 = tpu.vector_load %arg5[%get3A_971] {strides = array<i32>} : memref<1024xf32, #tpu.memory_space<vmem>>, vector<16xf32>,
    %add3A_973 = arith.addf %broadcast_in_dim3A_3, %get3A_972 : vector<16xf32>
    %get3A_974 = arith.constant 112 : index
    %get3A_975 = tpu.vector_load %arg5[%get3A_974] {strides = array<i32>} : memref<1024xf32, #tpu.memory_space<vmem>>, vector<16xf32>,
    %add3A_976 = arith.addf %add3A_973, %get3A_975 : vector<16xf32>
    %get3A_977 = arith.constant 176 : index
    %get3A_978 = tpu.vector_load %arg5[%get3A_977] {strides = array<i32>} : memref<1024xf32, #tpu.memory_space<vmem>>, vector<16xf32>,
    %add3A_979 = arith.addf %add3A_976, %get3A_978 : vector<16xf32>
    %get3A_980 = arith.constant 240 : index
    %get3A_981 = tpu.vector_load %arg5[%get3A_980] {strides = array<i32>} : memref<1024xf32, #tpu.memory_space<vmem>>, vector<16xf32>,
    %add3A_982 = arith.addf %add3A_979, %get3A_981 : vector<16xf32>
    %get3A_983 = arith.constant 304 : index
    %get3A_984 = tpu.vector_load %arg5[%get3A_983] {strides = array<i32>} : memref<1024xf32, #tpu.memory_space<vmem>>, vector<16xf32>,
    %add3A_985 = arith.addf %add3A_982, %get3A_984 : vector<16xf32>
    %get3A_986 = arith.constant 368 : index
    %get3A_987 = tpu.vector_load %arg5[%get3A_986] {strides = array<i32>} : memref<1024xf32, #tpu.memory_space<vmem>>, vector<16xf32>,
    %add3A_988 = arith.addf %add3A_985, %get3A_987 : vector<16xf32>
    %get3A_989 = arith.constant 432 : index
    %get3A_990 = tpu.vector_load %arg5[%get3A_989] {strides = array<i32>} : memref<1024xf32, #tpu.memory_space<vmem>>, vector<16xf32>,
    %add3A_991 = arith.addf %add3A_988, %get3A_990 : vector<16xf32>
    %get3A_992 = arith.constant 496 : index
    %get3A_993 = tpu.vector_load %arg5[%get3A_992] {strides = array<i32>} : memref<1024xf32, #tpu.memory_space<vmem>>, vector<16xf32>,
    %add3A_994 = arith.addf %add3A_991, %get3A_993 : vector<16xf32>
    %get3A_995 = arith.constant 560 : index
    %get3A_996 = tpu.vector_load %arg5[%get3A_995] {strides = array<i32>} : memref<1024xf32, #tpu.memory_space<vmem>>, vector<16xf32>,
    %add3A_997 = arith.addf %add3A_994, %get3A_996 : vector<16xf32>
    %get3A_998 = arith.constant 624 : index
    %get3A_999 = tpu.vector_load %arg5[%get3A_998] {strides = array<i32>} : memref<1024xf32, #tpu.memory_space<vmem>>, vector<16xf32>,
    %add3A_1000 = arith.addf %add3A_997, %get3A_999 : vector<16xf32>
    %get3A_1001 = arith.constant 688 : index
    %get3A_1002 = tpu.vector_load %arg5[%get3A_1001] {strides = array<i32>} : memref<1024xf32, #tpu.memory_space<vmem>>, vector<16xf32>,
    %add3A_1003 = arith.addf %add3A_1000, %get3A_1002 : vector<16xf32>
    %get3A_1004 = arith.constant 752 : index
    %get3A_1005 = tpu.vector_load %arg5[%get3A_1004] {strides = array<i32>} : memref<1024xf32, #tpu.memory_space<vmem>>, vector<16xf32>,
    %add3A_1006 = arith.addf %add3A_1003, %get3A_1005 : vector<16xf32>
    %get3A_1007 = arith.constant 816 : index
    %get3A_1008 = tpu.vector_load %arg5[%get3A_1007] {strides = array<i32>} : memref<1024xf32, #tpu.memory_space<vmem>>, vector<16xf32>,
    %add3A_1009 = arith.addf %add3A_1006, %get3A_1008 : vector<16xf32>
    %get3A_1010 = arith.constant 880 : index
    %get3A_1011 = tpu.vector_load %arg5[%get3A_1010] {strides = array<i32>} : memref<1024xf32, #tpu.memory_space<vmem>>, vector<16xf32>,
    %add3A_1012 = arith.addf %add3A_1009, %get3A_1011 : vector<16xf32>
    %get3A_1013 = arith.constant 944 : index
    %get3A_1014 = tpu.vector_load %arg5[%get3A_1013] {strides = array<i32>} : memref<1024xf32, #tpu.memory_space<vmem>>, vector<16xf32>,
    %add3A_1015 = arith.addf %add3A_1012, %get3A_1014 : vector<16xf32>
    %get3A_1016 = arith.constant 1008 : index
    %get3A_1017 = tpu.vector_load %arg5[%get3A_1016] {strides = array<i32>} : memref<1024xf32, #tpu.memory_space<vmem>>, vector<16xf32>,
    %add3A_1018 = arith.addf %add3A_1015, %get3A_1017 : vector<16xf32>
    %swap3A_1019 = arith.constant 48 : index
    %swap3A_1020 = tpu.vector_load %arg6[%swap3A_1019] {strides = array<i32>} : memref<64xf32, #tpu.memory_space<vmem>>, vector<16xf32>,
    tpu.vector_store %arg6[%swap3A_1019], %add3A_1018 {strides = array<i32>} : memref<64xf32, #tpu.memory_space<vmem>>, vector<16xf32>,
    "tpu.region"() ({
      %run_scoped3A = tpu.sem_alloc : memref<!tpu.dma_semaphore, #tpu.memory_space<semaphore_mem>>
      %dma_start3A = arith.constant 0 : i32
      %dma_start3A_1021 = tpu.memref_slice %arg3[%add3A, %dma_start3A] : memref<32x64xf32, #tpu.memory_space<hbm>> -> memref<1x64xf32, #tpu.memory_space<hbm>>
      %dma_start3A_1022 = tpu.memref_squeeze %dma_start3A_1021 : memref<1x64xf32, #tpu.memory_space<hbm>> -> memref<64xf32, #tpu.memory_space<hbm>>
      %dma_start3A_1023 = arith.constant 0 : i32
      %dma_start3A_1024 = tpu.memref_slice %arg3[%add3A, %dma_start3A_1023] : memref<32x64xf32, #tpu.memory_space<hbm>> -> memref<1x64xf32, #tpu.memory_space<hbm>>
      %dma_start3A_1025 = tpu.memref_squeeze %dma_start3A_1024 : memref<1x64xf32, #tpu.memory_space<hbm>> -> memref<64xf32, #tpu.memory_space<hbm>>
      tpu.enqueue_dma source(%arg6 : memref<64xf32, #tpu.memory_space<vmem>>) target(%dma_start3A_1025 : memref<64xf32, #tpu.memory_space<hbm>>) target_semaphore(%run_scoped3A : memref<!tpu.dma_semaphore, #tpu.memory_space<semaphore_mem>>)
      %dma_wait3A = arith.constant 0 : i32
      %dma_wait3A_1026 = tpu.memref_slice %arg3[%add3A, %dma_wait3A] : memref<32x64xf32, #tpu.memory_space<hbm>> -> memref<1x64xf32, #tpu.memory_space<hbm>>
      %dma_wait3A_1027 = tpu.memref_squeeze %dma_wait3A_1026 : memref<1x64xf32, #tpu.memory_space<hbm>> -> memref<64xf32, #tpu.memory_space<hbm>>
      %dma_wait3A_1028 = arith.constant 0 : i32
      %dma_wait3A_1029 = tpu.memref_slice %arg3[%add3A, %dma_wait3A_1028] : memref<32x64xf32, #tpu.memory_space<hbm>> -> memref<1x64xf32, #tpu.memory_space<hbm>>
      %dma_wait3A_1030 = tpu.memref_squeeze %dma_wait3A_1029 : memref<1x64xf32, #tpu.memory_space<hbm>> -> memref<64xf32, #tpu.memory_space<hbm>>
      tpu.wait_dma2 semaphore(%run_scoped3A : memref<!tpu.dma_semaphore, #tpu.memory_space<semaphore_mem>>) src(%arg6 : memref<64xf32, #tpu.memory_space<vmem>>) dst(%dma_wait3A_1030 : memref<64xf32, #tpu.memory_space<hbm>>)
      tpu.yield
    }) : () -> ()
    return
  }
}

module attributes {stable_mosaic.version = 14 : i64} {
  func.func @_tc_body(%arg0: i32, %arg1: memref<8192x64xf32, #tpu.memory_space<vmem>>, %arg2: memref<32x64xf32, #tpu.memory_space<vmem>>, %arg3: memref<1x1xf32, #tpu.memory_space<smem>>, %arg4: memref<1x64xf32, #tpu.memory_space<vmem>>) attributes {dimension_semantics = [#tpu.dimension_semantics<arbitrary>], iteration_bounds = array<i64: 4>, scalar_prefetch = 0 : i64, scratch_operands = 1 : i64, tpu.core_type = #tpu.core_type<tc>, window_params = [{transform_indices = @transform_0, window_bounds = array<i64: 8192, 64>}, {pipeline_mode = #tpu.pipeline_mode<synchronous>, transform_indices = @transform_1, window_bounds = array<i64: 32, 64>}, {transform_indices = @transform_2, window_bounds = array<i64: 1, 1>}]} {
    %eq3A = arith.constant 0 : i32
    %eq3A_0 = arith.cmpi eq, %arg0, %eq3A : i32
    %convert_element_type3A = arith.extui %eq3A_0 : i1 to i32
    %cond3A = arith.constant 0 : i32
    %cond3A_1 = arith.cmpi ne, %convert_element_type3A, %cond3A : i32
    scf.if %cond3A_1 {
      %broadcast_in_dim3A_15 = arith.constant 0.000000e+00 : f32
      %broadcast_in_dim3A_16 = vector.broadcast %broadcast_in_dim3A_15 : f32 to vector<1x64xf32>
      %swap3A_17 = arith.constant 0 : index
      %swap3A_18 = arith.constant 0 : index
      %swap3A_19 = vector.load %arg4[%swap3A_17, %swap3A_18] : memref<1x64xf32, #tpu.memory_space<vmem>>, vector<1x64xf32>
      tpu.vector_store %arg4[%swap3A_17, %swap3A_18], %broadcast_in_dim3A_16 {strides = array<i32>} : memref<1x64xf32, #tpu.memory_space<vmem>>, vector<1x64xf32>,
    } else {
    }
    %get3A = arith.constant 0 : index
    %get3A_2 = arith.constant 0 : index
    %get3A_3 = vector.load %arg4[%get3A, %get3A_2] : memref<1x64xf32, #tpu.memory_space<vmem>>, vector<1x64xf32>
    %get3A_4 = arith.constant 0 : index
    %get3A_5 = arith.constant 0 : index
    %get3A_6 = vector.load %arg1[%get3A_4, %get3A_5] : memref<8192x64xf32, #tpu.memory_space<vmem>>, vector<8192x64xf32>
    %reduce_sum3A = arith.constant dense<0.000000e+00> : vector<64xf32>
    %reduce_sum3A_7 = vector.multi_reduction <add>, %get3A_6, %reduce_sum3A [0] : vector<8192x64xf32> to vector<64xf32>
    %broadcast_in_dim3A = vector.shape_cast %reduce_sum3A_7 : vector<64xf32> to vector<1x64xf32>
    %add3A = arith.addf %get3A_3, %broadcast_in_dim3A : vector<1x64xf32>
    %swap3A = arith.constant 0 : index
    %swap3A_8 = arith.constant 0 : index
    %swap3A_9 = vector.load %arg4[%swap3A, %swap3A_8] : memref<1x64xf32, #tpu.memory_space<vmem>>, vector<1x64xf32>
    tpu.vector_store %arg4[%swap3A, %swap3A_8], %add3A {strides = array<i32>} : memref<1x64xf32, #tpu.memory_space<vmem>>, vector<1x64xf32>,
    %eq3A_10 = arith.constant 3 : i32
    %eq3A_11 = arith.cmpi eq, %arg0, %eq3A_10 : i32
    %convert_element_type3A_12 = arith.extui %eq3A_11 : i1 to i32
    %cond3A_13 = arith.constant 0 : i32
    %cond3A_14 = arith.cmpi ne, %convert_element_type3A_12, %cond3A_13 : i32
    scf.if %cond3A_14 {
      %get3A_15 = arith.constant 0 : index
      %get3A_16 = arith.constant 0 : index
      %get3A_17 = vector.load %arg2[%get3A_15, %get3A_16] : memref<32x64xf32, #tpu.memory_space<vmem>>, vector<32x64xf32>
      %reduce_sum3A_18 = arith.constant dense<0.000000e+00> : vector<64xf32>
      %reduce_sum3A_19 = vector.multi_reduction <add>, %get3A_17, %reduce_sum3A_18 [0] : vector<32x64xf32> to vector<64xf32>
      %broadcast_in_dim3A_20 = vector.shape_cast %reduce_sum3A_19 : vector<64xf32> to vector<1x64xf32>
      %get3A_21 = arith.constant 0 : index
      %get3A_22 = arith.constant 0 : index
      %get3A_23 = vector.load %arg4[%get3A_21, %get3A_22] : memref<1x64xf32, #tpu.memory_space<vmem>>, vector<1x64xf32>
      %mul3A = arith.mulf %get3A_23, %broadcast_in_dim3A_20 : vector<1x64xf32>
      %reduce_sum3A_24 = vector.shape_cast %mul3A : vector<1x64xf32> to vector<1x1x64xf32>
      %reduce_sum3A_25 = arith.constant dense<0.000000e+00> : vector<1xf32>
      %reduce_sum3A_26 = vector.multi_reduction <add>, %reduce_sum3A_24, %reduce_sum3A_25 [1, 2] : vector<1x1x64xf32> to vector<1xf32>
      %reduce_sum3A_27 = vector.shape_cast %reduce_sum3A_26 : vector<1xf32> to vector<1x1x1xf32>
      %reduce_sum3A_28 = vector.extract %reduce_sum3A_27[0, 0, 0] : f32 from vector<1x1x1xf32>
      %mul3A_29 = arith.constant 2.98023217E-10 : f32
      %mul3A_30 = arith.mulf %mul3A_29, %reduce_sum3A_28 : f32
      %swap3A_31 = arith.constant 0 : index
      %swap3A_32 = arith.constant 0 : index
      %swap3A_33 = memref.load %arg3[%swap3A_31, %swap3A_32] : memref<1x1xf32, #tpu.memory_space<smem>>
      memref.store %mul3A_30, %arg3[%swap3A_31, %swap3A_32] : memref<1x1xf32, #tpu.memory_space<smem>>
    } else {
    }
    return
  }
  func.func @transform_0(%arg0: i32) -> (i32, i32) {
    %c0_i32 = arith.constant 0 : i32
    %c0_i32_0 = arith.constant 0 : i32
    return %arg0, %c0_i32 : i32, i32
  }
  func.func @transform_1(%arg0: i32) -> (i32, i32) {
    %c0_i32 = arith.constant 0 : i32
    %c0_i32_0 = arith.constant 0 : i32
    %c0_i32_1 = arith.constant 0 : i32
    return %c0_i32, %c0_i32_0 : i32, i32
  }
  func.func @transform_2(%arg0: i32) -> (i32, i32) {
    %c0_i32 = arith.constant 0 : i32
    %c0_i32_0 = arith.constant 0 : i32
    %c0_i32_1 = arith.constant 0 : i32
    return %c0_i32, %c0_i32_0 : i32, i32
  }
}

</mosaic_0001>

<sc_bundles>
// kernel: kernel.4.cloned.1.call-start
scs
__scs_entry_jumppad:
0x0: {  	(pc) =	sbr.rel $0x88, $3  }
0x1: {  	(tag) =	ssettag $0x0;
	lr =	simm.s32 $0x1  }
0x2: {  	[smem:$0x3F9F] =	sst lr;
	_ =	strace $0xD0000000  }
0x3: {  	_ = 	snop  }
0x4: {  	_ = 	snop  }
0x5: {  	_ = 	snop  }
0x6: {  	_ = 	snop  }
0x7: {  	_ = 	snop  }
__scs_overlays_trampoline_lowered:
0x8: {  	[smem:$0x3FAE] =	sst s0  }
0x9: {  	[smem:$0x3FAF] =	sst s1  }
0xa: {  	[smem:$0x3FB0] =	sst s2  }
0xb: {  	[smem:$0x3FB1] =	sst s3  }
0xc: {  	[smem:$0x3FB2] =	sst s4  }
0xd: {  	[smem:$0x3FB3] =	sst s5  }
0xe: {  	[smem:$0x3FB4] =	sst s6  }
0xf: {  	[smem:$0x3FB5] =	sst s7  }
0x10: {  	[smem:$0x3FB6] =	sst s8  }
0x11: {  	[smem:$0x3FB7] =	sst s9;
	s0 =	simm.s32 @!p0 $0x0  }
0x12: {  	s1 =	sld [smem:$0x3F9D];
	s0 =	simm.s32 @p0 $0x1  }
0x13: {  	[smem:$0x3FB8] =	sst s0;
	s0 =	simm.s32 @!p1 $0x0  }
0x14: {  	s2 =	sld [smem:$0x3F9C];
	s0 =	simm.s32 @p1 $0x1  }
0x15: {  	[smem:$0x3FB9] =	sst s0;
	s0 =	simm.s32 @!p2 $0x0  }
0x16: {  	s3 =	sld [smem:$0x3FDB];
	s0 =	simm.s32 @p2 $0x1  }
0x17: {  	s4 =	simm.s32 $0x1BF5;
	[smem:$0x3FBB] =	sst s0  }
0x18: {  	s0 =	sld [smem:$0x3F9E];
	_ =	swait.ge [sflag:s4], $0x0  }
0x19: {  	s7 =	sld [smem:$0x3F9F]  }
0x1a: {  	s8 =	sadd.s32 $0xFFFFE003, lr  }
0x1b: {  	s9 =	sadd.s32 $0xFFFFFEF7, lr;
	s5 =	simm.s32 $0xFFFFFFFF;
	p2 =	slt.u32 s8, $0xFFFFF086  }
0x1c: {  	p1 =	slt.u32 s9, $0xF7A;
	s5 =	simm.s32 @!p2 $0x0  }
0x1d: {  	s5 =	simm.s32 @p1 $0x1;
	p0 =	seq.s32 s7, s2  }
0x1e: {  	s7 =	smul.u32 @!p0 $0xF7A, s2;
	p2 =	seq.s32 @!p0 s5, $0x0  }
0x1f: {  	s9 =	smul.u32 $0xF7A, s1;
	s8 =	simm.s32 @!p0 $0x1BF5;
	p2 =	por !p2, p0  }
0x20: {  	[sflag:s8] =	ssyncset.s32 @!p0 $0xFFFFF086;
	s6 =	sadd.s32 @!p0 s3, s7;
	s7 =	simm.s32 @!p0 $0x108  }
0x21: {  	s3 =	sadd.s32 s3, s9;
	s6 =	sadd.s32 @!p0 $0x88, s6;
	s7 =	simm.s32 @p2 $0x1082  }
0x22: {  	[simem:s7], [sflag:s8] =	dma.local @!p0 [hbm:s6], $0xF7A  }
0x23: {  	s9 =	sor.u32 $0xD0000000, s2;
	s6 =	simm.s32 $0x108;
	_ =	swait.ge @!p0 [sflag:s8], $0x0  }
0x24: {  	s3 =	sadd.s32 $0x88, s3;
	s6 =	simm.s32 @!p1 $0x1082;
	[sflag:s4] =	ssyncset.s32 $0xFFFFF086  }
0x25: {  	[simem:s6], [sflag:s4] =	dma.local [hbm:s3], $0xF7A  }
0x26: {  	[smem:$0x3F9F] =	sst s1;
	(tag) =	ssettag s2;
	_ =	strace s9  }
0x27: {  	s1 =	sld [smem:$0x3FAF]  }
0x28: {  	s2 =	sld [smem:$0x3FB0]  }
0x29: {  	s4 =	sld [smem:$0x3FB2]  }
0x2a: {  	p0 =	seq.s32 s5, $0x0;
	s5 =	sld [smem:$0x3FB3]  }
0x2b: {  	s6 =	sld [smem:$0x3FB4]  }
0x2c: {  	s7 =	sld [smem:$0x3FB5]  }
0x2d: {  	s3 =	simm.s32 $0x108;
	s8 =	sld [smem:$0x3FB6]  }
0x2e: {  	s3 =	simm.s32 @!p0 $0x1082;
	s9 =	sld [smem:$0x3FB7]  }
0x2f: {  	lr =	sadd.s32 s0, s3;
	s0 =	sld [smem:$0x3FAE]  }
0x30: {  	s3 =	sld [smem:$0x3FB1]  }
0x31: {  	[smem:$0x3FBA] =	sst s10  }
0x32: {  	s10 =	sld [smem:$0x3FB8];
	_ =	sdelay $0x3  }
0x33: {  	p0 =	seq.s32 s10, $0x1;
	s10 =	sld [smem:$0x3FBA];
	_ =	sdelay $0x3  }
0x34: {  	[smem:$0x3FBA] =	sst s10  }
0x35: {  	s10 =	sld [smem:$0x3FB9];
	_ =	sdelay $0x3  }
0x36: {  	p1 =	seq.s32 s10, $0x1;
	s10 =	sld [smem:$0x3FBA];
	_ =	sdelay $0x3  }
0x37: {  	[smem:$0x3FBA] =	sst s10  }
0x38: {  	s10 =	sld [smem:$0x3FBB]  }
0x39: {  	_ = 	snop;
	(pc) =	sbr.ind lr, $3  }
0x3a: {  	_ = 	snop  }
0x3b: {  	_ = 	snop  }
0x3c: {  	p2 =	seq.s32 s10, $0x1;
	s10 =	sld [smem:$0x3FBA]  }
0x3d: {  	_ =	shalt  }
0x3e: {  	_ =	shalt  }
0x3f: {  	_ =	shalt  }
0x40: {  	_ =	shalt  }
0x41: {  	_ =	shalt  }
0x42: {  	_ =	shalt  }
0x43: {  	_ =	shalt  }
0x44: {  	_ =	shalt  }
0x45: {  	_ =	shalt  }
0x46: {  	_ =	shalt  }
0x47: {  	_ =	shalt  }
0x48: {  	_ =	shalt  }
0x49: {  	_ =	shalt  }
0x4a: {  	_ =	shalt  }
0x4b: {  	_ =	shalt  }
0x4c: {  	_ =	shalt  }
0x4d: {  	_ =	shalt  }
0x4e: {  	_ =	shalt  }
0x4f: {  	_ =	shalt  }
0x50: {  	_ =	shalt  }
0x51: {  	_ =	shalt  }
0x52: {  	_ =	shalt  }
0x53: {  	_ =	shalt  }
0x54: {  	_ =	shalt  }
0x55: {  	_ =	shalt  }
0x56: {  	_ =	shalt  }
0x57: {  	_ =	shalt  }
0x58: {  	_ =	shalt  }
0x59: {  	_ =	shalt  }
0x5a: {  	_ =	shalt  }
0x5b: {  	_ =	shalt  }
0x5c: {  	_ =	shalt  }
0x5d: {  	_ =	shalt  }
0x5e: {  	_ =	shalt  }
0x5f: {  	_ =	shalt  }
0x60: {  	_ =	shalt  }
0x61: {  	_ =	shalt  }
0x62: {  	_ =	shalt  }
0x63: {  	_ =	shalt  }
0x64: {  	_ =	shalt  }
0x65: {  	_ =	shalt  }
0x66: {  	_ =	shalt  }
0x67: {  	_ =	shalt  }
0x68: {  	_ =	shalt  }
0x69: {  	_ =	shalt  }
0x6a: {  	_ =	shalt  }
0x6b: {  	_ =	shalt  }
0x6c: {  	_ =	shalt  }
0x6d: {  	_ =	shalt  }
0x6e: {  	_ =	shalt  }
0x6f: {  	_ =	shalt  }
0x70: {  	_ =	shalt  }
0x71: {  	_ =	shalt  }
0x72: {  	_ =	shalt  }
0x73: {  	_ =	shalt  }
0x74: {  	_ =	shalt  }
0x75: {  	_ =	shalt  }
0x76: {  	_ =	shalt  }
0x77: {  	_ =	shalt  }
0x78: {  	_ =	shalt  }
0x79: {  	_ =	shalt  }
0x7a: {  	_ =	shalt  }
0x7b: {  	_ =	shalt  }
0x7c: {  	_ =	shalt  }
0x7d: {  	_ =	shalt  }
0x7e: {  	_ =	shalt  }
0x7f: {  	_ =	shalt  }
0x80: {  	_ =	shalt  }
0x81: {  	_ =	shalt  }
0x82: {  	_ =	shalt  }
0x83: {  	_ =	shalt  }
0x84: {  	_ =	shalt  }
0x85: {  	_ =	shalt  }
0x86: {  	_ =	shalt  }
0x87: {  	_ =	shalt  }
.Lfunc_end0:
.L_simem_size_0:
called_computation_lowered:
.L_overlay_start_0:
0x88: {  	s2 =	sld [smem:$0x3FD9]  }
0x89: {  	s3 =	sld [smem:$0x3FFE];
	_ =	sdelay $0x1  }
0x8a: {  	s1 =	srdreg.scid  }
0x8b: {  	s0 =	sand.u32 $0x1, s1  }
0x8c: {  	s16 =	sshll.u32 s0, $0xA;
	s2 =	sadd.s32 s3, s2  }
0x8d: {  	s2 =	sadd.s32 s2, s16  }
0x8e: {  	[smem:$0x3FC6] =	sst s2  }
0x8f: {  	_ = 	snop  }
0x90: {  	(tm) =	ssettm $0x1  }
0x91: {  	s17 =	sld [smem:$0x3FFB];
	_ =	sdelay $0x3  }
0x92: {  	_ =	strace s17  }
0x93: {  	s2 =	sld [smem:$0x3FFC];
	_ =	sdelay $0x3  }
0x94: {  	_ =	strace s2  }
0x95: {  	s2 =	sld [smem:$0x3FFD];
	_ =	sdelay $0x3  }
0x96: {  	_ =	strace s2  }
0x97: {  	_ =	strace $0x8FFFFFFF  }
0x98: {  	s18 =	sld [smem:$0x3FDB];
	_ =	sdelay $0x1  }
0x99: {  	s19 =	simm.s32 $_scs_section_size  }
0x9a: {  	s4 =	simm.s32 $_size__tile_overlayer_lowered;
	s5 =	simm.s32 $_tile_overlayer_lowered  }
0x9b: {  	s22 =	simm.s32 $0x1BFF;
	s21 =	sshll.u32 s5, $0x1;
	s2 =	sadd.s32 s19, s18  }
0x9c: {  	s6 =	simm.s32 $0x0;
	s20 =	sshll.u32 s4, $0x1;
	s4 =	sadd.s32 s21, s2  }
0x9d: {  	[timem:s6], [sflag:s22] =	dma.local [hbm:s4], s20  }
0x9e: {  	_ =	swait.ge [sflag:s22], s20  }
0x9f: {  	s3 =	ssub.s32 $0x0, s20;
	[sflag:s22] =	ssyncset.done $0x0  }
0xa0: {  	[sflag:s22] =	ssyncadd.s32 s3;
	_ =	sdelay $0x1  }
0xa1: {  	s23 =	simm.s32 $0x1B8B  }
0xa2: {  	_ =	swait.ge [sflag:s23], $0x1  }
0xa3: {  	[sflag:s23] =	ssyncset.done $0x0  }
0xa4: {  	s25 =	simm.s32 $0x1B8E;
	s24 =	sld [smem:$0x3FFE];
	[sflag:s23] =	ssyncadd.s32 $0xFFFFFFFF  }
0xa5: {  	s26 =	simm.s32 $execute0_lowered;
	[smem:$0x3FD2] =	sst s25  }
0xa6: {  	s4 =	sshll.u32 s26, $0x1;
	_ =	strace $0x80000046;
	[dreg:$0x1] =	wrdreg $0xFFFFFFFF  }
0xa7: {  	s28 =	simm.s32 $_size_execute0_lowered;
	s2 =	sadd.s32 s2, s4;
	[dreg:$0x0] =	wrdreg $0x0  }
0xa8: {  	s4 =	sshll.u32 s28, $0x1;
	[dreg:$0x2] =	wrdreg s2  }
0xa9: {  	[dreg:$0x3] =	wrdreg s4  }
0xaa: {  	[dreg:$0x4] =	wrdreg $0xC0  }
0xab: {  	_ =	task [dreg:s6], $0x5FFFF  }
0xac: {  	[dreg:$0x1] =	wrdreg $0xFFFFFFFF  }
0xad: {  	[dreg:$0x0] =	wrdreg $0x60  }
0xae: {  	[dreg:$0x2] =	wrdreg s24  }
0xaf: {  	[dreg:$0x3] =	wrdreg $0x9  }
0xb0: {  	_ =	task.clear_ibuf [dreg:s6], $0x4FFFF;
	_ =	strace $0x90000046  }
0xb1: {  	s29 =	simm.s32 $0x9;
	_ =	strace $0x80000048  }
0xb2: {  	_ =	swait.ge [sflag:s29], $0x1  }
0xb3: {  	[sflag:s29] =	ssyncadd.s32 $0xFFFFFFFF  }
0xb4: {  	_ =	strace $0x90000048  }
0xb5: {  	_ =	sfence  }
0xb6: {  	s30 =	sld [smem:$0x0];
	_ =	sdelay $0x2  }
0xb7: {  	s31 =	sshll.u32 s1, $0xD;
	s1 =	sshrl.u32 s1, $0x2  }
0xb8: {  	s3 =	sand.u32 $0x4000, s31;
	s1 =	sadd.s32 s1, s30  }
0xb9: {  	s0 =	sor.u32 s3, s0;
	s1 =	sshll.u32 s1, $0x11  }
0xba: {  	s0 =	sor.u32 s1, s0  }
0xbb: {  	s0 =	sadd.s32 $0x8F2B, s0  }
0xbc: {  	[sflag:s0] =	ssyncadd.remote.s32 $0x1  }
0xbd: {  	_ =	sfence.sel $0xFFFF  }
0xbe: {  	[dreg:$0x0] =	wrdreg $0xFFFFFFFF;
	(pc) =	sbr.abs _section_cstart, $3  }
0xbf: {  	[dreg:$0x1] =	wrdreg $0xFFFFFFFF  }
0xc0: {  	_ =	task.clear_ibuf [dreg:s6], $0x2FFFF;
	_ =	strace $0x9FFFFFFF  }
0xc1: {  	(tm) =	ssettm $0x7FFFFFFF  }
tec
execute0_lowered:
.L_overlay_start_1:
0x0: {  	(tag) =	ssettag $0x1  }
0x1: {  	v0 =	vimm.s32 $0x81800100  }
0x2: {  	v0 =	vunpack.c.0.s8.s32 v0;
	_ =	sdelay $0x1  }
0x3: {  	vm0 =	vcmask $0xF00;
	v0 =	vand.u32 $0xFF, v0  }
0x4: {  	vm10 =	vcmask $0x1310;
	v0 =	vnsel vm0, $0x381, v0  }
0x5: {  	vm9 =	vcmask $0x1714;
	v0 =	vsel vm10, $0x100, v0  }
0x6: {  	vm8 =	vcmask $0x1B18;
	v0 =	vsel vm9, $0x101, v0  }
0x7: {  	vm7 =	vcmask $0x1F1C;
	v0 =	vsel vm8, $0x180, v0  }
0x8: {  	vm6 =	vcmask $0x2320;
	v0 =	vsel vm7, $0x181, v0  }
0x9: {  	vm5 =	vcmask $0x2724;
	v0 =	vsel vm6, $0x200, v0  }
0xa: {  	vm4 =	vcmask $0x2B28;
	v0 =	vsel vm5, $0x201, v0  }
0xb: {  	vm3 =	vcmask $0x2F2C;
	v0 =	vsel vm4, $0x280, v0  }
0xc: {  	vm2 =	vcmask $0x3330;
	v0 =	vsel vm3, $0x281, v0  }
0xd: {  	vm1 =	vcmask $0x3734;
	v0 =	vsel vm2, $0x300, v0  }
0xe: {  	vm0 =	vcmask $0x3B38;
	v0 =	vsel vm1, $0x301, v0  }
0xf: {  	v0 =	vsel vm0, $0x380, v0  }
0x10: {  	vm11 =	vcmask $0x300;
	vm12 =	vcmask $0x704;
	[tilespmem:$0x1FC00] =	vst v0;
	v0 =	vimm.s32 $0x781  }
0x11: {  	v2 =	vimm.s32 $0xB81;
	vm13 =	vcmask $0xB08;
	v0 =	vsel vm11, $0x400, v0  }
0x12: {  	v3 =	vimm.s32 $0xF81;
	v2 =	vsel vm11, $0x800, v2;
	v0 =	vsel vm12, $0x401, v0  }
0x13: {  	vm14 =	vcmask $0xF0C;
	v2 =	vsel vm12, $0x801, v2;
	v0 =	vsel vm13, $0x480, v0  }
0x14: {  	v3 =	vsel vm11, $0xC00, v3;
	v2 =	vsel vm13, $0x880, v2;
	v0 =	vsel vm14, $0x481, v0  }
0x15: {  	v3 =	vsel vm12, $0xC01, v3;
	v2 =	vsel vm14, $0x881, v2;
	v0 =	vsel vm10, $0x500, v0  }
0x16: {  	v3 =	vsel vm13, $0xC80, v3;
	v2 =	vsel vm10, $0x900, v2;
	v0 =	vsel vm9, $0x501, v0  }
0x17: {  	v3 =	vsel vm14, $0xC81, v3;
	v2 =	vsel vm9, $0x901, v2;
	v0 =	vsel vm8, $0x580, v0  }
0x18: {  	v3 =	vsel vm10, $0xD00, v3;
	v2 =	vsel vm8, $0x980, v2;
	v0 =	vsel vm7, $0x581, v0  }
0x19: {  	v3 =	vsel vm9, $0xD01, v3;
	v2 =	vsel vm7, $0x981, v2;
	v0 =	vsel vm6, $0x600, v0  }
0x1a: {  	v3 =	vsel vm8, $0xD80, v3;
	v2 =	vsel vm6, $0xA00, v2;
	v0 =	vsel vm5, $0x601, v0  }
0x1b: {  	v3 =	vsel vm7, $0xD81, v3;
	v2 =	vsel vm5, $0xA01, v2;
	v0 =	vsel vm4, $0x680, v0  }
0x1c: {  	v3 =	vsel vm6, $0xE00, v3;
	v2 =	vsel vm4, $0xA80, v2;
	v0 =	vsel vm3, $0x681, v0  }
0x1d: {  	v3 =	vsel vm5, $0xE01, v3;
	v2 =	vsel vm3, $0xA81, v2;
	v0 =	vsel vm2, $0x700, v0  }
0x1e: {  	v3 =	vsel vm4, $0xE80, v3;
	v2 =	vsel vm2, $0xB00, v2;
	v0 =	vsel vm1, $0x701, v0  }
0x1f: {  	v3 =	vsel vm3, $0xE81, v3;
	v2 =	vsel vm1, $0xB01, v2;
	v0 =	vsel vm0, $0x780, v0  }
0x20: {  	v3 =	vsel vm2, $0xF00, v3;
	[tilespmem:$0x1FC10] =	vst v0;
	v0 =	vsel vm0, $0xB80, v2  }
0x21: {  	[tilespmem:$0x1FC20] =	vst v0;
	v0 =	vsel vm1, $0xF01, v3  }
0x22: {  	v0 =	vsel vm0, $0xF80, v0  }
0x23: {  	[tilespmem:$0x1FC30] =	vst v0;
	v0 =	vimm.s32 $0x1381  }
0x24: {  	v2 =	vimm.s32 $0x1781;
	v0 =	vsel vm11, $0x1000, v0  }
0x25: {  	v2 =	vsel vm11, $0x1400, v2;
	v0 =	vsel vm12, $0x1001, v0  }
0x26: {  	v3 =	vimm.s32 $0x1B81;
	v2 =	vsel vm12, $0x1401, v2;
	v0 =	vsel vm13, $0x1080, v0  }
0x27: {  	v3 =	vsel vm11, $0x1800, v3;
	v2 =	vsel vm13, $0x1480, v2;
	v0 =	vsel vm14, $0x1081, v0  }
0x28: {  	v3 =	vsel vm12, $0x1801, v3;
	v2 =	vsel vm14, $0x1481, v2;
	v0 =	vsel vm10, $0x1100, v0  }
0x29: {  	v3 =	vsel vm13, $0x1880, v3;
	v2 =	vsel vm10, $0x1500, v2;
	v0 =	vsel vm9, $0x1101, v0  }
0x2a: {  	v3 =	vsel vm14, $0x1881, v3;
	v2 =	vsel vm9, $0x1501, v2;
	v0 =	vsel vm8, $0x1180, v0  }
0x2b: {  	v3 =	vsel vm10, $0x1900, v3;
	v2 =	vsel vm8, $0x1580, v2;
	v0 =	vsel vm7, $0x1181, v0  }
0x2c: {  	v3 =	vsel vm9, $0x1901, v3;
	v2 =	vsel vm7, $0x1581, v2;
	v0 =	vsel vm6, $0x1200, v0  }
0x2d: {  	v3 =	vsel vm8, $0x1980, v3;
	v2 =	vsel vm6, $0x1600, v2;
	v0 =	vsel vm5, $0x1201, v0  }
0x2e: {  	v3 =	vsel vm7, $0x1981, v3;
	v2 =	vsel vm5, $0x1601, v2;
	v0 =	vsel vm4, $0x1280, v0  }
0x2f: {  	v3 =	vsel vm6, $0x1A00, v3;
	v2 =	vsel vm4, $0x1680, v2;
	v0 =	vsel vm3, $0x1281, v0  }
0x30: {  	v3 =	vsel vm5, $0x1A01, v3;
	v2 =	vsel vm3, $0x1681, v2;
	v0 =	vsel vm2, $0x1300, v0  }
0x31: {  	v3 =	vsel vm4, $0x1A80, v3;
	v2 =	vsel vm2, $0x1700, v2;
	v0 =	vsel vm1, $0x1301, v0  }
0x32: {  	v3 =	vsel vm3, $0x1A81, v3;
	v2 =	vsel vm1, $0x1701, v2;
	v0 =	vsel vm0, $0x1380, v0  }
0x33: {  	v3 =	vsel vm2, $0x1B00, v3;
	[tilespmem:$0x1FC40] =	vst v0;
	v0 =	vsel vm0, $0x1780, v2  }
0x34: {  	[tilespmem:$0x1FC50] =	vst v0;
	v0 =	vsel vm1, $0x1B01, v3  }
0x35: {  	v0 =	vsel vm0, $0x1B80, v0  }
0x36: {  	[tilespmem:$0x1FC60] =	vst v0;
	v0 =	vimm.s32 $0x1F81  }
0x37: {  	v2 =	vimm.s32 $0x2381;
	v0 =	vsel vm11, $0x1C00, v0  }
0x38: {  	v2 =	vsel vm11, $0x2000, v2;
	v0 =	vsel vm12, $0x1C01, v0  }
0x39: {  	v3 =	vimm.s32 $0x2781;
	v2 =	vsel vm12, $0x2001, v2;
	v0 =	vsel vm13, $0x1C80, v0  }
0x3a: {  	v3 =	vsel vm11, $0x2400, v3;
	v2 =	vsel vm13, $0x2080, v2;
	v0 =	vsel vm14, $0x1C81, v0  }
0x3b: {  	v3 =	vsel vm12, $0x2401, v3;
	v2 =	vsel vm14, $0x2081, v2;
	v0 =	vsel vm10, $0x1D00, v0  }
0x3c: {  	v3 =	vsel vm13, $0x2480, v3;
	v2 =	vsel vm10, $0x2100, v2;
	v0 =	vsel vm9, $0x1D01, v0  }
0x3d: {  	v3 =	vsel vm14, $0x2481, v3;
	v2 =	vsel vm9, $0x2101, v2;
	v0 =	vsel vm8, $0x1D80, v0  }
0x3e: {  	v3 =	vsel vm10, $0x2500, v3;
	v2 =	vsel vm8, $0x2180, v2;
	v0 =	vsel vm7, $0x1D81, v0  }
0x3f: {  	v3 =	vsel vm9, $0x2501, v3;
	v2 =	vsel vm7, $0x2181, v2;
	v0 =	vsel vm6, $0x1E00, v0  }
0x40: {  	v3 =	vsel vm8, $0x2580, v3;
	v2 =	vsel vm6, $0x2200, v2;
	v0 =	vsel vm5, $0x1E01, v0  }
0x41: {  	v3 =	vsel vm7, $0x2581, v3;
	v2 =	vsel vm5, $0x2201, v2;
	v0 =	vsel vm4, $0x1E80, v0  }
0x42: {  	v3 =	vsel vm6, $0x2600, v3;
	v2 =	vsel vm4, $0x2280, v2;
	v0 =	vsel vm3, $0x1E81, v0  }
0x43: {  	v3 =	vsel vm5, $0x2601, v3;
	v2 =	vsel vm3, $0x2281, v2;
	v0 =	vsel vm2, $0x1F00, v0  }
0x44: {  	v3 =	vsel vm4, $0x2680, v3;
	v2 =	vsel vm2, $0x2300, v2;
	v0 =	vsel vm1, $0x1F01, v0  }
0x45: {  	v3 =	vsel vm3, $0x2681, v3;
	v2 =	vsel vm1, $0x2301, v2;
	v0 =	vsel vm0, $0x1F80, v0  }
0x46: {  	v3 =	vsel vm2, $0x2700, v3;
	[tilespmem:$0x1FC70] =	vst v0;
	v0 =	vsel vm0, $0x2380, v2  }
0x47: {  	[tilespmem:$0x1FC80] =	vst v0;
	v0 =	vsel vm1, $0x2701, v3  }
0x48: {  	v0 =	vsel vm0, $0x2780, v0  }
0x49: {  	[tilespmem:$0x1FC90] =	vst v0;
	v0 =	vimm.s32 $0x2B81  }
0x4a: {  	v2 =	vimm.s32 $0x2F81;
	v0 =	vsel vm11, $0x2800, v0  }
0x4b: {  	v2 =	vsel vm11, $0x2C00, v2;
	v0 =	vsel vm12, $0x2801, v0  }
0x4c: {  	v3 =	vimm.s32 $0x3381;
	v2 =	vsel vm12, $0x2C01, v2;
	v0 =	vsel vm13, $0x2880, v0  }
0x4d: {  	v3 =	vsel vm11, $0x3000, v3;
	v2 =	vsel vm13, $0x2C80, v2;
	v0 =	vsel vm14, $0x2881, v0  }
0x4e: {  	v3 =	vsel vm12, $0x3001, v3;
	v2 =	vsel vm14, $0x2C81, v2;
	v0 =	vsel vm10, $0x2900, v0  }
0x4f: {  	v3 =	vsel vm13, $0x3080, v3;
	v2 =	vsel vm10, $0x2D00, v2;
	v0 =	vsel vm9, $0x2901, v0  }
0x50: {  	v3 =	vsel vm14, $0x3081, v3;
	v2 =	vsel vm9, $0x2D01, v2;
	v0 =	vsel vm8, $0x2980, v0  }
0x51: {  	v3 =	vsel vm10, $0x3100, v3;
	v2 =	vsel vm8, $0x2D80, v2;
	v0 =	vsel vm7, $0x2981, v0  }
0x52: {  	v3 =	vsel vm9, $0x3101, v3;
	v2 =	vsel vm7, $0x2D81, v2;
	v0 =	vsel vm6, $0x2A00, v0  }
0x53: {  	v3 =	vsel vm8, $0x3180, v3;
	v2 =	vsel vm6, $0x2E00, v2;
	v0 =	vsel vm5, $0x2A01, v0  }
0x54: {  	v3 =	vsel vm7, $0x3181, v3;
	v2 =	vsel vm5, $0x2E01, v2;
	v0 =	vsel vm4, $0x2A80, v0  }
0x55: {  	v3 =	vsel vm6, $0x3200, v3;
	v2 =	vsel vm4, $0x2E80, v2;
	v0 =	vsel vm3, $0x2A81, v0  }
0x56: {  	v3 =	vsel vm5, $0x3201, v3;
	v2 =	vsel vm3, $0x2E81, v2;
	v0 =	vsel vm2, $0x2B00, v0  }
0x57: {  	v3 =	vsel vm4, $0x3280, v3;
	v2 =	vsel vm2, $0x2F00, v2;
	v0 =	vsel vm1, $0x2B01, v0  }
0x58: {  	v3 =	vsel vm3, $0x3281, v3;
	v2 =	vsel vm1, $0x2F01, v2;
	v0 =	vsel vm0, $0x2B80, v0  }
0x59: {  	v3 =	vsel vm2, $0x3300, v3;
	[tilespmem:$0x1FCA0] =	vst v0;
	v0 =	vsel vm0, $0x2F80, v2  }
0x5a: {  	[tilespmem:$0x1FCB0] =	vst v0;
	v0 =	vsel vm1, $0x3301, v3  }
0x5b: {  	v0 =	vsel vm0, $0x3380, v0  }
0x5c: {  	[tilespmem:$0x1FCC0] =	vst v0;
	v0 =	vimm.s32 $0x3781  }
0x5d: {  	v2 =	vimm.s32 $0x3B81;
	v0 =	vsel vm11, $0x3400, v0  }
0x5e: {  	v2 =	vsel vm11, $0x3800, v2;
	v0 =	vsel vm12, $0x3401, v0  }
0x5f: {  	v3 =	vimm.s32 $0x3F81;
	v2 =	vsel vm12, $0x3801, v2;
	v0 =	vsel vm13, $0x3480, v0  }
0x60: {  	v3 =	vsel vm11, $0x3C00, v3;
	v2 =	vsel vm13, $0x3880, v2;
	v0 =	vsel vm14, $0x3481, v0  }
0x61: {  	v3 =	vsel vm12, $0x3C01, v3;
	v2 =	vsel vm14, $0x3881, v2;
	v0 =	vsel vm10, $0x3500, v0  }
0x62: {  	v3 =	vsel vm13, $0x3C80, v3;
	v2 =	vsel vm10, $0x3900, v2;
	v0 =	vsel vm9, $0x3501, v0  }
0x63: {  	v3 =	vsel vm14, $0x3C81, v3;
	v2 =	vsel vm9, $0x3901, v2;
	v0 =	vsel vm8, $0x3580, v0  }
0x64: {  	v3 =	vsel vm10, $0x3D00, v3;
	v2 =	vsel vm8, $0x3980, v2;
	v0 =	vsel vm7, $0x3581, v0  }
0x65: {  	v3 =	vsel vm9, $0x3D01, v3;
	v2 =	vsel vm7, $0x3981, v2;
	v0 =	vsel vm6, $0x3600, v0  }
0x66: {  	v3 =	vsel vm8, $0x3D80, v3;
	v2 =	vsel vm6, $0x3A00, v2;
	v0 =	vsel vm5, $0x3601, v0  }
0x67: {  	v3 =	vsel vm7, $0x3D81, v3;
	v2 =	vsel vm5, $0x3A01, v2;
	v0 =	vsel vm4, $0x3680, v0  }
0x68: {  	v3 =	vsel vm6, $0x3E00, v3;
	v2 =	vsel vm4, $0x3A80, v2;
	v0 =	vsel vm3, $0x3681, v0  }
0x69: {  	v3 =	vsel vm5, $0x3E01, v3;
	v2 =	vsel vm3, $0x3A81, v2;
	v0 =	vsel vm2, $0x3700, v0  }
0x6a: {  	v3 =	vsel vm4, $0x3E80, v3;
	v2 =	vsel vm2, $0x3B00, v2;
	v0 =	vsel vm1, $0x3701, v0  }
0x6b: {  	v3 =	vsel vm3, $0x3E81, v3;
	v2 =	vsel vm1, $0x3B01, v2;
	v0 =	vsel vm0, $0x3780, v0  }
0x6c: {  	v3 =	vsel vm2, $0x3F00, v3;
	[tilespmem:$0x1FCD0] =	vst v0;
	v0 =	vsel vm0, $0x3B80, v2  }
0x6d: {  	[tilespmem:$0x1FCE0] =	vst v0;
	v0 =	vsel vm1, $0x3F01, v3  }
0x6e: {  	v0 =	vsel vm0, $0x3F80, v0  }
0x6f: {  	[tilespmem:$0x1FCF0] =	vst v0;
	v0 =	vimm.s32 $0x4381  }
0x70: {  	v2 =	vimm.s32 $0x4781;
	v0 =	vsel vm11, $0x4000, v0  }
0x71: {  	v2 =	vsel vm11, $0x4400, v2;
	v0 =	vsel vm12, $0x4001, v0  }
0x72: {  	v3 =	vimm.s32 $0x4B81;
	v2 =	vsel vm12, $0x4401, v2;
	v0 =	vsel vm13, $0x4080, v0  }
0x73: {  	v3 =	vsel vm11, $0x4800, v3;
	v2 =	vsel vm13, $0x4480, v2;
	v0 =	vsel vm14, $0x4081, v0  }
0x74: {  	v3 =	vsel vm12, $0x4801, v3;
	v2 =	vsel vm14, $0x4481, v2;
	v0 =	vsel vm10, $0x4100, v0  }
0x75: {  	v3 =	vsel vm13, $0x4880, v3;
	v2 =	vsel vm10, $0x4500, v2;
	v0 =	vsel vm9, $0x4101, v0  }
0x76: {  	v3 =	vsel vm14, $0x4881, v3;
	v2 =	vsel vm9, $0x4501, v2;
	v0 =	vsel vm8, $0x4180, v0  }
0x77: {  	v3 =	vsel vm10, $0x4900, v3;
	v2 =	vsel vm8, $0x4580, v2;
	v0 =	vsel vm7, $0x4181, v0  }
0x78: {  	v3 =	vsel vm9, $0x4901, v3;
	v2 =	vsel vm7, $0x4581, v2;
	v0 =	vsel vm6, $0x4200, v0  }
0x79: {  	v3 =	vsel vm8, $0x4980, v3;
	v2 =	vsel vm6, $0x4600, v2;
	v0 =	vsel vm5, $0x4201, v0  }
0x7a: {  	v3 =	vsel vm7, $0x4981, v3;
	v2 =	vsel vm5, $0x4601, v2;
	v0 =	vsel vm4, $0x4280, v0  }
0x7b: {  	v3 =	vsel vm6, $0x4A00, v3;
	v2 =	vsel vm4, $0x4680, v2;
	v0 =	vsel vm3, $0x4281, v0  }
0x7c: {  	v3 =	vsel vm5, $0x4A01, v3;
	v2 =	vsel vm3, $0x4681, v2;
	v0 =	vsel vm2, $0x4300, v0  }
0x7d: {  	v3 =	vsel vm4, $0x4A80, v3;
	v2 =	vsel vm2, $0x4700, v2;
	v0 =	vsel vm1, $0x4301, v0  }
0x7e: {  	v3 =	vsel vm3, $0x4A81, v3;
	v2 =	vsel vm1, $0x4701, v2;
	v0 =	vsel vm0, $0x4380, v0  }
0x7f: {  	v3 =	vsel vm2, $0x4B00, v3;
	[tilespmem:$0x1FD00] =	vst v0;
	v0 =	vsel vm0, $0x4780, v2  }
0x80: {  	[tilespmem:$0x1FD10] =	vst v0;
	v0 =	vsel vm1, $0x4B01, v3  }
0x81: {  	v0 =	vsel vm0, $0x4B80, v0  }
0x82: {  	[tilespmem:$0x1FD20] =	vst v0;
	v0 =	vimm.s32 $0x4F81  }
0x83: {  	v2 =	vimm.s32 $0x5381;
	v0 =	vsel vm11, $0x4C00, v0  }
0x84: {  	v2 =	vsel vm11, $0x5000, v2;
	v0 =	vsel vm12, $0x4C01, v0  }
0x85: {  	v3 =	vimm.s32 $0x5781;
	v2 =	vsel vm12, $0x5001, v2;
	v0 =	vsel vm13, $0x4C80, v0  }
0x86: {  	v3 =	vsel vm11, $0x5400, v3;
	v2 =	vsel vm13, $0x5080, v2;
	v0 =	vsel vm14, $0x4C81, v0  }
0x87: {  	v3 =	vsel vm12, $0x5401, v3;
	v2 =	vsel vm14, $0x5081, v2;
	v0 =	vsel vm10, $0x4D00, v0  }
0x88: {  	v3 =	vsel vm13, $0x5480, v3;
	v2 =	vsel vm10, $0x5100, v2;
	v0 =	vsel vm9, $0x4D01, v0  }
0x89: {  	v3 =	vsel vm14, $0x5481, v3;
	v2 =	vsel vm9, $0x5101, v2;
	v0 =	vsel vm8, $0x4D80, v0  }
0x8a: {  	v3 =	vsel vm10, $0x5500, v3;
	v2 =	vsel vm8, $0x5180, v2;
	v0 =	vsel vm7, $0x4D81, v0  }
0x8b: {  	v3 =	vsel vm9, $0x5501, v3;
	v2 =	vsel vm7, $0x5181, v2;
	v0 =	vsel vm6, $0x4E00, v0  }
0x8c: {  	v3 =	vsel vm8, $0x5580, v3;
	v2 =	vsel vm6, $0x5200, v2;
	v0 =	vsel vm5, $0x4E01, v0  }
0x8d: {  	v3 =	vsel vm7, $0x5581, v3;
	v2 =	vsel vm5, $0x5201, v2;
	v0 =	vsel vm4, $0x4E80, v0  }
0x8e: {  	v3 =	vsel vm6, $0x5600, v3;
	v2 =	vsel vm4, $0x5280, v2;
	v0 =	vsel vm3, $0x4E81, v0  }
0x8f: {  	v3 =	vsel vm5, $0x5601, v3;
	v2 =	vsel vm3, $0x5281, v2;
	v0 =	vsel vm2, $0x4F00, v0  }
0x90: {  	v3 =	vsel vm4, $0x5680, v3;
	v2 =	vsel vm2, $0x5300, v2;
	v0 =	vsel vm1, $0x4F01, v0  }
0x91: {  	v3 =	vsel vm3, $0x5681, v3;
	v2 =	vsel vm1, $0x5301, v2;
	v0 =	vsel vm0, $0x4F80, v0  }
0x92: {  	v3 =	vsel vm2, $0x5700, v3;
	[tilespmem:$0x1FD30] =	vst v0;
	v0 =	vsel vm0, $0x5380, v2  }
0x93: {  	[tilespmem:$0x1FD40] =	vst v0;
	v0 =	vsel vm1, $0x5701, v3  }
0x94: {  	v0 =	vsel vm0, $0x5780, v0  }
0x95: {  	[tilespmem:$0x1FD50] =	vst v0;
	v0 =	vimm.s32 $0x5B81  }
0x96: {  	v2 =	vimm.s32 $0x5F81;
	v0 =	vsel vm11, $0x5800, v0  }
0x97: {  	v2 =	vsel vm11, $0x5C00, v2;
	v0 =	vsel vm12, $0x5801, v0  }
0x98: {  	v3 =	vimm.s32 $0x6381;
	v2 =	vsel vm12, $0x5C01, v2;
	v0 =	vsel vm13, $0x5880, v0  }
0x99: {  	v3 =	vsel vm11, $0x6000, v3;
	v2 =	vsel vm13, $0x5C80, v2;
	v0 =	vsel vm14, $0x5881, v0  }
0x9a: {  	v3 =	vsel vm12, $0x6001, v3;
	v2 =	vsel vm14, $0x5C81, v2;
	v0 =	vsel vm10, $0x5900, v0  }
0x9b: {  	v3 =	vsel vm13, $0x6080, v3;
	v2 =	vsel vm10, $0x5D00, v2;
	v0 =	vsel vm9, $0x5901, v0  }
0x9c: {  	v3 =	vsel vm14, $0x6081, v3;
	v2 =	vsel vm9, $0x5D01, v2;
	v0 =	vsel vm8, $0x5980, v0  }
0x9d: {  	v3 =	vsel vm10, $0x6100, v3;
	v2 =	vsel vm8, $0x5D80, v2;
	v0 =	vsel vm7, $0x5981, v0  }
0x9e: {  	v3 =	vsel vm9, $0x6101, v3;
	v2 =	vsel vm7, $0x5D81, v2;
	v0 =	vsel vm6, $0x5A00, v0  }
0x9f: {  	v3 =	vsel vm8, $0x6180, v3;
	v2 =	vsel vm6, $0x5E00, v2;
	v0 =	vsel vm5, $0x5A01, v0  }
0xa0: {  	v3 =	vsel vm7, $0x6181, v3;
	v2 =	vsel vm5, $0x5E01, v2;
	v0 =	vsel vm4, $0x5A80, v0  }
0xa1: {  	v3 =	vsel vm6, $0x6200, v3;
	v2 =	vsel vm4, $0x5E80, v2;
	v0 =	vsel vm3, $0x5A81, v0  }
0xa2: {  	v3 =	vsel vm5, $0x6201, v3;
	v2 =	vsel vm3, $0x5E81, v2;
	v0 =	vsel vm2, $0x5B00, v0  }
0xa3: {  	v3 =	vsel vm4, $0x6280, v3;
	v2 =	vsel vm2, $0x5F00, v2;
	v0 =	vsel vm1, $0x5B01, v0  }
0xa4: {  	v3 =	vsel vm3, $0x6281, v3;
	v2 =	vsel vm1, $0x5F01, v2;
	v0 =	vsel vm0, $0x5B80, v0  }
0xa5: {  	v3 =	vsel vm2, $0x6300, v3;
	[tilespmem:$0x1FD60] =	vst v0;
	v0 =	vsel vm0, $0x5F80, v2  }
0xa6: {  	[tilespmem:$0x1FD70] =	vst v0;
	v0 =	vsel vm1, $0x6301, v3  }
0xa7: {  	v0 =	vsel vm0, $0x6380, v0  }
0xa8: {  	[tilespmem:$0x1FD80] =	vst v0;
	v0 =	vimm.s32 $0x6781  }
0xa9: {  	v2 =	vimm.s32 $0x6B81;
	v0 =	vsel vm11, $0x6400, v0  }
0xaa: {  	v2 =	vsel vm11, $0x6800, v2;
	v0 =	vsel vm12, $0x6401, v0  }
0xab: {  	v3 =	vimm.s32 $0x6F81;
	v2 =	vsel vm12, $0x6801, v2;
	v0 =	vsel vm13, $0x6480, v0  }
0xac: {  	v3 =	vsel vm11, $0x6C00, v3;
	v2 =	vsel vm13, $0x6880, v2;
	v0 =	vsel vm14, $0x6481, v0  }
0xad: {  	v3 =	vsel vm12, $0x6C01, v3;
	v2 =	vsel vm14, $0x6881, v2;
	v0 =	vsel vm10, $0x6500, v0  }
0xae: {  	v3 =	vsel vm13, $0x6C80, v3;
	v2 =	vsel vm10, $0x6900, v2;
	v0 =	vsel vm9, $0x6501, v0  }
0xaf: {  	v3 =	vsel vm14, $0x6C81, v3;
	v2 =	vsel vm9, $0x6901, v2;
	v0 =	vsel vm8, $0x6580, v0  }
0xb0: {  	v3 =	vsel vm10, $0x6D00, v3;
	v2 =	vsel vm8, $0x6980, v2;
	v0 =	vsel vm7, $0x6581, v0  }
0xb1: {  	v3 =	vsel vm9, $0x6D01, v3;
	v2 =	vsel vm7, $0x6981, v2;
	v0 =	vsel vm6, $0x6600, v0  }
0xb2: {  	v3 =	vsel vm8, $0x6D80, v3;
	v2 =	vsel vm6, $0x6A00, v2;
	v0 =	vsel vm5, $0x6601, v0  }
0xb3: {  	v3 =	vsel vm7, $0x6D81, v3;
	v2 =	vsel vm5, $0x6A01, v2;
	v0 =	vsel vm4, $0x6680, v0  }
0xb4: {  	v3 =	vsel vm6, $0x6E00, v3;
	v2 =	vsel vm4, $0x6A80, v2;
	v0 =	vsel vm3, $0x6681, v0  }
0xb5: {  	v3 =	vsel vm5, $0x6E01, v3;
	v2 =	vsel vm3, $0x6A81, v2;
	v0 =	vsel vm2, $0x6700, v0  }
0xb6: {  	v3 =	vsel vm4, $0x6E80, v3;
	v2 =	vsel vm2, $0x6B00, v2;
	v0 =	vsel vm1, $0x6701, v0  }
0xb7: {  	v3 =	vsel vm3, $0x6E81, v3;
	v2 =	vsel vm1, $0x6B01, v2;
	v0 =	vsel vm0, $0x6780, v0  }
0xb8: {  	v3 =	vsel vm2, $0x6F00, v3;
	[tilespmem:$0x1FD90] =	vst v0;
	v0 =	vsel vm0, $0x6B80, v2  }
0xb9: {  	[tilespmem:$0x1FDA0] =	vst v0;
	v0 =	vsel vm1, $0x6F01, v3  }
0xba: {  	v0 =	vsel vm0, $0x6F80, v0  }
0xbb: {  	[tilespmem:$0x1FDB0] =	vst v0;
	v0 =	vimm.s32 $0x7381  }
0xbc: {  	v2 =	vimm.s32 $0x7781;
	v0 =	vsel vm11, $0x7000, v0  }
0xbd: {  	v2 =	vsel vm11, $0x7400, v2;
	v0 =	vsel vm12, $0x7001, v0  }
0xbe: {  	v3 =	vimm.s32 $0x7B81;
	v2 =	vsel vm12, $0x7401, v2;
	v0 =	vsel vm13, $0x7080, v0  }
0xbf: {  	v3 =	vsel vm11, $0x7800, v3;
	v2 =	vsel vm13, $0x7480, v2;
	v0 =	vsel vm14, $0x7081, v0  }
0xc0: {  	v3 =	vsel vm12, $0x7801, v3;
	v2 =	vsel vm14, $0x7481, v2;
	v0 =	vsel vm10, $0x7100, v0  }
0xc1: {  	v3 =	vsel vm13, $0x7880, v3;
	v2 =	vsel vm10, $0x7500, v2;
	v0 =	vsel vm9, $0x7101, v0  }
0xc2: {  	v3 =	vsel vm14, $0x7881, v3;
	v2 =	vsel vm9, $0x7501, v2;
	v0 =	vsel vm8, $0x7180, v0  }
0xc3: {  	v3 =	vsel vm10, $0x7900, v3;
	v2 =	vsel vm8, $0x7580, v2;
	v0 =	vsel vm7, $0x7181, v0  }
0xc4: {  	v3 =	vsel vm9, $0x7901, v3;
	v2 =	vsel vm7, $0x7581, v2;
	v0 =	vsel vm6, $0x7200, v0  }
0xc5: {  	v3 =	vsel vm8, $0x7980, v3;
	v2 =	vsel vm6, $0x7600, v2;
	v0 =	vsel vm5, $0x7201, v0  }
0xc6: {  	v3 =	vsel vm7, $0x7981, v3;
	v2 =	vsel vm5, $0x7601, v2;
	v0 =	vsel vm4, $0x7280, v0  }
0xc7: {  	v3 =	vsel vm6, $0x7A00, v3;
	v2 =	vsel vm4, $0x7680, v2;
	v0 =	vsel vm3, $0x7281, v0  }
0xc8: {  	v3 =	vsel vm5, $0x7A01, v3;
	v2 =	vsel vm3, $0x7681, v2;
	v0 =	vsel vm2, $0x7300, v0  }
0xc9: {  	v3 =	vsel vm4, $0x7A80, v3;
	v2 =	vsel vm2, $0x7700, v2;
	v0 =	vsel vm1, $0x7301, v0  }
0xca: {  	v3 =	vsel vm3, $0x7A81, v3;
	v2 =	vsel vm1, $0x7701, v2;
	v0 =	vsel vm0, $0x7380, v0  }
0xcb: {  	v3 =	vsel vm2, $0x7B00, v3;
	[tilespmem:$0x1FDC0] =	vst v0;
	v0 =	vsel vm0, $0x7780, v2  }
0xcc: {  	[tilespmem:$0x1FDD0] =	vst v0;
	v0 =	vsel vm1, $0x7B01, v3  }
0xcd: {  	v0 =	vsel vm0, $0x7B80, v0  }
0xce: {  	[tilespmem:$0x1FDE0] =	vst v0;
	v0 =	vimm.s32 $0x7F81  }
0xcf: {  	v2 =	vimm.s32 $0x8381;
	v0 =	vsel vm11, $0x7C00, v0  }
0xd0: {  	v2 =	vsel vm11, $0x8000, v2;
	v0 =	vsel vm12, $0x7C01, v0  }
0xd1: {  	v3 =	vimm.s32 $0x8781;
	v2 =	vsel vm12, $0x8001, v2;
	v0 =	vsel vm13, $0x7C80, v0  }
0xd2: {  	v3 =	vsel vm11, $0x8400, v3;
	v2 =	vsel vm13, $0x8080, v2;
	v0 =	vsel vm14, $0x7C81, v0  }
0xd3: {  	v3 =	vsel vm12, $0x8401, v3;
	v2 =	vsel vm14, $0x8081, v2;
	v0 =	vsel vm10, $0x7D00, v0  }
0xd4: {  	v3 =	vsel vm13, $0x8480, v3;
	v2 =	vsel vm10, $0x8100, v2;
	v0 =	vsel vm9, $0x7D01, v0  }
0xd5: {  	v3 =	vsel vm14, $0x8481, v3;
	v2 =	vsel vm9, $0x8101, v2;
	v0 =	vsel vm8, $0x7D80, v0  }
0xd6: {  	v3 =	vsel vm10, $0x8500, v3;
	v2 =	vsel vm8, $0x8180, v2;
	v0 =	vsel vm7, $0x7D81, v0  }
0xd7: {  	v3 =	vsel vm9, $0x8501, v3;
	v2 =	vsel vm7, $0x8181, v2;
	v0 =	vsel vm6, $0x7E00, v0  }
0xd8: {  	v3 =	vsel vm8, $0x8580, v3;
	v2 =	vsel vm6, $0x8200, v2;
	v0 =	vsel vm5, $0x7E01, v0  }
0xd9: {  	v3 =	vsel vm7, $0x8581, v3;
	v2 =	vsel vm5, $0x8201, v2;
	v0 =	vsel vm4, $0x7E80, v0  }
0xda: {  	v3 =	vsel vm6, $0x8600, v3;
	v2 =	vsel vm4, $0x8280, v2;
	v0 =	vsel vm3, $0x7E81, v0  }
0xdb: {  	v3 =	vsel vm5, $0x8601, v3;
	v2 =	vsel vm3, $0x8281, v2;
	v0 =	vsel vm2, $0x7F00, v0  }
0xdc: {  	v3 =	vsel vm4, $0x8680, v3;
	v2 =	vsel vm2, $0x8300, v2;
	v0 =	vsel vm1, $0x7F01, v0  }
0xdd: {  	v3 =	vsel vm3, $0x8681, v3;
	v2 =	vsel vm1, $0x8301, v2;
	v0 =	vsel vm0, $0x7F80, v0  }
0xde: {  	v3 =	vsel vm2, $0x8700, v3;
	[tilespmem:$0x1FDF0] =	vst v0;
	v0 =	vsel vm0, $0x8380, v2  }
0xdf: {  	[tilespmem:$0x1FE00] =	vst v0;
	v0 =	vsel vm1, $0x8701, v3  }
0xe0: {  	v0 =	vsel vm0, $0x8780, v0  }
0xe1: {  	[tilespmem:$0x1FE10] =	vst v0;
	v0 =	vimm.s32 $0x8B81  }
0xe2: {  	v2 =	vimm.s32 $0x8F81;
	v0 =	vsel vm11, $0x8800, v0  }
0xe3: {  	v2 =	vsel vm11, $0x8C00, v2;
	v0 =	vsel vm12, $0x8801, v0  }
0xe4: {  	v3 =	vimm.s32 $0x9381;
	v2 =	vsel vm12, $0x8C01, v2;
	v0 =	vsel vm13, $0x8880, v0  }
0xe5: {  	v3 =	vsel vm11, $0x9000, v3;
	v2 =	vsel vm13, $0x8C80, v2;
	v0 =	vsel vm14, $0x8881, v0  }
0xe6: {  	v3 =	vsel vm12, $0x9001, v3;
	v2 =	vsel vm14, $0x8C81, v2;
	v0 =	vsel vm10, $0x8900, v0  }
0xe7: {  	v3 =	vsel vm13, $0x9080, v3;
	v2 =	vsel vm10, $0x8D00, v2;
	v0 =	vsel vm9, $0x8901, v0  }
0xe8: {  	v3 =	vsel vm14, $0x9081, v3;
	v2 =	vsel vm9, $0x8D01, v2;
	v0 =	vsel vm8, $0x8980, v0  }
0xe9: {  	v3 =	vsel vm10, $0x9100, v3;
	v2 =	vsel vm8, $0x8D80, v2;
	v0 =	vsel vm7, $0x8981, v0  }
0xea: {  	v3 =	vsel vm9, $0x9101, v3;
	v2 =	vsel vm7, $0x8D81, v2;
	v0 =	vsel vm6, $0x8A00, v0  }
0xeb: {  	v3 =	vsel vm8, $0x9180, v3;
	v2 =	vsel vm6, $0x8E00, v2;
	v0 =	vsel vm5, $0x8A01, v0  }
0xec: {  	v3 =	vsel vm7, $0x9181, v3;
	v2 =	vsel vm5, $0x8E01, v2;
	v0 =	vsel vm4, $0x8A80, v0  }
0xed: {  	v3 =	vsel vm6, $0x9200, v3;
	v2 =	vsel vm4, $0x8E80, v2;
	v0 =	vsel vm3, $0x8A81, v0  }
0xee: {  	v3 =	vsel vm5, $0x9201, v3;
	v2 =	vsel vm3, $0x8E81, v2;
	v0 =	vsel vm2, $0x8B00, v0  }
0xef: {  	v3 =	vsel vm4, $0x9280, v3;
	v2 =	vsel vm2, $0x8F00, v2;
	v0 =	vsel vm1, $0x8B01, v0  }
0xf0: {  	v3 =	vsel vm3, $0x9281, v3;
	v2 =	vsel vm1, $0x8F01, v2;
	v0 =	vsel vm0, $0x8B80, v0  }
0xf1: {  	v3 =	vsel vm2, $0x9300, v3;
	[tilespmem:$0x1FE20] =	vst v0;
	v0 =	vsel vm0, $0x8F80, v2  }
0xf2: {  	[tilespmem:$0x1FE30] =	vst v0;
	v0 =	vsel vm1, $0x9301, v3  }
0xf3: {  	v0 =	vsel vm0, $0x9380, v0  }
0xf4: {  	[tilespmem:$0x1FE40] =	vst v0;
	v0 =	vimm.s32 $0x9781  }
0xf5: {  	v2 =	vimm.s32 $0x9B81;
	v0 =	vsel vm11, $0x9400, v0  }
0xf6: {  	v2 =	vsel vm11, $0x9800, v2;
	v0 =	vsel vm12, $0x9401, v0  }
0xf7: {  	v3 =	vimm.s32 $0x9F81;
	v2 =	vsel vm12, $0x9801, v2;
	v0 =	vsel vm13, $0x9480, v0  }
0xf8: {  	v3 =	vsel vm11, $0x9C00, v3;
	v2 =	vsel vm13, $0x9880, v2;
	v0 =	vsel vm14, $0x9481, v0  }
0xf9: {  	v3 =	vsel vm12, $0x9C01, v3;
	v2 =	vsel vm14, $0x9881, v2;
	v0 =	vsel vm10, $0x9500, v0  }
0xfa: {  	v3 =	vsel vm13, $0x9C80, v3;
	v2 =	vsel vm10, $0x9900, v2;
	v0 =	vsel vm9, $0x9501, v0  }
0xfb: {  	v3 =	vsel vm14, $0x9C81, v3;
	v2 =	vsel vm9, $0x9901, v2;
	v0 =	vsel vm8, $0x9580, v0  }
0xfc: {  	v3 =	vsel vm10, $0x9D00, v3;
	v2 =	vsel vm8, $0x9980, v2;
	v0 =	vsel vm7, $0x9581, v0  }
0xfd: {  	v3 =	vsel vm9, $0x9D01, v3;
	v2 =	vsel vm7, $0x9981, v2;
	v0 =	vsel vm6, $0x9600, v0  }
0xfe: {  	v3 =	vsel vm8, $0x9D80, v3;
	v2 =	vsel vm6, $0x9A00, v2;
	v0 =	vsel vm5, $0x9601, v0  }
0xff: {  	v3 =	vsel vm7, $0x9D81, v3;
	v2 =	vsel vm5, $0x9A01, v2;
	v0 =	vsel vm4, $0x9680, v0  }
0x100: {  	v3 =	vsel vm6, $0x9E00, v3;
	v2 =	vsel vm4, $0x9A80, v2;
	v0 =	vsel vm3, $0x9681, v0  }
0x101: {  	v3 =	vsel vm5, $0x9E01, v3;
	v2 =	vsel vm3, $0x9A81, v2;
	v0 =	vsel vm2, $0x9700, v0  }
0x102: {  	v3 =	vsel vm4, $0x9E80, v3;
	v2 =	vsel vm2, $0x9B00, v2;
	v0 =	vsel vm1, $0x9701, v0  }
0x103: {  	v3 =	vsel vm3, $0x9E81, v3;
	v2 =	vsel vm1, $0x9B01, v2;
	v0 =	vsel vm0, $0x9780, v0  }
0x104: {  	v3 =	vsel vm2, $0x9F00, v3;
	[tilespmem:$0x1FE50] =	vst v0;
	v0 =	vsel vm0, $0x9B80, v2  }
0x105: {  	[tilespmem:$0x1FE60] =	vst v0;
	v0 =	vsel vm1, $0x9F01, v3  }
0x106: {  	v0 =	vsel vm0, $0x9F80, v0  }
0x107: {  	[tilespmem:$0x1FE70] =	vst v0;
	v0 =	vimm.s32 $0xA381  }
0x108: {  	v2 =	vimm.s32 $0xA781;
	v0 =	vsel vm11, $0xA000, v0  }
0x109: {  	v2 =	vsel vm11, $0xA400, v2;
	v0 =	vsel vm12, $0xA001, v0  }
0x10a: {  	v3 =	vimm.s32 $0xAB81;
	v2 =	vsel vm12, $0xA401, v2;
	v0 =	vsel vm13, $0xA080, v0  }
0x10b: {  	v3 =	vsel vm11, $0xA800, v3;
	v2 =	vsel vm13, $0xA480, v2;
	v0 =	vsel vm14, $0xA081, v0  }
0x10c: {  	v3 =	vsel vm12, $0xA801, v3;
	v2 =	vsel vm14, $0xA481, v2;
	v0 =	vsel vm10, $0xA100, v0  }
0x10d: {  	v3 =	vsel vm13, $0xA880, v3;
	v2 =	vsel vm10, $0xA500, v2;
	v0 =	vsel vm9, $0xA101, v0  }
0x10e: {  	v3 =	vsel vm14, $0xA881, v3;
	v2 =	vsel vm9, $0xA501, v2;
	v0 =	vsel vm8, $0xA180, v0  }
0x10f: {  	v3 =	vsel vm10, $0xA900, v3;
	v2 =	vsel vm8, $0xA580, v2;
	v0 =	vsel vm7, $0xA181, v0  }
0x110: {  	v3 =	vsel vm9, $0xA901, v3;
	v2 =	vsel vm7, $0xA581, v2;
	v0 =	vsel vm6, $0xA200, v0  }
0x111: {  	v3 =	vsel vm8, $0xA980, v3;
	v2 =	vsel vm6, $0xA600, v2;
	v0 =	vsel vm5, $0xA201, v0  }
0x112: {  	v3 =	vsel vm7, $0xA981, v3;
	v2 =	vsel vm5, $0xA601, v2;
	v0 =	vsel vm4, $0xA280, v0  }
0x113: {  	v3 =	vsel vm6, $0xAA00, v3;
	v2 =	vsel vm4, $0xA680, v2;
	v0 =	vsel vm3, $0xA281, v0  }
0x114: {  	v3 =	vsel vm5, $0xAA01, v3;
	v2 =	vsel vm3, $0xA681, v2;
	v0 =	vsel vm2, $0xA300, v0  }
0x115: {  	v3 =	vsel vm4, $0xAA80, v3;
	v2 =	vsel vm2, $0xA700, v2;
	v0 =	vsel vm1, $0xA301, v0  }
0x116: {  	v3 =	vsel vm3, $0xAA81, v3;
	v2 =	vsel vm1, $0xA701, v2;
	v0 =	vsel vm0, $0xA380, v0  }
0x117: {  	v3 =	vsel vm2, $0xAB00, v3;
	[tilespmem:$0x1FE80] =	vst v0;
	v0 =	vsel vm0, $0xA780, v2  }
0x118: {  	[tilespmem:$0x1FE90] =	vst v0;
	v0 =	vsel vm1, $0xAB01, v3  }
0x119: {  	v0 =	vsel vm0, $0xAB80, v0  }
0x11a: {  	[tilespmem:$0x1FEA0] =	vst v0;
	v0 =	vimm.s32 $0xAF81  }
0x11b: {  	v2 =	vimm.s32 $0xB381;
	v0 =	vsel vm11, $0xAC00, v0  }
0x11c: {  	v2 =	vsel vm11, $0xB000, v2;
	v0 =	vsel vm12, $0xAC01, v0  }
0x11d: {  	v3 =	vimm.s32 $0xB781;
	v2 =	vsel vm12, $0xB001, v2;
	v0 =	vsel vm13, $0xAC80, v0  }
0x11e: {  	v3 =	vsel vm11, $0xB400, v3;
	v2 =	vsel vm13, $0xB080, v2;
	v0 =	vsel vm14, $0xAC81, v0  }
0x11f: {  	v3 =	vsel vm12, $0xB401, v3;
	v2 =	vsel vm14, $0xB081, v2;
	v0 =	vsel vm10, $0xAD00, v0  }
0x120: {  	v3 =	vsel vm13, $0xB480, v3;
	v2 =	vsel vm10, $0xB100, v2;
	v0 =	vsel vm9, $0xAD01, v0  }
0x121: {  	v3 =	vsel vm14, $0xB481, v3;
	v2 =	vsel vm9, $0xB101, v2;
	v0 =	vsel vm8, $0xAD80, v0  }
0x122: {  	v3 =	vsel vm10, $0xB500, v3;
	v2 =	vsel vm8, $0xB180, v2;
	v0 =	vsel vm7, $0xAD81, v0  }
0x123: {  	v3 =	vsel vm9, $0xB501, v3;
	v2 =	vsel vm7, $0xB181, v2;
	v0 =	vsel vm6, $0xAE00, v0  }
0x124: {  	v3 =	vsel vm8, $0xB580, v3;
	v2 =	vsel vm6, $0xB200, v2;
	v0 =	vsel vm5, $0xAE01, v0  }
0x125: {  	v3 =	vsel vm7, $0xB581, v3;
	v2 =	vsel vm5, $0xB201, v2;
	v0 =	vsel vm4, $0xAE80, v0  }
0x126: {  	v3 =	vsel vm6, $0xB600, v3;
	v2 =	vsel vm4, $0xB280, v2;
	v0 =	vsel vm3, $0xAE81, v0  }
0x127: {  	v3 =	vsel vm5, $0xB601, v3;
	v2 =	vsel vm3, $0xB281, v2;
	v0 =	vsel vm2, $0xAF00, v0  }
0x128: {  	v3 =	vsel vm4, $0xB680, v3;
	v2 =	vsel vm2, $0xB300, v2;
	v0 =	vsel vm1, $0xAF01, v0  }
0x129: {  	v3 =	vsel vm3, $0xB681, v3;
	v2 =	vsel vm1, $0xB301, v2;
	v0 =	vsel vm0, $0xAF80, v0  }
0x12a: {  	v3 =	vsel vm2, $0xB700, v3;
	[tilespmem:$0x1FEB0] =	vst v0;
	v0 =	vsel vm0, $0xB380, v2  }
0x12b: {  	[tilespmem:$0x1FEC0] =	vst v0;
	v0 =	vsel vm1, $0xB701, v3  }
0x12c: {  	v0 =	vsel vm0, $0xB780, v0  }
0x12d: {  	[tilespmem:$0x1FED0] =	vst v0;
	v0 =	vimm.s32 $0xBB81  }
0x12e: {  	v2 =	vimm.s32 $0xBF81;
	v0 =	vsel vm11, $0xB800, v0  }
0x12f: {  	v2 =	vsel vm11, $0xBC00, v2;
	v0 =	vsel vm12, $0xB801, v0  }
0x130: {  	v3 =	vimm.s32 $0xC381;
	v2 =	vsel vm12, $0xBC01, v2;
	v0 =	vsel vm13, $0xB880, v0  }
0x131: {  	v3 =	vsel vm11, $0xC000, v3;
	v2 =	vsel vm13, $0xBC80, v2;
	v0 =	vsel vm14, $0xB881, v0  }
0x132: {  	v3 =	vsel vm12, $0xC001, v3;
	v2 =	vsel vm14, $0xBC81, v2;
	v0 =	vsel vm10, $0xB900, v0  }
0x133: {  	v3 =	vsel vm13, $0xC080, v3;
	v2 =	vsel vm10, $0xBD00, v2;
	v0 =	vsel vm9, $0xB901, v0  }
0x134: {  	v3 =	vsel vm14, $0xC081, v3;
	v2 =	vsel vm9, $0xBD01, v2;
	v0 =	vsel vm8, $0xB980, v0  }
0x135: {  	v3 =	vsel vm10, $0xC100, v3;
	v2 =	vsel vm8, $0xBD80, v2;
	v0 =	vsel vm7, $0xB981, v0  }
0x136: {  	v3 =	vsel vm9, $0xC101, v3;
	v2 =	vsel vm7, $0xBD81, v2;
	v0 =	vsel vm6, $0xBA00, v0  }
0x137: {  	v3 =	vsel vm8, $0xC180, v3;
	v2 =	vsel vm6, $0xBE00, v2;
	v0 =	vsel vm5, $0xBA01, v0  }
0x138: {  	v3 =	vsel vm7, $0xC181, v3;
	v2 =	vsel vm5, $0xBE01, v2;
	v0 =	vsel vm4, $0xBA80, v0  }
0x139: {  	v3 =	vsel vm6, $0xC200, v3;
	v2 =	vsel vm4, $0xBE80, v2;
	v0 =	vsel vm3, $0xBA81, v0  }
0x13a: {  	v3 =	vsel vm5, $0xC201, v3;
	v2 =	vsel vm3, $0xBE81, v2;
	v0 =	vsel vm2, $0xBB00, v0  }
0x13b: {  	v3 =	vsel vm4, $0xC280, v3;
	v2 =	vsel vm2, $0xBF00, v2;
	v0 =	vsel vm1, $0xBB01, v0  }
0x13c: {  	v3 =	vsel vm3, $0xC281, v3;
	v2 =	vsel vm1, $0xBF01, v2;
	v0 =	vsel vm0, $0xBB80, v0  }
0x13d: {  	v3 =	vsel vm2, $0xC300, v3;
	[tilespmem:$0x1FEE0] =	vst v0;
	v0 =	vsel vm0, $0xBF80, v2  }
0x13e: {  	[tilespmem:$0x1FEF0] =	vst v0;
	v0 =	vsel vm1, $0xC301, v3  }
0x13f: {  	v0 =	vsel vm0, $0xC380, v0  }
0x140: {  	[tilespmem:$0x1FF00] =	vst v0;
	v0 =	vimm.s32 $0xC781  }
0x141: {  	v2 =	vimm.s32 $0xCB81;
	v0 =	vsel vm11, $0xC400, v0  }
0x142: {  	v2 =	vsel vm11, $0xC800, v2;
	v0 =	vsel vm12, $0xC401, v0  }
0x143: {  	v3 =	vimm.s32 $0xCF81;
	v2 =	vsel vm12, $0xC801, v2;
	v0 =	vsel vm13, $0xC480, v0  }
0x144: {  	v3 =	vsel vm11, $0xCC00, v3;
	v2 =	vsel vm13, $0xC880, v2;
	v0 =	vsel vm14, $0xC481, v0  }
0x145: {  	v3 =	vsel vm12, $0xCC01, v3;
	v2 =	vsel vm14, $0xC881, v2;
	v0 =	vsel vm10, $0xC500, v0  }
0x146: {  	v3 =	vsel vm13, $0xCC80, v3;
	v2 =	vsel vm10, $0xC900, v2;
	v0 =	vsel vm9, $0xC501, v0  }
0x147: {  	v3 =	vsel vm14, $0xCC81, v3;
	v2 =	vsel vm9, $0xC901, v2;
	v0 =	vsel vm8, $0xC580, v0  }
0x148: {  	v3 =	vsel vm10, $0xCD00, v3;
	v2 =	vsel vm8, $0xC980, v2;
	v0 =	vsel vm7, $0xC581, v0  }
0x149: {  	v3 =	vsel vm9, $0xCD01, v3;
	v2 =	vsel vm7, $0xC981, v2;
	v0 =	vsel vm6, $0xC600, v0  }
0x14a: {  	v3 =	vsel vm8, $0xCD80, v3;
	v2 =	vsel vm6, $0xCA00, v2;
	v0 =	vsel vm5, $0xC601, v0  }
0x14b: {  	v3 =	vsel vm7, $0xCD81, v3;
	v2 =	vsel vm5, $0xCA01, v2;
	v0 =	vsel vm4, $0xC680, v0  }
0x14c: {  	v3 =	vsel vm6, $0xCE00, v3;
	v2 =	vsel vm4, $0xCA80, v2;
	v0 =	vsel vm3, $0xC681, v0  }
0x14d: {  	v3 =	vsel vm5, $0xCE01, v3;
	v2 =	vsel vm3, $0xCA81, v2;
	v0 =	vsel vm2, $0xC700, v0  }
0x14e: {  	v3 =	vsel vm4, $0xCE80, v3;
	v2 =	vsel vm2, $0xCB00, v2;
	v0 =	vsel vm1, $0xC701, v0  }
0x14f: {  	v3 =	vsel vm3, $0xCE81, v3;
	v2 =	vsel vm1, $0xCB01, v2;
	v0 =	vsel vm0, $0xC780, v0  }
0x150: {  	v3 =	vsel vm2, $0xCF00, v3;
	[tilespmem:$0x1FF10] =	vst v0;
	v0 =	vsel vm0, $0xCB80, v2  }
0x151: {  	[tilespmem:$0x1FF20] =	vst v0;
	v0 =	vsel vm1, $0xCF01, v3  }
0x152: {  	v0 =	vsel vm0, $0xCF80, v0  }
0x153: {  	[tilespmem:$0x1FF30] =	vst v0;
	v0 =	vimm.s32 $0xD381  }
0x154: {  	v2 =	vimm.s32 $0xD781;
	v0 =	vsel vm11, $0xD000, v0  }
0x155: {  	v2 =	vsel vm11, $0xD400, v2;
	v0 =	vsel vm12, $0xD001, v0  }
0x156: {  	v3 =	vimm.s32 $0xDB81;
	v2 =	vsel vm12, $0xD401, v2;
	v0 =	vsel vm13, $0xD080, v0  }
0x157: {  	v3 =	vsel vm11, $0xD800, v3;
	v2 =	vsel vm13, $0xD480, v2;
	v0 =	vsel vm14, $0xD081, v0  }
0x158: {  	v3 =	vsel vm12, $0xD801, v3;
	v2 =	vsel vm14, $0xD481, v2;
	v0 =	vsel vm10, $0xD100, v0  }
0x159: {  	v3 =	vsel vm13, $0xD880, v3;
	v2 =	vsel vm10, $0xD500, v2;
	v0 =	vsel vm9, $0xD101, v0  }
0x15a: {  	v3 =	vsel vm14, $0xD881, v3;
	v2 =	vsel vm9, $0xD501, v2;
	v0 =	vsel vm8, $0xD180, v0  }
0x15b: {  	v3 =	vsel vm10, $0xD900, v3;
	v2 =	vsel vm8, $0xD580, v2;
	v0 =	vsel vm7, $0xD181, v0  }
0x15c: {  	v3 =	vsel vm9, $0xD901, v3;
	v2 =	vsel vm7, $0xD581, v2;
	v0 =	vsel vm6, $0xD200, v0  }
0x15d: {  	v3 =	vsel vm8, $0xD980, v3;
	v2 =	vsel vm6, $0xD600, v2;
	v0 =	vsel vm5, $0xD201, v0  }
0x15e: {  	v3 =	vsel vm7, $0xD981, v3;
	v2 =	vsel vm5, $0xD601, v2;
	v0 =	vsel vm4, $0xD280, v0  }
0x15f: {  	v3 =	vsel vm6, $0xDA00, v3;
	v2 =	vsel vm4, $0xD680, v2;
	v0 =	vsel vm3, $0xD281, v0  }
0x160: {  	v3 =	vsel vm5, $0xDA01, v3;
	v2 =	vsel vm3, $0xD681, v2;
	v0 =	vsel vm2, $0xD300, v0  }
0x161: {  	v3 =	vsel vm4, $0xDA80, v3;
	v2 =	vsel vm2, $0xD700, v2;
	v0 =	vsel vm1, $0xD301, v0  }
0x162: {  	v3 =	vsel vm3, $0xDA81, v3;
	v2 =	vsel vm1, $0xD701, v2;
	v0 =	vsel vm0, $0xD380, v0  }
0x163: {  	v3 =	vsel vm2, $0xDB00, v3;
	[tilespmem:$0x1FF40] =	vst v0;
	v0 =	vsel vm0, $0xD780, v2  }
0x164: {  	[tilespmem:$0x1FF50] =	vst v0;
	v0 =	vsel vm1, $0xDB01, v3  }
0x165: {  	v0 =	vsel vm0, $0xDB80, v0  }
0x166: {  	[tilespmem:$0x1FF60] =	vst v0;
	v0 =	vimm.s32 $0xDF81  }
0x167: {  	v2 =	vimm.s32 $0xE381;
	v0 =	vsel vm11, $0xDC00, v0  }
0x168: {  	v2 =	vsel vm11, $0xE000, v2;
	v0 =	vsel vm12, $0xDC01, v0  }
0x169: {  	v3 =	vimm.s32 $0xE781;
	v2 =	vsel vm12, $0xE001, v2;
	v0 =	vsel vm13, $0xDC80, v0  }
0x16a: {  	v3 =	vsel vm11, $0xE400, v3;
	v2 =	vsel vm13, $0xE080, v2;
	v0 =	vsel vm14, $0xDC81, v0  }
0x16b: {  	v3 =	vsel vm12, $0xE401, v3;
	v2 =	vsel vm14, $0xE081, v2;
	v0 =	vsel vm10, $0xDD00, v0  }
0x16c: {  	v3 =	vsel vm13, $0xE480, v3;
	v2 =	vsel vm10, $0xE100, v2;
	v0 =	vsel vm9, $0xDD01, v0  }
0x16d: {  	v3 =	vsel vm14, $0xE481, v3;
	v2 =	vsel vm9, $0xE101, v2;
	v0 =	vsel vm8, $0xDD80, v0  }
0x16e: {  	v3 =	vsel vm10, $0xE500, v3;
	v2 =	vsel vm8, $0xE180, v2;
	v0 =	vsel vm7, $0xDD81, v0  }
0x16f: {  	v3 =	vsel vm9, $0xE501, v3;
	v2 =	vsel vm7, $0xE181, v2;
	v0 =	vsel vm6, $0xDE00, v0  }
0x170: {  	v3 =	vsel vm8, $0xE580, v3;
	v2 =	vsel vm6, $0xE200, v2;
	v0 =	vsel vm5, $0xDE01, v0  }
0x171: {  	v3 =	vsel vm7, $0xE581, v3;
	v2 =	vsel vm5, $0xE201, v2;
	v0 =	vsel vm4, $0xDE80, v0  }
0x172: {  	v3 =	vsel vm6, $0xE600, v3;
	v2 =	vsel vm4, $0xE280, v2;
	v0 =	vsel vm3, $0xDE81, v0  }
0x173: {  	v3 =	vsel vm5, $0xE601, v3;
	v2 =	vsel vm3, $0xE281, v2;
	v0 =	vsel vm2, $0xDF00, v0  }
0x174: {  	v3 =	vsel vm4, $0xE680, v3;
	v2 =	vsel vm2, $0xE300, v2;
	v0 =	vsel vm1, $0xDF01, v0  }
0x175: {  	v3 =	vsel vm3, $0xE681, v3;
	v2 =	vsel vm1, $0xE301, v2;
	v0 =	vsel vm0, $0xDF80, v0  }
0x176: {  	v3 =	vsel vm2, $0xE700, v3;
	[tilespmem:$0x1FF70] =	vst v0;
	v0 =	vsel vm0, $0xE380, v2  }
0x177: {  	[tilespmem:$0x1FF80] =	vst v0;
	v0 =	vsel vm1, $0xE701, v3  }
0x178: {  	v0 =	vsel vm0, $0xE780, v0  }
0x179: {  	[tilespmem:$0x1FF90] =	vst v0;
	v0 =	vimm.s32 $0xEB81  }
0x17a: {  	v2 =	vimm.s32 $0xEF81;
	v0 =	vsel vm11, $0xE800, v0  }
0x17b: {  	v2 =	vsel vm11, $0xEC00, v2;
	v0 =	vsel vm12, $0xE801, v0  }
0x17c: {  	v3 =	vimm.s32 $0xF381;
	v2 =	vsel vm12, $0xEC01, v2;
	v0 =	vsel vm13, $0xE880, v0  }
0x17d: {  	v3 =	vsel vm11, $0xF000, v3;
	v2 =	vsel vm13, $0xEC80, v2;
	v0 =	vsel vm14, $0xE881, v0  }
0x17e: {  	v3 =	vsel vm12, $0xF001, v3;
	v2 =	vsel vm14, $0xEC81, v2;
	v0 =	vsel vm10, $0xE900, v0  }
0x17f: {  	v3 =	vsel vm13, $0xF080, v3;
	v2 =	vsel vm10, $0xED00, v2;
	v0 =	vsel vm9, $0xE901, v0  }
0x180: {  	v3 =	vsel vm14, $0xF081, v3;
	v2 =	vsel vm9, $0xED01, v2;
	v0 =	vsel vm8, $0xE980, v0  }
0x181: {  	v3 =	vsel vm10, $0xF100, v3;
	v2 =	vsel vm8, $0xED80, v2;
	v0 =	vsel vm7, $0xE981, v0  }
0x182: {  	v3 =	vsel vm9, $0xF101, v3;
	v2 =	vsel vm7, $0xED81, v2;
	v0 =	vsel vm6, $0xEA00, v0  }
0x183: {  	v3 =	vsel vm8, $0xF180, v3;
	v2 =	vsel vm6, $0xEE00, v2;
	v0 =	vsel vm5, $0xEA01, v0  }
0x184: {  	v3 =	vsel vm7, $0xF181, v3;
	v2 =	vsel vm5, $0xEE01, v2;
	v0 =	vsel vm4, $0xEA80, v0  }
0x185: {  	v3 =	vsel vm6, $0xF200, v3;
	v2 =	vsel vm4, $0xEE80, v2;
	v0 =	vsel vm3, $0xEA81, v0  }
0x186: {  	v3 =	vsel vm5, $0xF201, v3;
	v2 =	vsel vm3, $0xEE81, v2;
	v0 =	vsel vm2, $0xEB00, v0  }
0x187: {  	v3 =	vsel vm4, $0xF280, v3;
	v2 =	vsel vm2, $0xEF00, v2;
	v0 =	vsel vm1, $0xEB01, v0  }
0x188: {  	v3 =	vsel vm3, $0xF281, v3;
	v2 =	vsel vm1, $0xEF01, v2;
	v0 =	vsel vm0, $0xEB80, v0  }
0x189: {  	v3 =	vsel vm2, $0xF300, v3;
	[tilespmem:$0x1FFA0] =	vst v0;
	v0 =	vsel vm0, $0xEF80, v2  }
0x18a: {  	[tilespmem:$0x1FFB0] =	vst v0;
	v0 =	vsel vm1, $0xF301, v3  }
0x18b: {  	v0 =	vsel vm0, $0xF380, v0  }
0x18c: {  	[tilespmem:$0x1FFC0] =	vst v0;
	v0 =	vimm.s32 $0xF781  }
0x18d: {  	v2 =	vimm.s32 $0xFB81;
	v0 =	vsel vm11, $0xF400, v0  }
0x18e: {  	v2 =	vsel vm11, $0xF800, v2;
	v0 =	vsel vm12, $0xF401, v0  }
0x18f: {  	v3 =	vimm.s32 $0xFF81;
	v2 =	vsel vm12, $0xF801, v2;
	v0 =	vsel vm13, $0xF480, v0  }
0x190: {  	v3 =	vsel vm11, $0xFC00, v3;
	v2 =	vsel vm13, $0xF880, v2;
	v0 =	vsel vm14, $0xF481, v0  }
0x191: {  	v3 =	vsel vm12, $0xFC01, v3;
	v2 =	vsel vm14, $0xF881, v2;
	v0 =	vsel vm10, $0xF500, v0  }
0x192: {  	v3 =	vsel vm13, $0xFC80, v3;
	v2 =	vsel vm10, $0xF900, v2;
	v0 =	vsel vm9, $0xF501, v0  }
0x193: {  	v3 =	vsel vm14, $0xFC81, v3;
	v2 =	vsel vm9, $0xF901, v2;
	v0 =	vsel vm8, $0xF580, v0  }
0x194: {  	v3 =	vsel vm10, $0xFD00, v3;
	v2 =	vsel vm8, $0xF980, v2;
	v0 =	vsel vm7, $0xF581, v0  }
0x195: {  	v3 =	vsel vm9, $0xFD01, v3;
	v2 =	vsel vm7, $0xF981, v2;
	v0 =	vsel vm6, $0xF600, v0  }
0x196: {  	v3 =	vsel vm8, $0xFD80, v3;
	v2 =	vsel vm6, $0xFA00, v2;
	v0 =	vsel vm5, $0xF601, v0  }
0x197: {  	s3 =	rddreg [dreg:$0x0];
	v3 =	vsel vm7, $0xFD81, v3;
	v2 =	vsel vm5, $0xFA01, v2;
	v0 =	vsel vm4, $0xF680, v0  }
0x198: {  	s0 =	rddreg [dreg:$0x1];
	s4 =	srdreg.scid;
	v3 =	vsel vm6, $0xFE00, v3;
	v2 =	vsel vm4, $0xFA80, v2;
	v0 =	vsel vm3, $0xF681, v0  }
0x199: {  	s1 =	stileid.u32;
	s2 =	simm.s32 $0x0;
	s8 =	simm.s32 $0x10000;
	v3 =	vsel vm5, $0xFE01, v3;
	v2 =	vsel vm3, $0xFA81, v2;
	v0 =	vsel vm2, $0xF700, v0  }
0x19a: {  	s9 =	simm.s32 $0x10400;
	s4 =	sand.u32 $0x1, s4;
	s5 =	sshll.u32 s1, $0x1;
	v3 =	vsel vm4, $0xFE80, v3;
	v2 =	vsel vm2, $0xFB00, v2;
	v0 =	vsel vm1, $0xF701, v0  }
0x19b: {  	[smem:$0x7FF] =	sst s2;
	s5 =	sor.u32 s4, s5;
	s4 =	ssub.s32 $0x2, s4;
	v3 =	vsel vm3, $0xFE81, v3;
	v2 =	vsel vm1, $0xFB01, v2;
	v0 =	vsel vm0, $0xF780, v0  }
0x19c: {  	s6 =	sshll.u32 s5, $0xE;
	s5 =	sshll.u32 s5, $0x4;
	_ =	strace $0x80000047;
	v3 =	vsel vm2, $0xFF00, v3;
	[tilespmem:$0x1FFD0] =	vst v0;
	v0 =	vsel vm0, $0xFB80, v2  }
0x19d: {  	s7 =	sshrl.u32 s4, $0x1;
	s6 =	sadd.s32 s6, s3;
	s5 =	sadd.s32 s5, s3;
	[tilespmem:$0x1FFE0] =	vst v0;
	v0 =	vsel vm1, $0xFF01, v3  }
0x19e: {  	v1 =	vlaneseq.u32;
	s7 =	ssub.s32 s4, s7;
	s3 =	sadd.s32 $0xE00, s6;
	s4 =	sadd.s32 $0x2E00, s6;
	v0 =	vsel vm0, $0xFF80, v0  }
0x19f: {  	v1 =	vmul.u32 $0x40, v1;
	s5 =	sadd.s32 $0x80E00, s5;
	s6 =	smax.u32 s7, $0x1;
	s7 =	simm.s32 $0x1;
	v2 =	vimm.f32 $0.0e+00;
	v3 =	vimm.f32 $1.000000000e+00;
	[tilespmem:$0x1FFF0] =	vst v0  }
.LBB2_1:
0x1a0: {  	[tilespmem:$0x10000] =	vst v2  }
0x1a1: {  	[tilespmem:$0x10010] =	vst v2  }
0x1a2: {  	[tilespmem:$0x10020] =	vst v2  }
0x1a3: {  	[tilespmem:$0x10030] =	vst v2  }
0x1a4: {  	[tilespmem:$0x10040] =	vst v2  }
0x1a5: {  	[tilespmem:$0x10050] =	vst v2  }
0x1a6: {  	[tilespmem:$0x10060] =	vst v2  }
0x1a7: {  	[tilespmem:$0x10070] =	vst v2  }
0x1a8: {  	[tilespmem:$0x10080] =	vst v2  }
0x1a9: {  	[tilespmem:$0x10090] =	vst v2  }
0x1aa: {  	[tilespmem:$0x100A0] =	vst v2  }
0x1ab: {  	[tilespmem:$0x100B0] =	vst v2  }
0x1ac: {  	[tilespmem:$0x100C0] =	vst v2  }
0x1ad: {  	[tilespmem:$0x100D0] =	vst v2  }
0x1ae: {  	[tilespmem:$0x100E0] =	vst v2  }
0x1af: {  	[tilespmem:$0x100F0] =	vst v2  }
0x1b0: {  	[tilespmem:$0x10100] =	vst v2  }
0x1b1: {  	[tilespmem:$0x10110] =	vst v2  }
0x1b2: {  	[tilespmem:$0x10120] =	vst v2  }
0x1b3: {  	[tilespmem:$0x10130] =	vst v2  }
0x1b4: {  	[tilespmem:$0x10140] =	vst v2  }
0x1b5: {  	[tilespmem:$0x10150] =	vst v2  }
0x1b6: {  	[tilespmem:$0x10160] =	vst v2  }
0x1b7: {  	[tilespmem:$0x10170] =	vst v2  }
0x1b8: {  	[tilespmem:$0x10180] =	vst v2  }
0x1b9: {  	[tilespmem:$0x10190] =	vst v2  }
0x1ba: {  	[tilespmem:$0x101A0] =	vst v2  }
0x1bb: {  	[tilespmem:$0x101B0] =	vst v2  }
0x1bc: {  	[tilespmem:$0x101C0] =	vst v2  }
0x1bd: {  	[tilespmem:$0x101D0] =	vst v2  }
0x1be: {  	[tilespmem:$0x101E0] =	vst v2  }
0x1bf: {  	[tilespmem:$0x101F0] =	vst v2  }
0x1c0: {  	[tilespmem:$0x10200] =	vst v2  }
0x1c1: {  	[tilespmem:$0x10210] =	vst v2  }
0x1c2: {  	[tilespmem:$0x10220] =	vst v2  }
0x1c3: {  	[tilespmem:$0x10230] =	vst v2  }
0x1c4: {  	[tilespmem:$0x10240] =	vst v2  }
0x1c5: {  	[tilespmem:$0x10250] =	vst v2  }
0x1c6: {  	[tilespmem:$0x10260] =	vst v2  }
0x1c7: {  	[tilespmem:$0x10270] =	vst v2  }
0x1c8: {  	[tilespmem:$0x10280] =	vst v2  }
0x1c9: {  	[tilespmem:$0x10290] =	vst v2  }
0x1ca: {  	[tilespmem:$0x102A0] =	vst v2  }
0x1cb: {  	[tilespmem:$0x102B0] =	vst v2  }
0x1cc: {  	[tilespmem:$0x102C0] =	vst v2  }
0x1cd: {  	[tilespmem:$0x102D0] =	vst v2  }
0x1ce: {  	[tilespmem:$0x102E0] =	vst v2  }
0x1cf: {  	[tilespmem:$0x102F0] =	vst v2  }
0x1d0: {  	[tilespmem:$0x10300] =	vst v2  }
0x1d1: {  	[tilespmem:$0x10310] =	vst v2  }
0x1d2: {  	[tilespmem:$0x10320] =	vst v2  }
0x1d3: {  	[tilespmem:$0x10330] =	vst v2  }
0x1d4: {  	[tilespmem:$0x10340] =	vst v2  }
0x1d5: {  	[tilespmem:$0x10350] =	vst v2  }
0x1d6: {  	[tilespmem:$0x10360] =	vst v2  }
0x1d7: {  	[tilespmem:$0x10370] =	vst v2  }
0x1d8: {  	[tilespmem:$0x10380] =	vst v2  }
0x1d9: {  	[tilespmem:$0x10390] =	vst v2  }
0x1da: {  	[tilespmem:$0x103A0] =	vst v2  }
0x1db: {  	[tilespmem:$0x103B0] =	vst v2  }
0x1dc: {  	[tilespmem:$0x103C0] =	vst v2  }
0x1dd: {  	[tilespmem:$0x103D0] =	vst v2  }
0x1de: {  	[tilespmem:$0x103E0] =	vst v2  }
0x1df: {  	[tilespmem:$0x103F0] =	vst v2  }
0x1e0: {  	[tilespmem:s2], [sflag:$0x1] =	stream.linear.gather [hbm4b:s3+s2], $0x10000, $0x38;
	[tilespmem:$0x10480] =	vst v63  }
0x1e1: {  	_ =	swait.ge [sflag:s7], $0x10000  }
0x1e2: {  	v5 =	vld [tilespmem:$0x1FC00];
	_ =	sdelay $0x5  }
0x1e3: {  	[sflag:s7] =	ssyncset.done $0x0  }
0x1e4: {  	[sflag:s7] =	ssyncadd.s32 $0xFFFF0000  }
0x1e5: {  	v4 =	vld.idx.msk [tilespmem:v5+s2+$0x0], $0xffff;
	_ =	sdelay $0x2  }
0x1e6: {  	v6 =	vld [tilespmem:$0x1FC10];
	_ =	sdelay $0x1  }
0x1e7: {  	v4 =	vadd.s32 v1, v4;
	_ =	sdelay $0x4  }
0x1e8: {  	[tilespmem:v4+s8+$0x0] =	vst.idx.add.f32.msk $0xffff, v3  }
0x1e9: {  	v4 =	vld.idx.msk [tilespmem:v6+s2+$0x0], $0xffff;
	_ =	sdelay $0x2  }
0x1ea: {  	v7 =	vld [tilespmem:$0x1FC20];
	_ =	sdelay $0x1  }
0x1eb: {  	v4 =	vadd.s32 v1, v4;
	_ =	sdelay $0x4  }
0x1ec: {  	[tilespmem:v4+s8+$0x0] =	vst.idx.add.f32.msk $0xffff, v3  }
0x1ed: {  	v4 =	vld.idx.msk [tilespmem:v7+s2+$0x0], $0xffff;
	_ =	sdelay $0x2  }
0x1ee: {  	v8 =	vld [tilespmem:$0x1FC30];
	_ =	sdelay $0x1  }
0x1ef: {  	v4 =	vadd.s32 v1, v4;
	_ =	sdelay $0x4  }
0x1f0: {  	[tilespmem:v4+s8+$0x0] =	vst.idx.add.f32.msk $0xffff, v3  }
0x1f1: {  	v4 =	vld.idx.msk [tilespmem:v8+s2+$0x0], $0xffff;
	_ =	sdelay $0x2  }
0x1f2: {  	v9 =	vld [tilespmem:$0x1FC40];
	_ =	sdelay $0x1  }
0x1f3: {  	v4 =	vadd.s32 v1, v4;
	_ =	sdelay $0x4  }
0x1f4: {  	[tilespmem:v4+s8+$0x0] =	vst.idx.add.f32.msk $0xffff, v3  }
0x1f5: {  	v4 =	vld.idx.msk [tilespmem:v9+s2+$0x0], $0xffff;
	_ =	sdelay $0x2  }
0x1f6: {  	v10 =	vld [tilespmem:$0x1FC50];
	_ =	sdelay $0x1  }
0x1f7: {  	v4 =	vadd.s32 v1, v4;
	_ =	sdelay $0x4  }
0x1f8: {  	[tilespmem:v4+s8+$0x0] =	vst.idx.add.f32.msk $0xffff, v3  }
0x1f9: {  	v4 =	vld.idx.msk [tilespmem:v10+s2+$0x0], $0xffff;
	_ =	sdelay $0x2  }
0x1fa: {  	v11 =	vld [tilespmem:$0x1FC60];
	_ =	sdelay $0x1  }
0x1fb: {  	v4 =	vadd.s32 v1, v4;
	_ =	sdelay $0x4  }
0x1fc: {  	[tilespmem:v4+s8+$0x0] =	vst.idx.add.f32.msk $0xffff, v3  }
0x1fd: {  	v4 =	vld.idx.msk [tilespmem:v11+s2+$0x0], $0xffff;
	_ =	sdelay $0x2  }
0x1fe: {  	v12 =	vld [tilespmem:$0x1FC70];
	_ =	sdelay $0x1  }
0x1ff: {  	v4 =	vadd.s32 v1, v4;
	_ =	sdelay $0x4  }
0x200: {  	[tilespmem:v4+s8+$0x0] =	vst.idx.add.f32.msk $0xffff, v3  }
0x201: {  	v4 =	vld.idx.msk [tilespmem:v12+s2+$0x0], $0xffff;
	_ =	sdelay $0x2  }
0x202: {  	v13 =	vld [tilespmem:$0x1FC80];
	_ =	sdelay $0x1  }
0x203: {  	v4 =	vadd.s32 v1, v4;
	_ =	sdelay $0x4  }
0x204: {  	[tilespmem:v4+s8+$0x0] =	vst.idx.add.f32.msk $0xffff, v3  }
0x205: {  	v4 =	vld.idx.msk [tilespmem:v13+s2+$0x0], $0xffff;
	_ =	sdelay $0x2  }
0x206: {  	v14 =	vld [tilespmem:$0x1FC90];
	_ =	sdelay $0x1  }
0x207: {  	v4 =	vadd.s32 v1, v4;
	_ =	sdelay $0x4  }
0x208: {  	[tilespmem:v4+s8+$0x0] =	vst.idx.add.f32.msk $0xffff, v3  }
0x209: {  	v4 =	vld.idx.msk [tilespmem:v14+s2+$0x0], $0xffff;
	_ =	sdelay $0x2  }
0x20a: {  	v15 =	vld [tilespmem:$0x1FCA0];
	_ =	sdelay $0x1  }
0x20b: {  	v4 =	vadd.s32 v1, v4;
	_ =	sdelay $0x4  }
0x20c: {  	[tilespmem:v4+s8+$0x0] =	vst.idx.add.f32.msk $0xffff, v3  }
0x20d: {  	v4 =	vld.idx.msk [tilespmem:v15+s2+$0x0], $0xffff;
	_ =	sdelay $0x2  }
0x20e: {  	v16 =	vld [tilespmem:$0x1FCB0];
	_ =	sdelay $0x1  }
0x20f: {  	v4 =	vadd.s32 v1, v4;
	_ =	sdelay $0x4  }
0x210: {  	[tilespmem:v4+s8+$0x0] =	vst.idx.add.f32.msk $0xffff, v3  }
0x211: {  	v4 =	vld.idx.msk [tilespmem:v16+s2+$0x0], $0xffff;
	_ =	sdelay $0x2  }
0x212: {  	v17 =	vld [tilespmem:$0x1FCC0];
	_ =	sdelay $0x1  }
0x213: {  	v4 =	vadd.s32 v1, v4;
	_ =	sdelay $0x4  }
0x214: {  	[tilespmem:v4+s8+$0x0] =	vst.idx.add.f32.msk $0xffff, v3  }
0x215: {  	v4 =	vld.idx.msk [tilespmem:v17+s2+$0x0], $0xffff;
	_ =	sdelay $0x2  }
0x216: {  	v18 =	vld [tilespmem:$0x1FCD0];
	_ =	sdelay $0x1  }
0x217: {  	v4 =	vadd.s32 v1, v4;
	_ =	sdelay $0x4  }
0x218: {  	[tilespmem:v4+s8+$0x0] =	vst.idx.add.f32.msk $0xffff, v3  }
0x219: {  	v4 =	vld.idx.msk [tilespmem:v18+s2+$0x0], $0xffff;
	_ =	sdelay $0x2  }
0x21a: {  	v19 =	vld [tilespmem:$0x1FCE0];
	_ =	sdelay $0x1  }
0x21b: {  	v4 =	vadd.s32 v1, v4;
	_ =	sdelay $0x4  }
0x21c: {  	[tilespmem:v4+s8+$0x0] =	vst.idx.add.f32.msk $0xffff, v3  }
0x21d: {  	v4 =	vld.idx.msk [tilespmem:v19+s2+$0x0], $0xffff;
	_ =	sdelay $0x2  }
0x21e: {  	v20 =	vld [tilespmem:$0x1FCF0];
	_ =	sdelay $0x1  }
0x21f: {  	v4 =	vadd.s32 v1, v4;
	_ =	sdelay $0x4  }
0x220: {  	[tilespmem:v4+s8+$0x0] =	vst.idx.add.f32.msk $0xffff, v3  }
0x221: {  	v4 =	vld.idx.msk [tilespmem:v20+s2+$0x0], $0xffff;
	_ =	sdelay $0x2  }
0x222: {  	v21 =	vld [tilespmem:$0x1FD00];
	_ =	sdelay $0x1  }
0x223: {  	v4 =	vadd.s32 v1, v4;
	_ =	sdelay $0x4  }
0x224: {  	[tilespmem:v4+s8+$0x0] =	vst.idx.add.f32.msk $0xffff, v3  }
0x225: {  	v4 =	vld.idx.msk [tilespmem:v21+s2+$0x0], $0xffff;
	_ =	sdelay $0x2  }
0x226: {  	v22 =	vld [tilespmem:$0x1FD10];
	_ =	sdelay $0x1  }
0x227: {  	v4 =	vadd.s32 v1, v4;
	_ =	sdelay $0x4  }
0x228: {  	[tilespmem:v4+s8+$0x0] =	vst.idx.add.f32.msk $0xffff, v3  }
0x229: {  	v4 =	vld.idx.msk [tilespmem:v22+s2+$0x0], $0xffff;
	_ =	sdelay $0x2  }
0x22a: {  	v23 =	vld [tilespmem:$0x1FD20];
	_ =	sdelay $0x1  }
0x22b: {  	v4 =	vadd.s32 v1, v4;
	_ =	sdelay $0x4  }
0x22c: {  	[tilespmem:v4+s8+$0x0] =	vst.idx.add.f32.msk $0xffff, v3  }
0x22d: {  	v4 =	vld.idx.msk [tilespmem:v23+s2+$0x0], $0xffff;
	_ =	sdelay $0x2  }
0x22e: {  	v24 =	vld [tilespmem:$0x1FD30];
	_ =	sdelay $0x1  }
0x22f: {  	v4 =	vadd.s32 v1, v4;
	_ =	sdelay $0x4  }
0x230: {  	[tilespmem:v4+s8+$0x0] =	vst.idx.add.f32.msk $0xffff, v3  }
0x231: {  	v4 =	vld.idx.msk [tilespmem:v24+s2+$0x0], $0xffff;
	_ =	sdelay $0x2  }
0x232: {  	v25 =	vld [tilespmem:$0x1FD40];
	_ =	sdelay $0x1  }
0x233: {  	v4 =	vadd.s32 v1, v4;
	_ =	sdelay $0x4  }
0x234: {  	[tilespmem:v4+s8+$0x0] =	vst.idx.add.f32.msk $0xffff, v3  }
0x235: {  	v4 =	vld.idx.msk [tilespmem:v25+s2+$0x0], $0xffff;
	_ =	sdelay $0x2  }
0x236: {  	v26 =	vld [tilespmem:$0x1FD50];
	_ =	sdelay $0x1  }
0x237: {  	v4 =	vadd.s32 v1, v4;
	_ =	sdelay $0x4  }
0x238: {  	[tilespmem:v4+s8+$0x0] =	vst.idx.add.f32.msk $0xffff, v3  }
0x239: {  	v4 =	vld.idx.msk [tilespmem:v26+s2+$0x0], $0xffff;
	_ =	sdelay $0x2  }
0x23a: {  	v27 =	vld [tilespmem:$0x1FD60];
	_ =	sdelay $0x1  }
0x23b: {  	v4 =	vadd.s32 v1, v4;
	_ =	sdelay $0x4  }
0x23c: {  	[tilespmem:v4+s8+$0x0] =	vst.idx.add.f32.msk $0xffff, v3  }
0x23d: {  	v4 =	vld.idx.msk [tilespmem:v27+s2+$0x0], $0xffff;
	_ =	sdelay $0x2  }
0x23e: {  	v28 =	vld [tilespmem:$0x1FD70];
	_ =	sdelay $0x1  }
0x23f: {  	v4 =	vadd.s32 v1, v4;
	_ =	sdelay $0x4  }
0x240: {  	[tilespmem:v4+s8+$0x0] =	vst.idx.add.f32.msk $0xffff, v3  }
0x241: {  	v4 =	vld.idx.msk [tilespmem:v28+s2+$0x0], $0xffff;
	_ =	sdelay $0x2  }
0x242: {  	v29 =	vld [tilespmem:$0x1FD80];
	_ =	sdelay $0x1  }
0x243: {  	v4 =	vadd.s32 v1, v4;
	_ =	sdelay $0x4  }
0x244: {  	[tilespmem:v4+s8+$0x0] =	vst.idx.add.f32.msk $0xffff, v3  }
0x245: {  	v4 =	vld.idx.msk [tilespmem:v29+s2+$0x0], $0xffff;
	_ =	sdelay $0x2  }
0x246: {  	v30 =	vld [tilespmem:$0x1FD90];
	_ =	sdelay $0x1  }
0x247: {  	v4 =	vadd.s32 v1, v4;
	_ =	sdelay $0x4  }
0x248: {  	[tilespmem:v4+s8+$0x0] =	vst.idx.add.f32.msk $0xffff, v3  }
0x249: {  	v4 =	vld.idx.msk [tilespmem:v30+s2+$0x0], $0xffff;
	_ =	sdelay $0x2  }
0x24a: {  	v31 =	vld [tilespmem:$0x1FDA0];
	_ =	sdelay $0x1  }
0x24b: {  	v4 =	vadd.s32 v1, v4;
	_ =	sdelay $0x4  }
0x24c: {  	[tilespmem:v4+s8+$0x0] =	vst.idx.add.f32.msk $0xffff, v3  }
0x24d: {  	v4 =	vld.idx.msk [tilespmem:v31+s2+$0x0], $0xffff;
	_ =	sdelay $0x2  }
0x24e: {  	v32 =	vld [tilespmem:$0x1FDB0];
	_ =	sdelay $0x1  }
0x24f: {  	v4 =	vadd.s32 v1, v4;
	_ =	sdelay $0x4  }
0x250: {  	[tilespmem:v4+s8+$0x0] =	vst.idx.add.f32.msk $0xffff, v3  }
0x251: {  	v4 =	vld.idx.msk [tilespmem:v32+s2+$0x0], $0xffff;
	_ =	sdelay $0x2  }
0x252: {  	v33 =	vld [tilespmem:$0x1FDC0];
	_ =	sdelay $0x1  }
0x253: {  	v4 =	vadd.s32 v1, v4;
	_ =	sdelay $0x4  }
0x254: {  	[tilespmem:v4+s8+$0x0] =	vst.idx.add.f32.msk $0xffff, v3  }
0x255: {  	v4 =	vld.idx.msk [tilespmem:v33+s2+$0x0], $0xffff;
	_ =	sdelay $0x2  }
0x256: {  	v34 =	vld [tilespmem:$0x1FDD0];
	_ =	sdelay $0x1  }
0x257: {  	v4 =	vadd.s32 v1, v4;
	_ =	sdelay $0x4  }
0x258: {  	[tilespmem:v4+s8+$0x0] =	vst.idx.add.f32.msk $0xffff, v3  }
0x259: {  	v4 =	vld.idx.msk [tilespmem:v34+s2+$0x0], $0xffff;
	_ =	sdelay $0x2  }
0x25a: {  	v35 =	vld [tilespmem:$0x1FDE0];
	_ =	sdelay $0x1  }
0x25b: {  	v4 =	vadd.s32 v1, v4;
	_ =	sdelay $0x4  }
0x25c: {  	[tilespmem:v4+s8+$0x0] =	vst.idx.add.f32.msk $0xffff, v3  }
0x25d: {  	v4 =	vld.idx.msk [tilespmem:v35+s2+$0x0], $0xffff;
	_ =	sdelay $0x2  }
0x25e: {  	v36 =	vld [tilespmem:$0x1FDF0];
	_ =	sdelay $0x1  }
0x25f: {  	v4 =	vadd.s32 v1, v4;
	_ =	sdelay $0x4  }
0x260: {  	[tilespmem:v4+s8+$0x0] =	vst.idx.add.f32.msk $0xffff, v3  }
0x261: {  	v4 =	vld.idx.msk [tilespmem:v36+s2+$0x0], $0xffff;
	_ =	sdelay $0x2  }
0x262: {  	v37 =	vld [tilespmem:$0x1FE00];
	_ =	sdelay $0x1  }
0x263: {  	v4 =	vadd.s32 v1, v4;
	_ =	sdelay $0x4  }
0x264: {  	[tilespmem:v4+s8+$0x0] =	vst.idx.add.f32.msk $0xffff, v3  }
0x265: {  	v4 =	vld.idx.msk [tilespmem:v37+s2+$0x0], $0xffff;
	_ =	sdelay $0x2  }
0x266: {  	v38 =	vld [tilespmem:$0x1FE10];
	_ =	sdelay $0x1  }
0x267: {  	v4 =	vadd.s32 v1, v4;
	_ =	sdelay $0x4  }
0x268: {  	[tilespmem:v4+s8+$0x0] =	vst.idx.add.f32.msk $0xffff, v3  }
0x269: {  	v4 =	vld.idx.msk [tilespmem:v38+s2+$0x0], $0xffff;
	_ =	sdelay $0x2  }
0x26a: {  	v39 =	vld [tilespmem:$0x1FE20];
	_ =	sdelay $0x1  }
0x26b: {  	v4 =	vadd.s32 v1, v4;
	_ =	sdelay $0x4  }
0x26c: {  	[tilespmem:v4+s8+$0x0] =	vst.idx.add.f32.msk $0xffff, v3  }
0x26d: {  	v4 =	vld.idx.msk [tilespmem:v39+s2+$0x0], $0xffff;
	_ =	sdelay $0x2  }
0x26e: {  	v40 =	vld [tilespmem:$0x1FE30];
	_ =	sdelay $0x1  }
0x26f: {  	v4 =	vadd.s32 v1, v4;
	_ =	sdelay $0x4  }
0x270: {  	[tilespmem:v4+s8+$0x0] =	vst.idx.add.f32.msk $0xffff, v3  }
0x271: {  	v4 =	vld.idx.msk [tilespmem:v40+s2+$0x0], $0xffff;
	_ =	sdelay $0x2  }
0x272: {  	v41 =	vld [tilespmem:$0x1FE40];
	_ =	sdelay $0x1  }
0x273: {  	v4 =	vadd.s32 v1, v4;
	_ =	sdelay $0x4  }
0x274: {  	[tilespmem:v4+s8+$0x0] =	vst.idx.add.f32.msk $0xffff, v3  }
0x275: {  	v4 =	vld.idx.msk [tilespmem:v41+s2+$0x0], $0xffff;
	_ =	sdelay $0x2  }
0x276: {  	v42 =	vld [tilespmem:$0x1FE50];
	_ =	sdelay $0x1  }
0x277: {  	v4 =	vadd.s32 v1, v4;
	_ =	sdelay $0x4  }
0x278: {  	[tilespmem:v4+s8+$0x0] =	vst.idx.add.f32.msk $0xffff, v3  }
0x279: {  	v4 =	vld.idx.msk [tilespmem:v42+s2+$0x0], $0xffff;
	_ =	sdelay $0x2  }
0x27a: {  	v43 =	vld [tilespmem:$0x1FE60];
	_ =	sdelay $0x1  }
0x27b: {  	v4 =	vadd.s32 v1, v4;
	_ =	sdelay $0x4  }
0x27c: {  	[tilespmem:v4+s8+$0x0] =	vst.idx.add.f32.msk $0xffff, v3  }
0x27d: {  	v4 =	vld.idx.msk [tilespmem:v43+s2+$0x0], $0xffff;
	_ =	sdelay $0x2  }
0x27e: {  	v44 =	vld [tilespmem:$0x1FE70];
	_ =	sdelay $0x1  }
0x27f: {  	v4 =	vadd.s32 v1, v4;
	_ =	sdelay $0x4  }
0x280: {  	[tilespmem:v4+s8+$0x0] =	vst.idx.add.f32.msk $0xffff, v3  }
0x281: {  	v4 =	vld.idx.msk [tilespmem:v44+s2+$0x0], $0xffff;
	_ =	sdelay $0x2  }
0x282: {  	v45 =	vld [tilespmem:$0x1FE80];
	_ =	sdelay $0x1  }
0x283: {  	v4 =	vadd.s32 v1, v4;
	_ =	sdelay $0x4  }
0x284: {  	[tilespmem:v4+s8+$0x0] =	vst.idx.add.f32.msk $0xffff, v3  }
0x285: {  	v4 =	vld.idx.msk [tilespmem:v45+s2+$0x0], $0xffff;
	_ =	sdelay $0x2  }
0x286: {  	v46 =	vld [tilespmem:$0x1FE90];
	_ =	sdelay $0x1  }
0x287: {  	v4 =	vadd.s32 v1, v4;
	_ =	sdelay $0x4  }
0x288: {  	[tilespmem:v4+s8+$0x0] =	vst.idx.add.f32.msk $0xffff, v3  }
0x289: {  	v4 =	vld.idx.msk [tilespmem:v46+s2+$0x0], $0xffff;
	_ =	sdelay $0x2  }
0x28a: {  	v47 =	vld [tilespmem:$0x1FEA0];
	_ =	sdelay $0x1  }
0x28b: {  	v4 =	vadd.s32 v1, v4;
	_ =	sdelay $0x4  }
0x28c: {  	[tilespmem:v4+s8+$0x0] =	vst.idx.add.f32.msk $0xffff, v3  }
0x28d: {  	v4 =	vld.idx.msk [tilespmem:v47+s2+$0x0], $0xffff;
	_ =	sdelay $0x2  }
0x28e: {  	v48 =	vld [tilespmem:$0x1FEB0];
	_ =	sdelay $0x1  }
0x28f: {  	v4 =	vadd.s32 v1, v4;
	_ =	sdelay $0x4  }
0x290: {  	[tilespmem:v4+s8+$0x0] =	vst.idx.add.f32.msk $0xffff, v3  }
0x291: {  	v4 =	vld.idx.msk [tilespmem:v48+s2+$0x0], $0xffff;
	_ =	sdelay $0x2  }
0x292: {  	v49 =	vld [tilespmem:$0x1FEC0];
	_ =	sdelay $0x1  }
0x293: {  	v4 =	vadd.s32 v1, v4;
	_ =	sdelay $0x4  }
0x294: {  	[tilespmem:v4+s8+$0x0] =	vst.idx.add.f32.msk $0xffff, v3  }
0x295: {  	v4 =	vld.idx.msk [tilespmem:v49+s2+$0x0], $0xffff;
	_ =	sdelay $0x2  }
0x296: {  	v50 =	vld [tilespmem:$0x1FED0];
	_ =	sdelay $0x1  }
0x297: {  	v4 =	vadd.s32 v1, v4;
	_ =	sdelay $0x4  }
0x298: {  	[tilespmem:v4+s8+$0x0] =	vst.idx.add.f32.msk $0xffff, v3  }
0x299: {  	v4 =	vld.idx.msk [tilespmem:v50+s2+$0x0], $0xffff;
	_ =	sdelay $0x2  }
0x29a: {  	v51 =	vld [tilespmem:$0x1FEE0];
	_ =	sdelay $0x1  }
0x29b: {  	v4 =	vadd.s32 v1, v4;
	_ =	sdelay $0x4  }
0x29c: {  	[tilespmem:v4+s8+$0x0] =	vst.idx.add.f32.msk $0xffff, v3  }
0x29d: {  	v4 =	vld.idx.msk [tilespmem:v51+s2+$0x0], $0xffff;
	_ =	sdelay $0x2  }
0x29e: {  	v52 =	vld [tilespmem:$0x1FEF0];
	_ =	sdelay $0x1  }
0x29f: {  	v4 =	vadd.s32 v1, v4;
	_ =	sdelay $0x4  }
0x2a0: {  	[tilespmem:v4+s8+$0x0] =	vst.idx.add.f32.msk $0xffff, v3  }
0x2a1: {  	v4 =	vld.idx.msk [tilespmem:v52+s2+$0x0], $0xffff;
	_ =	sdelay $0x2  }
0x2a2: {  	v53 =	vld [tilespmem:$0x1FF00];
	_ =	sdelay $0x1  }
0x2a3: {  	v4 =	vadd.s32 v1, v4;
	_ =	sdelay $0x4  }
0x2a4: {  	[tilespmem:v4+s8+$0x0] =	vst.idx.add.f32.msk $0xffff, v3  }
0x2a5: {  	v4 =	vld.idx.msk [tilespmem:v53+s2+$0x0], $0xffff;
	_ =	sdelay $0x2  }
0x2a6: {  	v54 =	vld [tilespmem:$0x1FF10];
	_ =	sdelay $0x1  }
0x2a7: {  	v4 =	vadd.s32 v1, v4;
	_ =	sdelay $0x4  }
0x2a8: {  	[tilespmem:v4+s8+$0x0] =	vst.idx.add.f32.msk $0xffff, v3  }
0x2a9: {  	v4 =	vld.idx.msk [tilespmem:v54+s2+$0x0], $0xffff;
	_ =	sdelay $0x2  }
0x2aa: {  	v55 =	vld [tilespmem:$0x1FF20];
	_ =	sdelay $0x1  }
0x2ab: {  	v4 =	vadd.s32 v1, v4;
	_ =	sdelay $0x4  }
0x2ac: {  	[tilespmem:v4+s8+$0x0] =	vst.idx.add.f32.msk $0xffff, v3  }
0x2ad: {  	v4 =	vld.idx.msk [tilespmem:v55+s2+$0x0], $0xffff;
	_ =	sdelay $0x2  }
0x2ae: {  	v56 =	vld [tilespmem:$0x1FF30];
	_ =	sdelay $0x1  }
0x2af: {  	v4 =	vadd.s32 v1, v4;
	_ =	sdelay $0x4  }
0x2b0: {  	[tilespmem:v4+s8+$0x0] =	vst.idx.add.f32.msk $0xffff, v3  }
0x2b1: {  	v4 =	vld.idx.msk [tilespmem:v56+s2+$0x0], $0xffff;
	_ =	sdelay $0x2  }
0x2b2: {  	v57 =	vld [tilespmem:$0x1FF40];
	_ =	sdelay $0x1  }
0x2b3: {  	v4 =	vadd.s32 v1, v4;
	_ =	sdelay $0x4  }
0x2b4: {  	[tilespmem:v4+s8+$0x0] =	vst.idx.add.f32.msk $0xffff, v3  }
0x2b5: {  	v4 =	vld.idx.msk [tilespmem:v57+s2+$0x0], $0xffff;
	_ =	sdelay $0x2  }
0x2b6: {  	v58 =	vld [tilespmem:$0x1FF50];
	_ =	sdelay $0x1  }
0x2b7: {  	v4 =	vadd.s32 v1, v4;
	_ =	sdelay $0x4  }
0x2b8: {  	[tilespmem:v4+s8+$0x0] =	vst.idx.add.f32.msk $0xffff, v3  }
0x2b9: {  	v4 =	vld.idx.msk [tilespmem:v58+s2+$0x0], $0xffff;
	_ =	sdelay $0x2  }
0x2ba: {  	v59 =	vld [tilespmem:$0x1FF60];
	_ =	sdelay $0x1  }
0x2bb: {  	v4 =	vadd.s32 v1, v4;
	_ =	sdelay $0x4  }
0x2bc: {  	[tilespmem:v4+s8+$0x0] =	vst.idx.add.f32.msk $0xffff, v3  }
0x2bd: {  	v4 =	vld.idx.msk [tilespmem:v59+s2+$0x0], $0xffff;
	_ =	sdelay $0x2  }
0x2be: {  	v60 =	vld [tilespmem:$0x1FF70];
	_ =	sdelay $0x1  }
0x2bf: {  	v4 =	vadd.s32 v1, v4;
	_ =	sdelay $0x4  }
0x2c0: {  	[tilespmem:v4+s8+$0x0] =	vst.idx.add.f32.msk $0xffff, v3  }
0x2c1: {  	v4 =	vld.idx.msk [tilespmem:v60+s2+$0x0], $0xffff;
	_ =	sdelay $0x2  }
0x2c2: {  	v61 =	vld [tilespmem:$0x1FF80];
	_ =	sdelay $0x1  }
0x2c3: {  	v4 =	vadd.s32 v1, v4;
	_ =	sdelay $0x4  }
0x2c4: {  	[tilespmem:v4+s8+$0x0] =	vst.idx.add.f32.msk $0xffff, v3  }
0x2c5: {  	v4 =	vld.idx.msk [tilespmem:v61+s2+$0x0], $0xffff;
	_ =	sdelay $0x2  }
0x2c6: {  	v62 =	vld [tilespmem:$0x1FF90];
	_ =	sdelay $0x1  }
0x2c7: {  	v4 =	vadd.s32 v1, v4;
	_ =	sdelay $0x4  }
0x2c8: {  	[tilespmem:v4+s8+$0x0] =	vst.idx.add.f32.msk $0xffff, v3  }
0x2c9: {  	v4 =	vld.idx.msk [tilespmem:v62+s2+$0x0], $0xffff;
	_ =	sdelay $0x2  }
0x2ca: {  	v63 =	vld [tilespmem:$0x1FFA0];
	_ =	sdelay $0x1  }
0x2cb: {  	v4 =	vadd.s32 v1, v4;
	_ =	sdelay $0x4  }
0x2cc: {  	[tilespmem:v4+s8+$0x0] =	vst.idx.add.f32.msk $0xffff, v3  }
0x2cd: {  	v4 =	vld.idx.msk [tilespmem:v63+s2+$0x0], $0xffff;
	_ =	sdelay $0x2  }
0x2ce: {  	v0 =	vld [tilespmem:$0x1FFB0];
	_ =	sdelay $0x1  }
0x2cf: {  	v4 =	vadd.s32 v1, v4;
	_ =	sdelay $0x4  }
0x2d0: {  	[tilespmem:v4+s8+$0x0] =	vst.idx.add.f32.msk $0xffff, v3  }
0x2d1: {  	v4 =	vld.idx.msk [tilespmem:v0+s2+$0x0], $0xffff;
	_ =	sdelay $0x2  }
0x2d2: {  	v0 =	vld [tilespmem:$0x1FFC0];
	_ =	sdelay $0x1  }
0x2d3: {  	v4 =	vadd.s32 v1, v4;
	_ =	sdelay $0x4  }
0x2d4: {  	[tilespmem:v4+s8+$0x0] =	vst.idx.add.f32.msk $0xffff, v3  }
0x2d5: {  	v4 =	vld.idx.msk [tilespmem:v0+s2+$0x0], $0xffff;
	_ =	sdelay $0x2  }
0x2d6: {  	v0 =	vld [tilespmem:$0x1FFD0];
	_ =	sdelay $0x1  }
0x2d7: {  	v4 =	vadd.s32 v1, v4;
	_ =	sdelay $0x4  }
0x2d8: {  	[tilespmem:v4+s8+$0x0] =	vst.idx.add.f32.msk $0xffff, v3  }
0x2d9: {  	v4 =	vld.idx.msk [tilespmem:v0+s2+$0x0], $0xffff;
	_ =	sdelay $0x2  }
0x2da: {  	v0 =	vld [tilespmem:$0x1FFE0];
	_ =	sdelay $0x1  }
0x2db: {  	v4 =	vadd.s32 v1, v4;
	_ =	sdelay $0x4  }
0x2dc: {  	[tilespmem:v4+s8+$0x0] =	vst.idx.add.f32.msk $0xffff, v3  }
0x2dd: {  	v4 =	vld.idx.msk [tilespmem:v0+s2+$0x0], $0xffff;
	_ =	sdelay $0x2  }
0x2de: {  	v0 =	vld [tilespmem:$0x1FFF0];
	_ =	sdelay $0x1  }
0x2df: {  	v4 =	vadd.s32 v1, v4;
	_ =	sdelay $0x4  }
0x2e0: {  	[tilespmem:v4+s8+$0x0] =	vst.idx.add.f32.msk $0xffff, v3  }
0x2e1: {  	v4 =	vld.idx.msk [tilespmem:v0+s2+$0x0], $0xffff;
	_ =	sdelay $0x4  }
0x2e2: {  	v4 =	vadd.s32 v1, v4;
	_ =	sdelay $0x4  }
0x2e3: {  	[tilespmem:v4+s8+$0x0] =	vst.idx.add.f32.msk $0xffff, v3  }
0x2e4: {  	[tilespmem:s2], [sflag:$0x1] =	stream.linear.gather [hbm4b:s4+s2], $0x10000, $0x38;
	[tilespmem:$0x10480] =	vst v63  }
0x2e5: {  	_ =	swait.ge [sflag:s7], $0x10000  }
0x2e6: {  	[sflag:s7] =	ssyncset.done $0x0  }
0x2e7: {  	[sflag:s7] =	ssyncadd.s32 $0xFFFF0000  }
0x2e8: {  	v4 =	vld.idx.msk [tilespmem:v5+s2+$0x0], $0xffff;
	_ =	sdelay $0x4  }
0x2e9: {  	v4 =	vadd.s32 v1, v4;
	_ =	sdelay $0x4  }
0x2ea: {  	[tilespmem:v4+s8+$0x0] =	vst.idx.add.f32.msk $0xffff, v3  }
0x2eb: {  	v4 =	vld.idx.msk [tilespmem:v6+s2+$0x0], $0xffff;
	_ =	sdelay $0x4  }
0x2ec: {  	v4 =	vadd.s32 v1, v4;
	_ =	sdelay $0x4  }
0x2ed: {  	[tilespmem:v4+s8+$0x0] =	vst.idx.add.f32.msk $0xffff, v3  }
0x2ee: {  	v4 =	vld.idx.msk [tilespmem:v7+s2+$0x0], $0xffff;
	_ =	sdelay $0x4  }
0x2ef: {  	v4 =	vadd.s32 v1, v4;
	_ =	sdelay $0x4  }
0x2f0: {  	[tilespmem:v4+s8+$0x0] =	vst.idx.add.f32.msk $0xffff, v3  }
0x2f1: {  	v4 =	vld.idx.msk [tilespmem:v8+s2+$0x0], $0xffff;
	_ =	sdelay $0x4  }
0x2f2: {  	v4 =	vadd.s32 v1, v4;
	_ =	sdelay $0x4  }
0x2f3: {  	[tilespmem:v4+s8+$0x0] =	vst.idx.add.f32.msk $0xffff, v3  }
0x2f4: {  	v4 =	vld.idx.msk [tilespmem:v9+s2+$0x0], $0xffff;
	_ =	sdelay $0x4  }
0x2f5: {  	v4 =	vadd.s32 v1, v4;
	_ =	sdelay $0x4  }
0x2f6: {  	[tilespmem:v4+s8+$0x0] =	vst.idx.add.f32.msk $0xffff, v3  }
0x2f7: {  	v4 =	vld.idx.msk [tilespmem:v10+s2+$0x0], $0xffff;
	_ =	sdelay $0x4  }
0x2f8: {  	v4 =	vadd.s32 v1, v4;
	_ =	sdelay $0x4  }
0x2f9: {  	[tilespmem:v4+s8+$0x0] =	vst.idx.add.f32.msk $0xffff, v3  }
0x2fa: {  	v4 =	vld.idx.msk [tilespmem:v11+s2+$0x0], $0xffff;
	_ =	sdelay $0x4  }
0x2fb: {  	v4 =	vadd.s32 v1, v4;
	_ =	sdelay $0x4  }
0x2fc: {  	[tilespmem:v4+s8+$0x0] =	vst.idx.add.f32.msk $0xffff, v3  }
0x2fd: {  	v4 =	vld.idx.msk [tilespmem:v12+s2+$0x0], $0xffff;
	_ =	sdelay $0x4  }
0x2fe: {  	v4 =	vadd.s32 v1, v4;
	_ =	sdelay $0x4  }
0x2ff: {  	[tilespmem:v4+s8+$0x0] =	vst.idx.add.f32.msk $0xffff, v3  }
0x300: {  	v4 =	vld.idx.msk [tilespmem:v13+s2+$0x0], $0xffff;
	_ =	sdelay $0x4  }
0x301: {  	v4 =	vadd.s32 v1, v4;
	_ =	sdelay $0x4  }
0x302: {  	[tilespmem:v4+s8+$0x0] =	vst.idx.add.f32.msk $0xffff, v3  }
0x303: {  	v4 =	vld.idx.msk [tilespmem:v14+s2+$0x0], $0xffff;
	_ =	sdelay $0x4  }
0x304: {  	v4 =	vadd.s32 v1, v4;
	_ =	sdelay $0x4  }
0x305: {  	[tilespmem:v4+s8+$0x0] =	vst.idx.add.f32.msk $0xffff, v3  }
0x306: {  	v4 =	vld.idx.msk [tilespmem:v15+s2+$0x0], $0xffff;
	_ =	sdelay $0x4  }
0x307: {  	v4 =	vadd.s32 v1, v4;
	_ =	sdelay $0x4  }
0x308: {  	[tilespmem:v4+s8+$0x0] =	vst.idx.add.f32.msk $0xffff, v3  }
0x309: {  	v4 =	vld.idx.msk [tilespmem:v16+s2+$0x0], $0xffff;
	_ =	sdelay $0x4  }
0x30a: {  	v4 =	vadd.s32 v1, v4;
	_ =	sdelay $0x4  }
0x30b: {  	[tilespmem:v4+s8+$0x0] =	vst.idx.add.f32.msk $0xffff, v3  }
0x30c: {  	v4 =	vld.idx.msk [tilespmem:v17+s2+$0x0], $0xffff;
	_ =	sdelay $0x4  }
0x30d: {  	v4 =	vadd.s32 v1, v4;
	_ =	sdelay $0x4  }
0x30e: {  	[tilespmem:v4+s8+$0x0] =	vst.idx.add.f32.msk $0xffff, v3  }
0x30f: {  	v4 =	vld.idx.msk [tilespmem:v18+s2+$0x0], $0xffff;
	_ =	sdelay $0x4  }
0x310: {  	v4 =	vadd.s32 v1, v4;
	_ =	sdelay $0x4  }
0x311: {  	[tilespmem:v4+s8+$0x0] =	vst.idx.add.f32.msk $0xffff, v3  }
0x312: {  	v4 =	vld.idx.msk [tilespmem:v19+s2+$0x0], $0xffff;
	_ =	sdelay $0x4  }
0x313: {  	v4 =	vadd.s32 v1, v4;
	_ =	sdelay $0x4  }
0x314: {  	[tilespmem:v4+s8+$0x0] =	vst.idx.add.f32.msk $0xffff, v3  }
0x315: {  	v4 =	vld.idx.msk [tilespmem:v20+s2+$0x0], $0xffff;
	_ =	sdelay $0x4  }
0x316: {  	v4 =	vadd.s32 v1, v4;
	_ =	sdelay $0x4  }
0x317: {  	[tilespmem:v4+s8+$0x0] =	vst.idx.add.f32.msk $0xffff, v3  }
0x318: {  	v4 =	vld.idx.msk [tilespmem:v21+s2+$0x0], $0xffff;
	_ =	sdelay $0x4  }
0x319: {  	v4 =	vadd.s32 v1, v4;
	_ =	sdelay $0x4  }
0x31a: {  	[tilespmem:v4+s8+$0x0] =	vst.idx.add.f32.msk $0xffff, v3  }
0x31b: {  	v4 =	vld.idx.msk [tilespmem:v22+s2+$0x0], $0xffff;
	_ =	sdelay $0x4  }
0x31c: {  	v4 =	vadd.s32 v1, v4;
	_ =	sdelay $0x4  }
0x31d: {  	[tilespmem:v4+s8+$0x0] =	vst.idx.add.f32.msk $0xffff, v3  }
0x31e: {  	v4 =	vld.idx.msk [tilespmem:v23+s2+$0x0], $0xffff;
	_ =	sdelay $0x4  }
0x31f: {  	v4 =	vadd.s32 v1, v4;
	_ =	sdelay $0x4  }
0x320: {  	[tilespmem:v4+s8+$0x0] =	vst.idx.add.f32.msk $0xffff, v3  }
0x321: {  	v4 =	vld.idx.msk [tilespmem:v24+s2+$0x0], $0xffff;
	_ =	sdelay $0x4  }
0x322: {  	v4 =	vadd.s32 v1, v4;
	_ =	sdelay $0x4  }
0x323: {  	[tilespmem:v4+s8+$0x0] =	vst.idx.add.f32.msk $0xffff, v3  }
0x324: {  	v4 =	vld.idx.msk [tilespmem:v25+s2+$0x0], $0xffff;
	_ =	sdelay $0x4  }
0x325: {  	v4 =	vadd.s32 v1, v4;
	_ =	sdelay $0x4  }
0x326: {  	[tilespmem:v4+s8+$0x0] =	vst.idx.add.f32.msk $0xffff, v3  }
0x327: {  	v4 =	vld.idx.msk [tilespmem:v26+s2+$0x0], $0xffff;
	_ =	sdelay $0x4  }
0x328: {  	v4 =	vadd.s32 v1, v4;
	_ =	sdelay $0x4  }
0x329: {  	[tilespmem:v4+s8+$0x0] =	vst.idx.add.f32.msk $0xffff, v3  }
0x32a: {  	v4 =	vld.idx.msk [tilespmem:v27+s2+$0x0], $0xffff;
	_ =	sdelay $0x4  }
0x32b: {  	v4 =	vadd.s32 v1, v4;
	_ =	sdelay $0x4  }
0x32c: {  	[tilespmem:v4+s8+$0x0] =	vst.idx.add.f32.msk $0xffff, v3  }
0x32d: {  	v4 =	vld.idx.msk [tilespmem:v28+s2+$0x0], $0xffff;
	_ =	sdelay $0x4  }
0x32e: {  	v4 =	vadd.s32 v1, v4;
	_ =	sdelay $0x4  }
0x32f: {  	[tilespmem:v4+s8+$0x0] =	vst.idx.add.f32.msk $0xffff, v3  }
0x330: {  	v4 =	vld.idx.msk [tilespmem:v29+s2+$0x0], $0xffff;
	_ =	sdelay $0x4  }
0x331: {  	v4 =	vadd.s32 v1, v4;
	_ =	sdelay $0x4  }
0x332: {  	[tilespmem:v4+s8+$0x0] =	vst.idx.add.f32.msk $0xffff, v3  }
0x333: {  	v4 =	vld.idx.msk [tilespmem:v30+s2+$0x0], $0xffff;
	_ =	sdelay $0x4  }
0x334: {  	v4 =	vadd.s32 v1, v4;
	_ =	sdelay $0x4  }
0x335: {  	[tilespmem:v4+s8+$0x0] =	vst.idx.add.f32.msk $0xffff, v3  }
0x336: {  	v4 =	vld.idx.msk [tilespmem:v31+s2+$0x0], $0xffff;
	_ =	sdelay $0x4  }
0x337: {  	v4 =	vadd.s32 v1, v4;
	_ =	sdelay $0x4  }
0x338: {  	[tilespmem:v4+s8+$0x0] =	vst.idx.add.f32.msk $0xffff, v3  }
0x339: {  	v4 =	vld.idx.msk [tilespmem:v32+s2+$0x0], $0xffff;
	_ =	sdelay $0x4  }
0x33a: {  	v4 =	vadd.s32 v1, v4;
	_ =	sdelay $0x4  }
0x33b: {  	[tilespmem:v4+s8+$0x0] =	vst.idx.add.f32.msk $0xffff, v3  }
0x33c: {  	v4 =	vld.idx.msk [tilespmem:v33+s2+$0x0], $0xffff;
	_ =	sdelay $0x4  }
0x33d: {  	v4 =	vadd.s32 v1, v4;
	_ =	sdelay $0x4  }
0x33e: {  	[tilespmem:v4+s8+$0x0] =	vst.idx.add.f32.msk $0xffff, v3  }
0x33f: {  	v4 =	vld.idx.msk [tilespmem:v34+s2+$0x0], $0xffff;
	_ =	sdelay $0x4  }
0x340: {  	v4 =	vadd.s32 v1, v4;
	_ =	sdelay $0x4  }
0x341: {  	[tilespmem:v4+s8+$0x0] =	vst.idx.add.f32.msk $0xffff, v3  }
0x342: {  	v4 =	vld.idx.msk [tilespmem:v35+s2+$0x0], $0xffff;
	_ =	sdelay $0x4  }
0x343: {  	v4 =	vadd.s32 v1, v4;
	_ =	sdelay $0x4  }
0x344: {  	[tilespmem:v4+s8+$0x0] =	vst.idx.add.f32.msk $0xffff, v3  }
0x345: {  	v4 =	vld.idx.msk [tilespmem:v36+s2+$0x0], $0xffff;
	_ =	sdelay $0x4  }
0x346: {  	v4 =	vadd.s32 v1, v4;
	_ =	sdelay $0x4  }
0x347: {  	[tilespmem:v4+s8+$0x0] =	vst.idx.add.f32.msk $0xffff, v3  }
0x348: {  	v4 =	vld.idx.msk [tilespmem:v37+s2+$0x0], $0xffff;
	_ =	sdelay $0x4  }
0x349: {  	v4 =	vadd.s32 v1, v4;
	_ =	sdelay $0x4  }
0x34a: {  	[tilespmem:v4+s8+$0x0] =	vst.idx.add.f32.msk $0xffff, v3  }
0x34b: {  	v4 =	vld.idx.msk [tilespmem:v38+s2+$0x0], $0xffff;
	_ =	sdelay $0x4  }
0x34c: {  	v4 =	vadd.s32 v1, v4;
	_ =	sdelay $0x4  }
0x34d: {  	[tilespmem:v4+s8+$0x0] =	vst.idx.add.f32.msk $0xffff, v3  }
0x34e: {  	v4 =	vld.idx.msk [tilespmem:v39+s2+$0x0], $0xffff;
	_ =	sdelay $0x4  }
0x34f: {  	v4 =	vadd.s32 v1, v4;
	_ =	sdelay $0x4  }
0x350: {  	[tilespmem:v4+s8+$0x0] =	vst.idx.add.f32.msk $0xffff, v3  }
0x351: {  	v4 =	vld.idx.msk [tilespmem:v40+s2+$0x0], $0xffff;
	_ =	sdelay $0x4  }
0x352: {  	v4 =	vadd.s32 v1, v4;
	_ =	sdelay $0x4  }
0x353: {  	[tilespmem:v4+s8+$0x0] =	vst.idx.add.f32.msk $0xffff, v3  }
0x354: {  	v4 =	vld.idx.msk [tilespmem:v41+s2+$0x0], $0xffff;
	_ =	sdelay $0x4  }
0x355: {  	v4 =	vadd.s32 v1, v4;
	_ =	sdelay $0x4  }
0x356: {  	[tilespmem:v4+s8+$0x0] =	vst.idx.add.f32.msk $0xffff, v3  }
0x357: {  	v4 =	vld.idx.msk [tilespmem:v42+s2+$0x0], $0xffff;
	_ =	sdelay $0x4  }
0x358: {  	v4 =	vadd.s32 v1, v4;
	_ =	sdelay $0x4  }
0x359: {  	[tilespmem:v4+s8+$0x0] =	vst.idx.add.f32.msk $0xffff, v3  }
0x35a: {  	v4 =	vld.idx.msk [tilespmem:v43+s2+$0x0], $0xffff;
	_ =	sdelay $0x4  }
0x35b: {  	v4 =	vadd.s32 v1, v4;
	_ =	sdelay $0x4  }
0x35c: {  	[tilespmem:v4+s8+$0x0] =	vst.idx.add.f32.msk $0xffff, v3  }
0x35d: {  	v4 =	vld.idx.msk [tilespmem:v44+s2+$0x0], $0xffff;
	_ =	sdelay $0x4  }
0x35e: {  	v4 =	vadd.s32 v1, v4;
	_ =	sdelay $0x4  }
0x35f: {  	[tilespmem:v4+s8+$0x0] =	vst.idx.add.f32.msk $0xffff, v3  }
0x360: {  	v4 =	vld.idx.msk [tilespmem:v45+s2+$0x0], $0xffff;
	_ =	sdelay $0x4  }
0x361: {  	v4 =	vadd.s32 v1, v4;
	_ =	sdelay $0x4  }
0x362: {  	[tilespmem:v4+s8+$0x0] =	vst.idx.add.f32.msk $0xffff, v3  }
0x363: {  	v4 =	vld.idx.msk [tilespmem:v46+s2+$0x0], $0xffff;
	_ =	sdelay $0x4  }
0x364: {  	v4 =	vadd.s32 v1, v4;
	_ =	sdelay $0x4  }
0x365: {  	[tilespmem:v4+s8+$0x0] =	vst.idx.add.f32.msk $0xffff, v3  }
0x366: {  	v4 =	vld.idx.msk [tilespmem:v47+s2+$0x0], $0xffff;
	_ =	sdelay $0x4  }
0x367: {  	v4 =	vadd.s32 v1, v4;
	_ =	sdelay $0x4  }
0x368: {  	[tilespmem:v4+s8+$0x0] =	vst.idx.add.f32.msk $0xffff, v3  }
0x369: {  	v4 =	vld.idx.msk [tilespmem:v48+s2+$0x0], $0xffff;
	_ =	sdelay $0x4  }
0x36a: {  	v4 =	vadd.s32 v1, v4;
	_ =	sdelay $0x4  }
0x36b: {  	[tilespmem:v4+s8+$0x0] =	vst.idx.add.f32.msk $0xffff, v3  }
0x36c: {  	v4 =	vld.idx.msk [tilespmem:v49+s2+$0x0], $0xffff;
	_ =	sdelay $0x4  }
0x36d: {  	v4 =	vadd.s32 v1, v4;
	_ =	sdelay $0x4  }
0x36e: {  	[tilespmem:v4+s8+$0x0] =	vst.idx.add.f32.msk $0xffff, v3  }
0x36f: {  	v4 =	vld.idx.msk [tilespmem:v50+s2+$0x0], $0xffff;
	_ =	sdelay $0x4  }
0x370: {  	v4 =	vadd.s32 v1, v4;
	_ =	sdelay $0x4  }
0x371: {  	[tilespmem:v4+s8+$0x0] =	vst.idx.add.f32.msk $0xffff, v3  }
0x372: {  	v4 =	vld.idx.msk [tilespmem:v51+s2+$0x0], $0xffff;
	_ =	sdelay $0x4  }
0x373: {  	v4 =	vadd.s32 v1, v4;
	_ =	sdelay $0x4  }
0x374: {  	[tilespmem:v4+s8+$0x0] =	vst.idx.add.f32.msk $0xffff, v3  }
0x375: {  	v4 =	vld.idx.msk [tilespmem:v52+s2+$0x0], $0xffff;
	_ =	sdelay $0x4  }
0x376: {  	v4 =	vadd.s32 v1, v4;
	_ =	sdelay $0x4  }
0x377: {  	[tilespmem:v4+s8+$0x0] =	vst.idx.add.f32.msk $0xffff, v3  }
0x378: {  	v4 =	vld.idx.msk [tilespmem:v53+s2+$0x0], $0xffff;
	_ =	sdelay $0x4  }
0x379: {  	v4 =	vadd.s32 v1, v4;
	_ =	sdelay $0x4  }
0x37a: {  	[tilespmem:v4+s8+$0x0] =	vst.idx.add.f32.msk $0xffff, v3  }
0x37b: {  	v4 =	vld.idx.msk [tilespmem:v54+s2+$0x0], $0xffff;
	_ =	sdelay $0x4  }
0x37c: {  	v4 =	vadd.s32 v1, v4;
	_ =	sdelay $0x4  }
0x37d: {  	[tilespmem:v4+s8+$0x0] =	vst.idx.add.f32.msk $0xffff, v3  }
0x37e: {  	v4 =	vld.idx.msk [tilespmem:v55+s2+$0x0], $0xffff;
	_ =	sdelay $0x4  }
0x37f: {  	v4 =	vadd.s32 v1, v4;
	_ =	sdelay $0x4  }
0x380: {  	[tilespmem:v4+s8+$0x0] =	vst.idx.add.f32.msk $0xffff, v3  }
0x381: {  	v4 =	vld.idx.msk [tilespmem:v56+s2+$0x0], $0xffff;
	_ =	sdelay $0x4  }
0x382: {  	v4 =	vadd.s32 v1, v4;
	_ =	sdelay $0x4  }
0x383: {  	[tilespmem:v4+s8+$0x0] =	vst.idx.add.f32.msk $0xffff, v3  }
0x384: {  	v4 =	vld.idx.msk [tilespmem:v57+s2+$0x0], $0xffff;
	_ =	sdelay $0x4  }
0x385: {  	v4 =	vadd.s32 v1, v4;
	_ =	sdelay $0x4  }
0x386: {  	[tilespmem:v4+s8+$0x0] =	vst.idx.add.f32.msk $0xffff, v3  }
0x387: {  	v4 =	vld.idx.msk [tilespmem:v58+s2+$0x0], $0xffff;
	_ =	sdelay $0x4  }
0x388: {  	v4 =	vadd.s32 v1, v4;
	_ =	sdelay $0x4  }
0x389: {  	[tilespmem:v4+s8+$0x0] =	vst.idx.add.f32.msk $0xffff, v3  }
0x38a: {  	v4 =	vld.idx.msk [tilespmem:v59+s2+$0x0], $0xffff;
	_ =	sdelay $0x4  }
0x38b: {  	v4 =	vadd.s32 v1, v4;
	_ =	sdelay $0x4  }
0x38c: {  	[tilespmem:v4+s8+$0x0] =	vst.idx.add.f32.msk $0xffff, v3  }
0x38d: {  	v4 =	vld.idx.msk [tilespmem:v60+s2+$0x0], $0xffff;
	_ =	sdelay $0x4  }
0x38e: {  	v4 =	vadd.s32 v1, v4;
	_ =	sdelay $0x4  }
0x38f: {  	[tilespmem:v4+s8+$0x0] =	vst.idx.add.f32.msk $0xffff, v3  }
0x390: {  	v4 =	vld.idx.msk [tilespmem:v61+s2+$0x0], $0xffff;
	_ =	sdelay $0x4  }
0x391: {  	v4 =	vadd.s32 v1, v4;
	_ =	sdelay $0x4  }
0x392: {  	[tilespmem:v4+s8+$0x0] =	vst.idx.add.f32.msk $0xffff, v3  }
0x393: {  	v4 =	vld.idx.msk [tilespmem:v62+s2+$0x0], $0xffff;
	_ =	sdelay $0x4  }
0x394: {  	v4 =	vadd.s32 v1, v4;
	_ =	sdelay $0x4  }
0x395: {  	[tilespmem:v4+s8+$0x0] =	vst.idx.add.f32.msk $0xffff, v3  }
0x396: {  	v4 =	vld.idx.msk [tilespmem:v63+s2+$0x0], $0xffff;
	_ =	sdelay $0x4  }
0x397: {  	v4 =	vadd.s32 v1, v4;
	_ =	sdelay $0x4  }
0x398: {  	[tilespmem:v4+s8+$0x0] =	vst.idx.add.f32.msk $0xffff, v3  }
0x399: {  	v4 =	vld [tilespmem:$0x1FFB0];
	_ =	sdelay $0x7  }
0x39a: {  	v4 =	vld.idx.msk [tilespmem:v4+s2+$0x0], $0xffff;
	_ =	sdelay $0x4  }
0x39b: {  	v4 =	vadd.s32 v1, v4;
	_ =	sdelay $0x4  }
0x39c: {  	[tilespmem:v4+s8+$0x0] =	vst.idx.add.f32.msk $0xffff, v3  }
0x39d: {  	v4 =	vld [tilespmem:$0x1FFC0];
	_ =	sdelay $0x7  }
0x39e: {  	v4 =	vld.idx.msk [tilespmem:v4+s2+$0x0], $0xffff;
	_ =	sdelay $0x4  }
0x39f: {  	v4 =	vadd.s32 v1, v4;
	_ =	sdelay $0x4  }
0x3a0: {  	[tilespmem:v4+s8+$0x0] =	vst.idx.add.f32.msk $0xffff, v3  }
0x3a1: {  	v4 =	vld [tilespmem:$0x1FFD0];
	_ =	sdelay $0x7  }
0x3a2: {  	v4 =	vld.idx.msk [tilespmem:v4+s2+$0x0], $0xffff;
	_ =	sdelay $0x4  }
0x3a3: {  	v4 =	vadd.s32 v1, v4;
	_ =	sdelay $0x4  }
0x3a4: {  	[tilespmem:v4+s8+$0x0] =	vst.idx.add.f32.msk $0xffff, v3  }
0x3a5: {  	v4 =	vld [tilespmem:$0x1FFE0];
	_ =	sdelay $0x7  }
0x3a6: {  	v4 =	vld.idx.msk [tilespmem:v4+s2+$0x0], $0xffff;
	_ =	sdelay $0x4  }
0x3a7: {  	v4 =	vadd.s32 v1, v4;
	_ =	sdelay $0x4  }
0x3a8: {  	[tilespmem:v4+s8+$0x0] =	vst.idx.add.f32.msk $0xffff, v3  }
0x3a9: {  	v4 =	vld.idx.msk [tilespmem:v0+s2+$0x0], $0xffff;
	_ =	sdelay $0x4  }
0x3aa: {  	v4 =	vadd.s32 v1, v4;
	_ =	sdelay $0x4  }
0x3ab: {  	[tilespmem:v4+s8+$0x0] =	vst.idx.add.f32.msk $0xffff, v3  }
0x3ac: {  	v4 =	vld [tilespmem:$0x10000]  }
0x3ad: {  	v5 =	vld [tilespmem:$0x10040]  }
0x3ae: {  	v63 =	vld [tilespmem:$0x10080]  }
0x3af: {  	v7 =	vld [tilespmem:$0x100C0]  }
0x3b0: {  	v8 =	vld [tilespmem:$0x10100]  }
0x3b1: {  	v9 =	vld [tilespmem:$0x10140]  }
0x3b2: {  	v10 =	vld [tilespmem:$0x10180]  }
0x3b3: {  	v11 =	vld [tilespmem:$0x101C0]  }
0x3b4: {  	v12 =	vld [tilespmem:$0x10200]  }
0x3b5: {  	v13 =	vld [tilespmem:$0x10240]  }
0x3b6: {  	v14 =	vld [tilespmem:$0x10280]  }
0x3b7: {  	v15 =	vld [tilespmem:$0x102C0]  }
0x3b8: {  	v16 =	vld [tilespmem:$0x10300]  }
0x3b9: {  	v17 =	vld [tilespmem:$0x10340]  }
0x3ba: {  	v18 =	vld [tilespmem:$0x10380]  }
0x3bb: {  	v19 =	vld [tilespmem:$0x103C0]  }
0x3bc: {  	v44 =	vld [tilespmem:$0x10010]  }
0x3bd: {  	v45 =	vld [tilespmem:$0x10050]  }
0x3be: {  	v46 =	vld [tilespmem:$0x10090]  }
0x3bf: {  	v47 =	vld [tilespmem:$0x100D0]  }
0x3c0: {  	v48 =	vld [tilespmem:$0x10110]  }
0x3c1: {  	v49 =	vld [tilespmem:$0x10150]  }
0x3c2: {  	v50 =	vld [tilespmem:$0x10190]  }
0x3c3: {  	v51 =	vld [tilespmem:$0x101D0]  }
0x3c4: {  	v52 =	vld [tilespmem:$0x10210]  }
0x3c5: {  	v53 =	vld [tilespmem:$0x10250]  }
0x3c6: {  	v30 =	vld [tilespmem:$0x10290]  }
0x3c7: {  	v31 =	vld [tilespmem:$0x102D0]  }
0x3c8: {  	v32 =	vld [tilespmem:$0x10310]  }
0x3c9: {  	v33 =	vld [tilespmem:$0x10350]  }
0x3ca: {  	v34 =	vld [tilespmem:$0x10390]  }
0x3cb: {  	v35 =	vld [tilespmem:$0x103D0]  }
0x3cc: {  	v54 =	vld [tilespmem:$0x10020]  }
0x3cd: {  	v55 =	vld [tilespmem:$0x10030]  }
0x3ce: {  	v56 =	vld [tilespmem:$0x10060]  }
0x3cf: {  	v57 =	vld [tilespmem:$0x10070];
	v4 =	vadd.f32 $0.0e+00, v4  }
0x3d0: {  	v58 =	vld [tilespmem:$0x100A0];
	v20 =	vadd.f32 $0.0e+00, v44  }
0x3d1: {  	v59 =	vld [tilespmem:$0x100B0];
	v4 =	vadd.f32 v5, v4;
	v5 =	vadd.f32 $0.0e+00, v54  }
0x3d2: {  	v60 =	vld [tilespmem:$0x100E0];
	v37 =	vadd.f32 $0.0e+00, v55;
	v20 =	vadd.f32 v45, v20  }
0x3d3: {  	v61 =	vld [tilespmem:$0x100F0];
	v4 =	vadd.f32 v63, v4;
	v5 =	vadd.f32 v56, v5  }
0x3d4: {  	v62 =	vadd.f32 v57, v37;
	v20 =	vadd.f32 v46, v20;
	v63 =	vld [tilespmem:$0x10120]  }
0x3d5: {  	v39 =	vld [tilespmem:$0x10130];
	v4 =	vadd.f32 v7, v4;
	v5 =	vadd.f32 v58, v5  }
0x3d6: {  	v40 =	vld [tilespmem:$0x10160];
	v22 =	vadd.f32 v59, v62;
	v20 =	vadd.f32 v47, v20  }
0x3d7: {  	v41 =	vld [tilespmem:$0x10170];
	v4 =	vadd.f32 v8, v4;
	v5 =	vadd.f32 v60, v5  }
0x3d8: {  	v42 =	vld [tilespmem:$0x101A0];
	v6 =	vadd.f32 v61, v22;
	v20 =	vadd.f32 v48, v20  }
0x3d9: {  	v43 =	vld [tilespmem:$0x101B0];
	v4 =	vadd.f32 v9, v4;
	v5 =	vadd.f32 v63, v5  }
0x3da: {  	v44 =	vld [tilespmem:$0x101E0];
	v6 =	vadd.f32 v39, v6;
	v20 =	vadd.f32 v49, v20  }
0x3db: {  	v45 =	vld [tilespmem:$0x101F0];
	v4 =	vadd.f32 v10, v4;
	v5 =	vadd.f32 v40, v5  }
0x3dc: {  	v46 =	vld [tilespmem:$0x10220];
	v6 =	vadd.f32 v41, v6;
	v20 =	vadd.f32 v50, v20  }
0x3dd: {  	v47 =	vld [tilespmem:$0x10230];
	v4 =	vadd.f32 v11, v4;
	v5 =	vadd.f32 v42, v5  }
0x3de: {  	v48 =	vld [tilespmem:$0x10260];
	v6 =	vadd.f32 v43, v6;
	v20 =	vadd.f32 v51, v20  }
0x3df: {  	v49 =	vld [tilespmem:$0x10270];
	v4 =	vadd.f32 v12, v4;
	v5 =	vadd.f32 v44, v5  }
0x3e0: {  	v6 =	vadd.f32 v45, v6;
	v51 =	vld [tilespmem:$0x102A0];
	v50 =	vadd.f32 v52, v20  }
0x3e1: {  	v52 =	vld [tilespmem:$0x102B0];
	v4 =	vadd.f32 v13, v4;
	v5 =	vadd.f32 v46, v5  }
0x3e2: {  	v6 =	vadd.f32 v47, v6;
	v12 =	vadd.f32 v53, v50;
	v53 =	vld [tilespmem:$0x102E0]  }
0x3e3: {  	v54 =	vld [tilespmem:$0x102F0];
	v4 =	vadd.f32 v14, v4;
	v5 =	vadd.f32 v48, v5  }
0x3e4: {  	v55 =	vld [tilespmem:$0x10320];
	v6 =	vadd.f32 v49, v6;
	v12 =	vadd.f32 v30, v12  }
0x3e5: {  	v56 =	vld [tilespmem:$0x10330];
	v4 =	vadd.f32 v15, v4;
	v5 =	vadd.f32 v51, v5  }
0x3e6: {  	v57 =	vld [tilespmem:$0x10360];
	v6 =	vadd.f32 v52, v6;
	v12 =	vadd.f32 v31, v12  }
0x3e7: {  	v58 =	vld [tilespmem:$0x10370];
	v4 =	vadd.f32 v16, v4;
	v5 =	vadd.f32 v53, v5  }
0x3e8: {  	v59 =	vld [tilespmem:$0x103A0];
	v6 =	vadd.f32 v54, v6;
	v12 =	vadd.f32 v32, v12  }
0x3e9: {  	v60 =	vld [tilespmem:$0x103B0];
	v4 =	vadd.f32 v17, v4;
	v5 =	vadd.f32 v55, v5  }
0x3ea: {  	v61 =	vld [tilespmem:$0x103E0];
	v6 =	vadd.f32 v56, v6;
	v12 =	vadd.f32 v33, v12  }
0x3eb: {  	v62 =	vld [tilespmem:$0x103F0];
	v4 =	vadd.f32 v18, v4;
	v5 =	vadd.f32 v57, v5  }
0x3ec: {  	v6 =	vadd.f32 v58, v6;
	v12 =	vadd.f32 v34, v12  }
0x3ed: {  	v4 =	vadd.f32 v19, v4;
	v5 =	vadd.f32 v59, v5  }
0x3ee: {  	v6 =	vadd.f32 v60, v6;
	v63 =	vadd.f32 v35, v12  }
0x3ef: {  	[tilespmem:$0x10400] =	vst v4;
	v4 =	vadd.f32 v61, v5  }
0x3f0: {  	[tilespmem:$0x10410] =	vst v63;
	v5 =	vadd.f32 v62, v6  }
0x3f1: {  	p0 =	sne.s32 s6, $0x1;
	[tilespmem:$0x10420] =	vst v4  }
.Ltmp0:
0x3f2: {  	[tilespmem:$0x10430] =	vst v5;
	(pc) =	sbr.rel @p0 .LBB2_1-.Ltmp0, $4  }
0x3f3: {  	[hbm4b:s5+s2] =	stream.linear.scatter [tilespmem:s9], [sflag:$0x1], $0x80, $0x38;
	[tilespmem:$0x10480] =	vst v63  }
0x3f4: {  	_ =	swait.ge [sflag:s7], $0x80  }
0x3f5: {  	[sflag:s7] =	ssyncset.done $0x0  }
0x3f6: {  	s6 =	sadd.s32 $0xFFFFFFFF, s6;
	[sflag:s7] =	ssyncadd.s32 $0xFFFFFF80  }
0x3f7: {  	_ =	sfence.sel $0x180000  }
0x3f8: {  	[bflag:$0x0] =	sbarrier.arrive $0xFFFF  }
0x3f9: {  	p0 =	sne.s32 s1, $0x0;
	_ =	strace $0x90000047  }
0x3fa: {  	s0 =	sadd.s32 @!p0 $0x100000, s0;
	[bflag:$0x2] =	sbarrier.arrive $0xFFFF  }
0x3fb: {  	[sflag:s0] =	ssyncadd.tile.s32 @!p0 $0x1;
	_ =	shalt  }
.Lfunc_end2:
_tile_overlayer_lowered:
.L_overlay_start_2:
0x3fc: {  	(tag) =	ssettag $0x2  }
0x3fd: {  	s0 =	rddreg [dreg:$0x0];
	s2 =	stileid.u32  }
0x3fe: {  	s1 =	rddreg [dreg:$0x1];
	p0 =	sne.s32 s2, $0x0  }
0x3ff: {  	s3 =	rddreg [dreg:$0x2];
	[bflag:$0x3] =	sbarrier.arrive $0xFFFF;
	s2 =	simm.s32 @!p0 $0x1C01  }
0x400: {  	[timem:s3], [sflag:s2] =	dma.local @!p0 [hbm:s0], s1  }
0x401: {  	s0 =	simm.s32 @!p0 $0x1  }
0x402: {  	_ =	swait.ge @!p0 [sflag:s0], s1  }
0x403: {  	s1 =	ssub.s32 @!p0 $0x0, s1;
	[sflag:s0] =	ssyncset.done @!p0 $0x0  }
0x404: {  	[sflag:s0] =	ssyncadd.s32 @!p0 s1  }
0x405: {  	[bflag:$0x3] =	sbarrier.arrive $0xFFFF  }
0x406: {  	_ =	shalt  }

</sc_bundles>
